<compile_context>
chip_gen: v7x
topology: tpu7x:2x2x1
jax: 0.10.2.dev20260603
libtpu: 0.0.44.dev20260713+nightly
codegen_flags: <defaults>
</compile_context>

<pallas_src>
import functools

import jax
import jax.numpy as jnp
from jax import lax
from jax.experimental import pallas as pl
from jax.experimental.pallas import tpu as pltpu
from jax.experimental.pallas import tpu_sc as plsc

N_NODES = 100000
N_EDGES = 6400000
N_PAD = 100352
NC, NS = 2, 16
NW = NC * NS
EDGES_PER_W = N_EDGES // NW
CHUNK = 4000
N_CHUNKS = EDGES_PER_W // CHUNK
UNROLL = 4
T_OUT = (N_CHUNKS - 2) // UNROLL
NLSET = 4
NGSET = 2
VEC = 16
SLICE = N_PAD // NS

TWO_PI = 6.283185307179586
PI = 3.141592653589793

_SIN_C = (0.99998456, -0.1666326, 0.0083123855, -0.00019316231, 2.173236e-06)
_COS_C = (0.99999946, -0.4999956, 0.04166103, -0.0013862747, 2.4253186e-05,
          -2.2193922e-07)


def _sin_poly(u):
    z = u * u
    p = _SIN_C[4]
    for c in (_SIN_C[3], _SIN_C[2], _SIN_C[1], _SIN_C[0]):
        p = p * z + c
    return p * u


def _cos_poly(u):
    z = u * u
    p = _COS_C[5]
    for c in (_COS_C[4], _COS_C[3], _COS_C[2], _COS_C[1], _COS_C[0]):
        p = p * z + c
    return p


_MESH = plsc.VectorSubcoreMesh(
    core_axis_name="c", subcore_axis_name="s", num_cores=NC, num_subcores=NS)

_LSCRATCH = [pltpu.VMEM((CHUNK,), jnp.int32)
             for _ in range(3 * NLSET)]
_GSCRATCH = ([pltpu.VMEM((CHUNK,), jnp.int32)
              for _ in range(2 * NGSET)]
             + [pltpu.VMEM((CHUNK,), jnp.float32)
                for _ in range(2 * NGSET)])


@functools.partial(
    pl.kernel,
    out_type=jax.ShapeDtypeStruct((NC * 2 * N_PAD,), jnp.float32),
    mesh=_MESH,
    compiler_params=pltpu.CompilerParams(needs_layout_passes=False),
    scratch_types=[
        pltpu.VMEM_SHARED((N_PAD,), jnp.int32),
        pltpu.VMEM_SHARED((N_PAD,), jnp.float32),
        pltpu.VMEM_SHARED((N_PAD,), jnp.float32),
    ] + _LSCRATCH + _GSCRATCH + [
        pltpu.SemaphoreType.DMA,
        pltpu.SemaphoreType.DMA,
        pltpu.SemaphoreType.DMA,
        pltpu.SemaphoreType.DMA,
        pltpu.SemaphoreType.DMA,
        pltpu.SemaphoreType.DMA,
    ],
)
def _edge_kernel(thv_hbm, edges_hbm, ab_hbm, zeros_hbm, acc_hbm,
                 thv_sp, acca_sp, accr_sp, *bufs):
    lbufs = bufs[:3 * NLSET]
    gbufs = bufs[3 * NLSET:3 * NLSET + 4 * NGSET]
    sems = bufs[3 * NLSET + 4 * NGSET:]
    lsems = sems[:NLSET]
    gsem, ssem = sems[NLSET:]
    fidx = [lbufs[3 * k + 0] for k in range(NLSET)]
    tidx = [lbufs[3 * k + 1] for k in range(NLSET)]
    abuf = [lbufs[3 * k + 2] for k in range(NLSET)]
    thvf = [gbufs[2 * k + 0] for k in range(NGSET)]
    thvt = [gbufs[2 * k + 1] for k in range(NGSET)]
    act_b = [gbufs[2 * NGSET + 2 * k + 0] for k in range(NGSET)]
    rea_b = [gbufs[2 * NGSET + 2 * k + 1] for k in range(NGSET)]

    c = lax.axis_index("c")
    s = lax.axis_index("s")
    w = s * NC + c
    off = s * SLICE

    pltpu.sync_copy(thv_hbm.at[pl.ds(off, SLICE)], thv_sp.at[pl.ds(off, SLICE)])
    pltpu.sync_copy(zeros_hbm.at[pl.ds(off, SLICE)],
                    acca_sp.at[pl.ds(off, SLICE)])
    pltpu.sync_copy(zeros_hbm.at[pl.ds(off, SLICE)],
                    accr_sp.at[pl.ds(off, SLICE)])
    plsc.subcore_barrier()

    base = w * EDGES_PER_W

    def issue_loads(i, k):
        eb = base + i * CHUNK
        pltpu.async_copy(edges_hbm.at[pl.ds(eb, CHUNK)], fidx[k], lsems[k])
        pltpu.async_copy(edges_hbm.at[pl.ds(N_EDGES + eb, CHUNK)],
                         tidx[k], lsems[k])
        pltpu.async_copy(ab_hbm.at[pl.ds(eb, CHUNK)], abuf[k], lsems[k])

    def wait_loads(i, k):
        eb = base + i * CHUNK
        pltpu.make_async_copy(edges_hbm.at[pl.ds(eb, CHUNK)], fidx[k],
                              lsems[k]).wait()
        pltpu.make_async_copy(edges_hbm.at[pl.ds(N_EDGES + eb, CHUNK)],
                              tidx[k], lsems[k]).wait()
        pltpu.make_async_copy(ab_hbm.at[pl.ds(eb, CHUNK)], abuf[k],
                              lsems[k]).wait()

    def issue_gathers(k, g):
        pltpu.async_copy(thv_sp.at[fidx[k]], thvf[g], gsem)
        pltpu.async_copy(thv_sp.at[tidx[k]], thvt[g], gsem)

    def wait_gathers(k, g):
        pltpu.make_async_copy(thv_sp.at[fidx[k]], thvf[g], gsem).wait()
        pltpu.make_async_copy(thv_sp.at[tidx[k]], thvt[g], gsem).wait()

    def issue_scatters(k, g):
        pltpu.async_copy(act_b[g], acca_sp.at[fidx[k]], ssem, add=True)
        pltpu.async_copy(rea_b[g], accr_sp.at[fidx[k]], ssem, add=True)

    def wait_scatters(k, g):
        pltpu.make_async_copy(act_b[g], acca_sp.at[fidx[k]], ssem).wait()
        pltpu.make_async_copy(rea_b[g], accr_sp.at[fidx[k]], ssem).wait()

    def compute(k, g):
        def vec_body(j, carry2):
            sl = pl.ds(j * VEC, VEC)
            th_f, v_f = plsc.unpack(
                plsc.bitcast(thvf[g][sl], jnp.bfloat16),
                format=plsc.PackFormat.INTERLEAVED)
            th_t, v_t = plsc.unpack(
                plsc.bitcast(thvt[g][sl], jnp.bfloat16),
                format=plsc.PackFormat.INTERLEAVED)
            g_a, b_a = plsc.unpack(
                plsc.bitcast(abuf[k][sl], jnp.bfloat16),
                format=plsc.PackFormat.INTERLEAVED)
            d = jnp.abs(th_f - th_t)
            u = lax.rem(d, TWO_PI) - PI
            sd = -_sin_poly(u)
            cd = -_cos_poly(u)
            av = jnp.abs(v_f * v_t)
            act_b[g][sl] = av * (g_a * cd + b_a * sd)
            rea_b[g][sl] = av * (g_a * sd - b_a * cd)
            return carry2

        lax.fori_loop(0, CHUNK // VEC, vec_body, 0)

    issue_loads(0, 0)
    issue_loads(1, 1)
    issue_loads(2, 2)
    wait_loads(0, 0)
    issue_gathers(0, 0)

    def outer_body(t, carry):
        for p in range(UNROLL):
            i = UNROLL * t + p
            kp1 = (p + 1) % NLSET
            kp3 = (p + 3) % NLSET
            k = p % NLSET
            g = p % NGSET
            gp1 = (p + 1) % NGSET

            wait_loads(i + 1, kp1)
            issue_gathers(kp1, gp1)
            wait_gathers(k, g)
            compute(k, g)

            @pl.when(i > 0)
            def _():
                wait_scatters((p - 1) % NLSET, (p - 1) % NGSET)

            @pl.when(i + 3 < N_CHUNKS)
            def _():
                issue_loads(i + 3, kp3)

            issue_scatters(k, g)
        return carry

    lax.fori_loop(0, T_OUT, outer_body, 0)

    i0 = N_CHUNKS - 2
    wait_loads(i0 + 1, 1)
    issue_gathers(1, 1)
    wait_gathers(0, 0)
    compute(0, 0)
    wait_scatters((i0 - 1) % NLSET, (i0 - 1) % NGSET)
    issue_scatters(0, 0)

    wait_gathers(1, 1)
    compute(1, 1)
    wait_scatters(0, 0)
    issue_scatters(1, 1)
    wait_scatters(1, 1)

    plsc.subcore_barrier()
    pltpu.sync_copy(acca_sp.at[pl.ds(off, SLICE)],
                    acc_hbm.at[pl.ds((c * 2 + 0) * N_PAD + off, SLICE)])
    pltpu.sync_copy(accr_sp.at[pl.ds(off, SLICE)],
                    acc_hbm.at[pl.ds((c * 2 + 1) * N_PAD + off, SLICE)])


def _loss_body(o01_ref, acc_ref, o_ref):
    act = acc_ref[0] + acc_ref[2]
    rea = acc_ref[1] + acc_ref[3]
    o_ref[0, 0] = jnp.sum(jnp.abs(o01_ref[0] - act) + jnp.abs(o01_ref[1] - rea))


_loss_call = pl.pallas_call(
    _loss_body,
    out_shape=jax.ShapeDtypeStruct((1, 1), jnp.float32),
    out_specs=pl.BlockSpec(memory_space=pltpu.SMEM),
)


def _pack_bf16_pairs(a, b):
    return lax.bitcast_convert_type(
        jnp.stack([a.astype(jnp.bfloat16), b.astype(jnp.bfloat16)], axis=-1),
        jnp.int32)


def kernel(output, nodes, edges, attributes):
    edges = edges.astype(jnp.int32)
    thv = jnp.zeros((N_PAD,), jnp.int32).at[:N_NODES].set(
        _pack_bf16_pairs(output[:, 2], output[:, 3]))
    ab = lax.bitcast_convert_type(
        attributes[:, :2].astype(jnp.bfloat16), jnp.int32)
    o01 = jnp.zeros((2, N_PAD), jnp.float32).at[:, :N_NODES].set(
        output[:, :2].T)
    zeros_acc = jnp.zeros((N_PAD,), jnp.float32)
    acc = _edge_kernel(thv, edges.reshape(-1), ab, zeros_acc)
    loss = _loss_call(o01.reshape(2, 784, 128), acc.reshape(4, 784, 128))
    return loss[0, 0]

# --- scband reference (transcript-rebuilt; emitter-appended) ---
"""Pipeline reference for scband-acloss-84172769068204 (READ-ONLY COPY).

The authoritative reference and input builder live on the scoring server;
editing this copy changes nothing except your own understanding.
"""

import jax, jax.numpy as jnp
import numpy as np

N_NODES = 100000
N_EDGES = 6400000

def setup_inputs(seed: int = 0) -> dict:
    key = jax.random.key(seed)
    k1, k2, k3, k4 = jax.random.split(key, 4)
    output = jax.random.normal(k1, (N_NODES, 4), dtype=jnp.float32)
    nodes = jax.random.normal(k2, (N_NODES, 4), dtype=jnp.float32)
    edges = jax.random.randint(k3, (2, N_EDGES), 0, N_NODES, dtype=jnp.int64)
    attributes = jax.random.normal(k4, (N_EDGES, 4), dtype=jnp.float32)
    return {"output": output, "nodes": nodes, "edges": edges, "attributes": attributes}

def reference(output, nodes, edges, attributes):
    # pyg_util.select(output, edges[i], 0) -> gather rows of output
    from_nodes = jnp.take(output, edges[0], axis=0)
    to_nodes = jnp.take(output, edges[1], axis=0)
    angle_diffs = jnp.abs(from_nodes[:, 2] - to_nodes[:, 2])
    act_imb = jnp.abs(from_nodes[:, 3]) * jnp.abs(to_nodes[:, 3]) * (
        attributes[:, 0] * jnp.cos(angle_diffs) + attributes[:, 1] * jnp.sin(angle_diffs))
    rea_imb = jnp.abs(from_nodes[:, 3]) * jnp.abs(to_nodes[:, 3]) * (
        attributes[:, 0] * jnp.sin(angle_diffs) - attributes[:, 1] * jnp.cos(angle_diffs))
    # pyg_util.scatter(vals, edges[0]) -> scatter-add (segment sum) over source nodes
    aggr_act_imb = jax.ops.segment_sum(act_imb, edges[0], num_segments=output.shape[0])
    aggr_rea_imb = jax.ops.segment_sum(rea_imb, edges[0], num_segments=output.shape[0])
    active_imbalance = output[:, 0] - aggr_act_imb
    reactive_imbalance = output[:, 1] - aggr_rea_imb
    tot_loss = jnp.sum(jnp.abs(active_imbalance) + jnp.abs(reactive_imbalance))
    return tot_loss

if __name__ == "__main__":
    import jax
    _d = setup_inputs()
    print(jax.jit(kernel)(*tuple(_d.values())))

</pallas_src>

<mosaic_0001>
#map = affine_map<(d0, d1) -> (0)>
module attributes {stable_mosaic.version = 14 : i64} {
  func.func @_edge_kernel(%arg0: i32, %arg1: i32, %arg2: memref<100352xi32, #tpu.memory_space<hbm>>, %arg3: memref<12800000xi32, #tpu.memory_space<hbm>>, %arg4: memref<6400000xi32, #tpu.memory_space<hbm>>, %arg5: memref<100352xf32, #tpu.memory_space<hbm>>, %arg6: memref<401408xf32, #tpu.memory_space<hbm>>, %arg7: memref<100352xi32, #tpu.memory_space<vmem_shared>>, %arg8: memref<100352xf32, #tpu.memory_space<vmem_shared>>, %arg9: memref<100352xf32, #tpu.memory_space<vmem_shared>>, %arg10: memref<4000xi32, #tpu.memory_space<vmem>>, %arg11: memref<4000xi32, #tpu.memory_space<vmem>>, %arg12: memref<4000xi32, #tpu.memory_space<vmem>>, %arg13: memref<4000xi32, #tpu.memory_space<vmem>>, %arg14: memref<4000xi32, #tpu.memory_space<vmem>>, %arg15: memref<4000xi32, #tpu.memory_space<vmem>>, %arg16: memref<4000xi32, #tpu.memory_space<vmem>>, %arg17: memref<4000xi32, #tpu.memory_space<vmem>>, %arg18: memref<4000xi32, #tpu.memory_space<vmem>>, %arg19: memref<4000xi32, #tpu.memory_space<vmem>>, %arg20: memref<4000xi32, #tpu.memory_space<vmem>>, %arg21: memref<4000xi32, #tpu.memory_space<vmem>>, %arg22: memref<4000xi32, #tpu.memory_space<vmem>>, %arg23: memref<4000xi32, #tpu.memory_space<vmem>>, %arg24: memref<4000xi32, #tpu.memory_space<vmem>>, %arg25: memref<4000xi32, #tpu.memory_space<vmem>>, %arg26: memref<4000xf32, #tpu.memory_space<vmem>>, %arg27: memref<4000xf32, #tpu.memory_space<vmem>>, %arg28: memref<4000xf32, #tpu.memory_space<vmem>>, %arg29: memref<4000xf32, #tpu.memory_space<vmem>>, %arg30: memref<!tpu.dma_semaphore, #tpu.memory_space<semaphore_mem>>, %arg31: memref<!tpu.dma_semaphore, #tpu.memory_space<semaphore_mem>>, %arg32: memref<!tpu.dma_semaphore, #tpu.memory_space<semaphore_mem>>, %arg33: memref<!tpu.dma_semaphore, #tpu.memory_space<semaphore_mem>>, %arg34: memref<!tpu.dma_semaphore, #tpu.memory_space<semaphore_mem>>, %arg35: memref<!tpu.dma_semaphore, #tpu.memory_space<semaphore_mem>>) attributes {dimension_semantics = [#tpu.dimension_semantics<core_parallel>, #tpu.dimension_semantics<subcore_parallel>], iteration_bounds = array<i64: 2, 16>, scalar_prefetch = 0 : i64, scratch_operands = 29 : i64, tpu.core_type = #tpu.core_type<sc_vector_subcore>, window_params = [{transform_indices = #map}, {transform_indices = #map}, {transform_indices = #map}, {transform_indices = #map}, {transform_indices = #map}]} {
    %mul3A = arith.constant 2 : i32
    %mul3A_0 = arith.muli %arg1, %mul3A : i32
    %add3A = arith.addi %mul3A_0, %arg0 : i32
    %mul3A_1 = arith.constant 6272 : i32
    %mul3A_2 = arith.muli %arg1, %mul3A_1 : i32
    "tpu.region"() ({
      %run_scoped3A = tpu.sem_alloc : memref<!tpu.dma_semaphore, #tpu.memory_space<semaphore_mem>>
      %dma_start3A_121 = tpu.memref_slice %arg7[%mul3A_2] : memref<100352xi32, #tpu.memory_space<vmem_shared>> -> memref<6272xi32, #tpu.memory_space<vmem_shared>>
      %dma_start3A_122 = tpu.memref_slice %arg2[%mul3A_2] : memref<100352xi32, #tpu.memory_space<hbm>> -> memref<6272xi32, #tpu.memory_space<hbm>>
      tpu.enqueue_dma source(%dma_start3A_122 : memref<6272xi32, #tpu.memory_space<hbm>>) target(%dma_start3A_121 : memref<6272xi32, #tpu.memory_space<vmem_shared>>) target_semaphore(%run_scoped3A : memref<!tpu.dma_semaphore, #tpu.memory_space<semaphore_mem>>)
      %dma_wait3A_123 = tpu.memref_slice %arg7[%mul3A_2] : memref<100352xi32, #tpu.memory_space<vmem_shared>> -> memref<6272xi32, #tpu.memory_space<vmem_shared>>
      %dma_wait3A_124 = tpu.memref_slice %arg2[%mul3A_2] : memref<100352xi32, #tpu.memory_space<hbm>> -> memref<6272xi32, #tpu.memory_space<hbm>>
      tpu.wait_dma2 semaphore(%run_scoped3A : memref<!tpu.dma_semaphore, #tpu.memory_space<semaphore_mem>>) src(%dma_wait3A_124 : memref<6272xi32, #tpu.memory_space<hbm>>) dst(%dma_wait3A_123 : memref<6272xi32, #tpu.memory_space<vmem_shared>>)
      tpu.yield
    }) : () -> ()
    "tpu.region"() ({
      %run_scoped3A = tpu.sem_alloc : memref<!tpu.dma_semaphore, #tpu.memory_space<semaphore_mem>>
      %dma_start3A_121 = tpu.memref_slice %arg8[%mul3A_2] : memref<100352xf32, #tpu.memory_space<vmem_shared>> -> memref<6272xf32, #tpu.memory_space<vmem_shared>>
      %dma_start3A_122 = tpu.memref_slice %arg5[%mul3A_2] : memref<100352xf32, #tpu.memory_space<hbm>> -> memref<6272xf32, #tpu.memory_space<hbm>>
      tpu.enqueue_dma source(%dma_start3A_122 : memref<6272xf32, #tpu.memory_space<hbm>>) target(%dma_start3A_121 : memref<6272xf32, #tpu.memory_space<vmem_shared>>) target_semaphore(%run_scoped3A : memref<!tpu.dma_semaphore, #tpu.memory_space<semaphore_mem>>)
      %dma_wait3A_123 = tpu.memref_slice %arg8[%mul3A_2] : memref<100352xf32, #tpu.memory_space<vmem_shared>> -> memref<6272xf32, #tpu.memory_space<vmem_shared>>
      %dma_wait3A_124 = tpu.memref_slice %arg5[%mul3A_2] : memref<100352xf32, #tpu.memory_space<hbm>> -> memref<6272xf32, #tpu.memory_space<hbm>>
      tpu.wait_dma2 semaphore(%run_scoped3A : memref<!tpu.dma_semaphore, #tpu.memory_space<semaphore_mem>>) src(%dma_wait3A_124 : memref<6272xf32, #tpu.memory_space<hbm>>) dst(%dma_wait3A_123 : memref<6272xf32, #tpu.memory_space<vmem_shared>>)
      tpu.yield
    }) : () -> ()
    "tpu.region"() ({
      %run_scoped3A = tpu.sem_alloc : memref<!tpu.dma_semaphore, #tpu.memory_space<semaphore_mem>>
      %dma_start3A_121 = tpu.memref_slice %arg9[%mul3A_2] : memref<100352xf32, #tpu.memory_space<vmem_shared>> -> memref<6272xf32, #tpu.memory_space<vmem_shared>>
      %dma_start3A_122 = tpu.memref_slice %arg5[%mul3A_2] : memref<100352xf32, #tpu.memory_space<hbm>> -> memref<6272xf32, #tpu.memory_space<hbm>>
      tpu.enqueue_dma source(%dma_start3A_122 : memref<6272xf32, #tpu.memory_space<hbm>>) target(%dma_start3A_121 : memref<6272xf32, #tpu.memory_space<vmem_shared>>) target_semaphore(%run_scoped3A : memref<!tpu.dma_semaphore, #tpu.memory_space<semaphore_mem>>)
      %dma_wait3A_123 = tpu.memref_slice %arg9[%mul3A_2] : memref<100352xf32, #tpu.memory_space<vmem_shared>> -> memref<6272xf32, #tpu.memory_space<vmem_shared>>
      %dma_wait3A_124 = tpu.memref_slice %arg5[%mul3A_2] : memref<100352xf32, #tpu.memory_space<hbm>> -> memref<6272xf32, #tpu.memory_space<hbm>>
      tpu.wait_dma2 semaphore(%run_scoped3A : memref<!tpu.dma_semaphore, #tpu.memory_space<semaphore_mem>>) src(%dma_wait3A_124 : memref<6272xf32, #tpu.memory_space<hbm>>) dst(%dma_wait3A_123 : memref<6272xf32, #tpu.memory_space<vmem_shared>>)
      tpu.yield
    }) : () -> ()
    %barrier3A = arith.constant 0 : index
    tpu.barrier barrier_id(%barrier3A)
    %mul3A_3 = arith.constant 200000 : i32
    %mul3A_4 = arith.muli %add3A, %mul3A_3 : i32
    %add3A_5 = arith.constant 0 : i32
    %add3A_6 = arith.addi %mul3A_4, %add3A_5 : i32
    %dma_start3A = tpu.memref_slice %arg3[%add3A_6] : memref<12800000xi32, #tpu.memory_space<hbm>> -> memref<4000xi32, #tpu.memory_space<hbm>>
    %dma_start3A_7 = tpu.memref_slice %arg3[%add3A_6] : memref<12800000xi32, #tpu.memory_space<hbm>> -> memref<4000xi32, #tpu.memory_space<hbm>>
    tpu.enqueue_dma source(%dma_start3A_7 : memref<4000xi32, #tpu.memory_space<hbm>>) target(%arg10 : memref<4000xi32, #tpu.memory_space<vmem>>) target_semaphore(%arg30 : memref<!tpu.dma_semaphore, #tpu.memory_space<semaphore_mem>>)
    %add3A_8 = arith.constant 6400000 : i32
    %add3A_9 = arith.addi %add3A_8, %add3A_6 : i32
    %dma_start3A_10 = tpu.memref_slice %arg3[%add3A_9] : memref<12800000xi32, #tpu.memory_space<hbm>> -> memref<4000xi32, #tpu.memory_space<hbm>>
    %dma_start3A_11 = tpu.memref_slice %arg3[%add3A_9] : memref<12800000xi32, #tpu.memory_space<hbm>> -> memref<4000xi32, #tpu.memory_space<hbm>>
    tpu.enqueue_dma source(%dma_start3A_11 : memref<4000xi32, #tpu.memory_space<hbm>>) target(%arg11 : memref<4000xi32, #tpu.memory_space<vmem>>) target_semaphore(%arg30 : memref<!tpu.dma_semaphore, #tpu.memory_space<semaphore_mem>>)
    %dma_start3A_12 = tpu.memref_slice %arg4[%add3A_6] : memref<6400000xi32, #tpu.memory_space<hbm>> -> memref<4000xi32, #tpu.memory_space<hbm>>
    %dma_start3A_13 = tpu.memref_slice %arg4[%add3A_6] : memref<6400000xi32, #tpu.memory_space<hbm>> -> memref<4000xi32, #tpu.memory_space<hbm>>
    tpu.enqueue_dma source(%dma_start3A_13 : memref<4000xi32, #tpu.memory_space<hbm>>) target(%arg12 : memref<4000xi32, #tpu.memory_space<vmem>>) target_semaphore(%arg30 : memref<!tpu.dma_semaphore, #tpu.memory_space<semaphore_mem>>)
    %add3A_14 = arith.constant 4000 : i32
    %add3A_15 = arith.addi %mul3A_4, %add3A_14 : i32
    %dma_start3A_16 = tpu.memref_slice %arg3[%add3A_15] : memref<12800000xi32, #tpu.memory_space<hbm>> -> memref<4000xi32, #tpu.memory_space<hbm>>
    %dma_start3A_17 = tpu.memref_slice %arg3[%add3A_15] : memref<12800000xi32, #tpu.memory_space<hbm>> -> memref<4000xi32, #tpu.memory_space<hbm>>
    tpu.enqueue_dma source(%dma_start3A_17 : memref<4000xi32, #tpu.memory_space<hbm>>) target(%arg13 : memref<4000xi32, #tpu.memory_space<vmem>>) target_semaphore(%arg31 : memref<!tpu.dma_semaphore, #tpu.memory_space<semaphore_mem>>)
    %add3A_18 = arith.constant 6400000 : i32
    %add3A_19 = arith.addi %add3A_18, %add3A_15 : i32
    %dma_start3A_20 = tpu.memref_slice %arg3[%add3A_19] : memref<12800000xi32, #tpu.memory_space<hbm>> -> memref<4000xi32, #tpu.memory_space<hbm>>
    %dma_start3A_21 = tpu.memref_slice %arg3[%add3A_19] : memref<12800000xi32, #tpu.memory_space<hbm>> -> memref<4000xi32, #tpu.memory_space<hbm>>
    tpu.enqueue_dma source(%dma_start3A_21 : memref<4000xi32, #tpu.memory_space<hbm>>) target(%arg14 : memref<4000xi32, #tpu.memory_space<vmem>>) target_semaphore(%arg31 : memref<!tpu.dma_semaphore, #tpu.memory_space<semaphore_mem>>)
    %dma_start3A_22 = tpu.memref_slice %arg4[%add3A_15] : memref<6400000xi32, #tpu.memory_space<hbm>> -> memref<4000xi32, #tpu.memory_space<hbm>>
    %dma_start3A_23 = tpu.memref_slice %arg4[%add3A_15] : memref<6400000xi32, #tpu.memory_space<hbm>> -> memref<4000xi32, #tpu.memory_space<hbm>>
    tpu.enqueue_dma source(%dma_start3A_23 : memref<4000xi32, #tpu.memory_space<hbm>>) target(%arg15 : memref<4000xi32, #tpu.memory_space<vmem>>) target_semaphore(%arg31 : memref<!tpu.dma_semaphore, #tpu.memory_space<semaphore_mem>>)
    %add3A_24 = arith.constant 8000 : i32
    %add3A_25 = arith.addi %mul3A_4, %add3A_24 : i32
    %dma_start3A_26 = tpu.memref_slice %arg3[%add3A_25] : memref<12800000xi32, #tpu.memory_space<hbm>> -> memref<4000xi32, #tpu.memory_space<hbm>>
    %dma_start3A_27 = tpu.memref_slice %arg3[%add3A_25] : memref<12800000xi32, #tpu.memory_space<hbm>> -> memref<4000xi32, #tpu.memory_space<hbm>>
    tpu.enqueue_dma source(%dma_start3A_27 : memref<4000xi32, #tpu.memory_space<hbm>>) target(%arg16 : memref<4000xi32, #tpu.memory_space<vmem>>) target_semaphore(%arg32 : memref<!tpu.dma_semaphore, #tpu.memory_space<semaphore_mem>>)
    %add3A_28 = arith.constant 6400000 : i32
    %add3A_29 = arith.addi %add3A_28, %add3A_25 : i32
    %dma_start3A_30 = tpu.memref_slice %arg3[%add3A_29] : memref<12800000xi32, #tpu.memory_space<hbm>> -> memref<4000xi32, #tpu.memory_space<hbm>>
    %dma_start3A_31 = tpu.memref_slice %arg3[%add3A_29] : memref<12800000xi32, #tpu.memory_space<hbm>> -> memref<4000xi32, #tpu.memory_space<hbm>>
    tpu.enqueue_dma source(%dma_start3A_31 : memref<4000xi32, #tpu.memory_space<hbm>>) target(%arg17 : memref<4000xi32, #tpu.memory_space<vmem>>) target_semaphore(%arg32 : memref<!tpu.dma_semaphore, #tpu.memory_space<semaphore_mem>>)
    %dma_start3A_32 = tpu.memref_slice %arg4[%add3A_25] : memref<6400000xi32, #tpu.memory_space<hbm>> -> memref<4000xi32, #tpu.memory_space<hbm>>
    %dma_start3A_33 = tpu.memref_slice %arg4[%add3A_25] : memref<6400000xi32, #tpu.memory_space<hbm>> -> memref<4000xi32, #tpu.memory_space<hbm>>
    tpu.enqueue_dma source(%dma_start3A_33 : memref<4000xi32, #tpu.memory_space<hbm>>) target(%arg18 : memref<4000xi32, #tpu.memory_space<vmem>>) target_semaphore(%arg32 : memref<!tpu.dma_semaphore, #tpu.memory_space<semaphore_mem>>)
    %add3A_34 = arith.constant 0 : i32
    %add3A_35 = arith.addi %mul3A_4, %add3A_34 : i32
    %dma_wait3A = tpu.memref_slice %arg3[%add3A_35] : memref<12800000xi32, #tpu.memory_space<hbm>> -> memref<4000xi32, #tpu.memory_space<hbm>>
    %dma_wait3A_36 = tpu.memref_slice %arg3[%add3A_35] : memref<12800000xi32, #tpu.memory_space<hbm>> -> memref<4000xi32, #tpu.memory_space<hbm>>
    tpu.wait_dma2 semaphore(%arg30 : memref<!tpu.dma_semaphore, #tpu.memory_space<semaphore_mem>>) src(%dma_wait3A_36 : memref<4000xi32, #tpu.memory_space<hbm>>) dst(%arg10 : memref<4000xi32, #tpu.memory_space<vmem>>)
    %add3A_37 = arith.constant 6400000 : i32
    %add3A_38 = arith.addi %add3A_37, %add3A_35 : i32
    %dma_wait3A_39 = tpu.memref_slice %arg3[%add3A_38] : memref<12800000xi32, #tpu.memory_space<hbm>> -> memref<4000xi32, #tpu.memory_space<hbm>>
    %dma_wait3A_40 = tpu.memref_slice %arg3[%add3A_38] : memref<12800000xi32, #tpu.memory_space<hbm>> -> memref<4000xi32, #tpu.memory_space<hbm>>
    tpu.wait_dma2 semaphore(%arg30 : memref<!tpu.dma_semaphore, #tpu.memory_space<semaphore_mem>>) src(%dma_wait3A_40 : memref<4000xi32, #tpu.memory_space<hbm>>) dst(%arg11 : memref<4000xi32, #tpu.memory_space<vmem>>)
    %dma_wait3A_41 = tpu.memref_slice %arg4[%add3A_35] : memref<6400000xi32, #tpu.memory_space<hbm>> -> memref<4000xi32, #tpu.memory_space<hbm>>
    %dma_wait3A_42 = tpu.memref_slice %arg4[%add3A_35] : memref<6400000xi32, #tpu.memory_space<hbm>> -> memref<4000xi32, #tpu.memory_space<hbm>>
    tpu.wait_dma2 semaphore(%arg30 : memref<!tpu.dma_semaphore, #tpu.memory_space<semaphore_mem>>) src(%dma_wait3A_42 : memref<4000xi32, #tpu.memory_space<hbm>>) dst(%arg12 : memref<4000xi32, #tpu.memory_space<vmem>>)
    %dma_start3A_43 = arith.constant 0 : i32
    %dma_start3A_44 = tpu.memref_slice %arg7[%dma_start3A_43] : memref<100352xi32, #tpu.memory_space<vmem_shared>> -> memref<100352xi32, #tpu.memory_space<vmem_shared>>
    tpu.enqueue_indirect_dma source(%dma_start3A_44 : memref<100352xi32, #tpu.memory_space<vmem_shared>>) target(%arg22 : memref<4000xi32, #tpu.memory_space<vmem>>) offsets(%arg10 : memref<4000xi32, #tpu.memory_space<vmem>>) semaphore(%arg34 : memref<!tpu.dma_semaphore, #tpu.memory_space<semaphore_mem>>)
    %dma_start3A_45 = arith.constant 0 : i32
    %dma_start3A_46 = tpu.memref_slice %arg7[%dma_start3A_45] : memref<100352xi32, #tpu.memory_space<vmem_shared>> -> memref<100352xi32, #tpu.memory_space<vmem_shared>>
    tpu.enqueue_indirect_dma source(%dma_start3A_46 : memref<100352xi32, #tpu.memory_space<vmem_shared>>) target(%arg23 : memref<4000xi32, #tpu.memory_space<vmem>>) offsets(%arg11 : memref<4000xi32, #tpu.memory_space<vmem>>) semaphore(%arg34 : memref<!tpu.dma_semaphore, #tpu.memory_space<semaphore_mem>>)
    %scan3A = arith.constant 0 : i32
    %scan3A_47 = arith.constant 0 : i32
    %scan3A_48 = arith.constant 12 : i32
    %scan3A_49 = arith.addi %scan3A_47, %scan3A_48 : i32
    %scan3A_50 = arith.constant 1 : i32
    scf.for %scan3A_121 = %scan3A_47 to %scan3A_49 step %scan3A_50  : i32 {
      %mul3A_122 = arith.constant 4 : i32
      %mul3A_123 = arith.muli %mul3A_122, %scan3A_121 : i32
      %add3A_124 = arith.constant 0 : i32
      %add3A_125 = arith.addi %mul3A_123, %add3A_124 : i32
      %add3A_126 = arith.constant 1 : i32
      %add3A_127 = arith.addi %add3A_125, %add3A_126 : i32
      %mul3A_128 = arith.constant 4000 : i32
      %mul3A_129 = arith.muli %add3A_127, %mul3A_128 : i32
      %add3A_130 = arith.addi %mul3A_4, %mul3A_129 : i32
      %dma_wait3A_131 = tpu.memref_slice %arg3[%add3A_130] : memref<12800000xi32, #tpu.memory_space<hbm>> -> memref<4000xi32, #tpu.memory_space<hbm>>
      %dma_wait3A_132 = tpu.memref_slice %arg3[%add3A_130] : memref<12800000xi32, #tpu.memory_space<hbm>> -> memref<4000xi32, #tpu.memory_space<hbm>>
      tpu.wait_dma2 semaphore(%arg31 : memref<!tpu.dma_semaphore, #tpu.memory_space<semaphore_mem>>) src(%dma_wait3A_132 : memref<4000xi32, #tpu.memory_space<hbm>>) dst(%arg13 : memref<4000xi32, #tpu.memory_space<vmem>>)
      %add3A_133 = arith.constant 6400000 : i32
      %add3A_134 = arith.addi %add3A_133, %add3A_130 : i32
      %dma_wait3A_135 = tpu.memref_slice %arg3[%add3A_134] : memref<12800000xi32, #tpu.memory_space<hbm>> -> memref<4000xi32, #tpu.memory_space<hbm>>
      %dma_wait3A_136 = tpu.memref_slice %arg3[%add3A_134] : memref<12800000xi32, #tpu.memory_space<hbm>> -> memref<4000xi32, #tpu.memory_space<hbm>>
      tpu.wait_dma2 semaphore(%arg31 : memref<!tpu.dma_semaphore, #tpu.memory_space<semaphore_mem>>) src(%dma_wait3A_136 : memref<4000xi32, #tpu.memory_space<hbm>>) dst(%arg14 : memref<4000xi32, #tpu.memory_space<vmem>>)
      %dma_wait3A_137 = tpu.memref_slice %arg4[%add3A_130] : memref<6400000xi32, #tpu.memory_space<hbm>> -> memref<4000xi32, #tpu.memory_space<hbm>>
      %dma_wait3A_138 = tpu.memref_slice %arg4[%add3A_130] : memref<6400000xi32, #tpu.memory_space<hbm>> -> memref<4000xi32, #tpu.memory_space<hbm>>
      tpu.wait_dma2 semaphore(%arg31 : memref<!tpu.dma_semaphore, #tpu.memory_space<semaphore_mem>>) src(%dma_wait3A_138 : memref<4000xi32, #tpu.memory_space<hbm>>) dst(%arg15 : memref<4000xi32, #tpu.memory_space<vmem>>)
      %dma_start3A_139 = arith.constant 0 : i32
      %dma_start3A_140 = tpu.memref_slice %arg7[%dma_start3A_139] : memref<100352xi32, #tpu.memory_space<vmem_shared>> -> memref<100352xi32, #tpu.memory_space<vmem_shared>>
      tpu.enqueue_indirect_dma source(%dma_start3A_140 : memref<100352xi32, #tpu.memory_space<vmem_shared>>) target(%arg24 : memref<4000xi32, #tpu.memory_space<vmem>>) offsets(%arg13 : memref<4000xi32, #tpu.memory_space<vmem>>) semaphore(%arg34 : memref<!tpu.dma_semaphore, #tpu.memory_space<semaphore_mem>>)
      %dma_start3A_141 = arith.constant 0 : i32
      %dma_start3A_142 = tpu.memref_slice %arg7[%dma_start3A_141] : memref<100352xi32, #tpu.memory_space<vmem_shared>> -> memref<100352xi32, #tpu.memory_space<vmem_shared>>
      tpu.enqueue_indirect_dma source(%dma_start3A_142 : memref<100352xi32, #tpu.memory_space<vmem_shared>>) target(%arg25 : memref<4000xi32, #tpu.memory_space<vmem>>) offsets(%arg14 : memref<4000xi32, #tpu.memory_space<vmem>>) semaphore(%arg34 : memref<!tpu.dma_semaphore, #tpu.memory_space<semaphore_mem>>)
      %dma_wait3A_143 = arith.constant 0 : i32
      %dma_wait3A_144 = tpu.memref_slice %arg7[%dma_wait3A_143] : memref<100352xi32, #tpu.memory_space<vmem_shared>> -> memref<100352xi32, #tpu.memory_space<vmem_shared>>
      tpu.wait_indirect_dma semaphore(%arg34 : memref<!tpu.dma_semaphore, #tpu.memory_space<semaphore_mem>>) src(%dma_wait3A_144 : memref<100352xi32, #tpu.memory_space<vmem_shared>>) dst(%arg22 : memref<4000xi32, #tpu.memory_space<vmem>>)
      %dma_wait3A_145 = arith.constant 0 : i32
      %dma_wait3A_146 = tpu.memref_slice %arg7[%dma_wait3A_145] : memref<100352xi32, #tpu.memory_space<vmem_shared>> -> memref<100352xi32, #tpu.memory_space<vmem_shared>>
      tpu.wait_indirect_dma semaphore(%arg34 : memref<!tpu.dma_semaphore, #tpu.memory_space<semaphore_mem>>) src(%dma_wait3A_146 : memref<100352xi32, #tpu.memory_space<vmem_shared>>) dst(%arg23 : memref<4000xi32, #tpu.memory_space<vmem>>)
      %scan3A_147 = arith.constant 0 : i32
      %scan3A_148 = arith.constant 0 : i32
      %scan3A_149 = arith.constant 250 : i32
      %scan3A_150 = arith.addi %scan3A_148, %scan3A_149 : i32
      %scan3A_151 = arith.constant 1 : i32
      scf.for %scan3A_306 = %scan3A_148 to %scan3A_150 step %scan3A_151  : i32 {
        %mul3A_307 = arith.constant 16 : i32
        %mul3A_308 = arith.muli %scan3A_306, %mul3A_307 : i32
        %get3A = arith.index_cast %mul3A_308 : i32 to index
        %get3A_309 = tpu.vector_load %arg22[%get3A] {strides = array<i32>} : memref<4000xi32, #tpu.memory_space<vmem>>, vector<16xi32>,
        %bitcast3A = vector.bitcast %get3A_309 : vector<16xi32> to vector<32xbf16>
        %unpack3A = tpu.unpack_subelements %bitcast3A, 0 {pack_format = #tpu.pack_format<interleaved>} : vector<32xbf16> -> vector<16xf32>
        %unpack3A_310 = tpu.unpack_subelements %bitcast3A, 1 {pack_format = #tpu.pack_format<interleaved>} : vector<32xbf16> -> vector<16xf32>
        %get3A_311 = arith.index_cast %mul3A_308 : i32 to index
        %get3A_312 = tpu.vector_load %arg23[%get3A_311] {strides = array<i32>} : memref<4000xi32, #tpu.memory_space<vmem>>, vector<16xi32>,
        %bitcast3A_313 = vector.bitcast %get3A_312 : vector<16xi32> to vector<32xbf16>
        %unpack3A_314 = tpu.unpack_subelements %bitcast3A_313, 0 {pack_format = #tpu.pack_format<interleaved>} : vector<32xbf16> -> vector<16xf32>
        %unpack3A_315 = tpu.unpack_subelements %bitcast3A_313, 1 {pack_format = #tpu.pack_format<interleaved>} : vector<32xbf16> -> vector<16xf32>
        %get3A_316 = arith.index_cast %mul3A_308 : i32 to index
        %get3A_317 = tpu.vector_load %arg12[%get3A_316] {strides = array<i32>} : memref<4000xi32, #tpu.memory_space<vmem>>, vector<16xi32>,
        %bitcast3A_318 = vector.bitcast %get3A_317 : vector<16xi32> to vector<32xbf16>
        %unpack3A_319 = tpu.unpack_subelements %bitcast3A_318, 0 {pack_format = #tpu.pack_format<interleaved>} : vector<32xbf16> -> vector<16xf32>
        %unpack3A_320 = tpu.unpack_subelements %bitcast3A_318, 1 {pack_format = #tpu.pack_format<interleaved>} : vector<32xbf16> -> vector<16xf32>
        %sub3A = arith.subf %unpack3A, %unpack3A_314 : vector<16xf32>
        %abs3A = math.absf %sub3A : vector<16xf32>
        %rem3A = arith.constant 6.28318548 : f32
        %rem3A_321 = vector.broadcast %rem3A : f32 to vector<16xf32>
        %rem3A_322 = arith.remf %abs3A, %rem3A_321 : vector<16xf32>
        %sub3A_323 = arith.constant 3.14159274 : f32
        %sub3A_324 = vector.broadcast %sub3A_323 : f32 to vector<16xf32>
        %sub3A_325 = arith.subf %rem3A_322, %sub3A_324 : vector<16xf32>
        %mul3A_326 = arith.mulf %sub3A_325, %sub3A_325 : vector<16xf32>
        %mul3A_327 = arith.constant 2.173236E-6 : f32
        %mul3A_328 = vector.broadcast %mul3A_327 : f32 to vector<16xf32>
        %mul3A_329 = arith.mulf %mul3A_328, %mul3A_326 : vector<16xf32>
        %add3A_330 = arith.constant -1.93162312E-4 : f32
        %add3A_331 = vector.broadcast %add3A_330 : f32 to vector<16xf32>
        %add3A_332 = arith.addf %mul3A_329, %add3A_331 : vector<16xf32>
        %mul3A_333 = arith.mulf %add3A_332, %mul3A_326 : vector<16xf32>
        %add3A_334 = arith.constant 0.00831238552 : f32
        %add3A_335 = vector.broadcast %add3A_334 : f32 to vector<16xf32>
        %add3A_336 = arith.addf %mul3A_333, %add3A_335 : vector<16xf32>
        %mul3A_337 = arith.mulf %add3A_336, %mul3A_326 : vector<16xf32>
        %add3A_338 = arith.constant -0.166632593 : f32
        %add3A_339 = vector.broadcast %add3A_338 : f32 to vector<16xf32>
        %add3A_340 = arith.addf %mul3A_337, %add3A_339 : vector<16xf32>
        %mul3A_341 = arith.mulf %add3A_340, %mul3A_326 : vector<16xf32>
        %add3A_342 = arith.constant 0.999984562 : f32
        %add3A_343 = vector.broadcast %add3A_342 : f32 to vector<16xf32>
        %add3A_344 = arith.addf %mul3A_341, %add3A_343 : vector<16xf32>
        %mul3A_345 = arith.mulf %add3A_344, %sub3A_325 : vector<16xf32>
        %neg3A = arith.constant 0.000000e+00 : f32
        %neg3A_346 = vector.broadcast %neg3A : f32 to vector<16xf32>
        %neg3A_347 = arith.subf %neg3A_346, %mul3A_345 : vector<16xf32>
        %mul3A_348 = arith.mulf %sub3A_325, %sub3A_325 : vector<16xf32>
        %mul3A_349 = arith.constant -2.21939217E-7 : f32
        %mul3A_350 = vector.broadcast %mul3A_349 : f32 to vector<16xf32>
        %mul3A_351 = arith.mulf %mul3A_350, %mul3A_348 : vector<16xf32>
        %add3A_352 = arith.constant 2.4253186E-5 : f32
        %add3A_353 = vector.broadcast %add3A_352 : f32 to vector<16xf32>
        %add3A_354 = arith.addf %mul3A_351, %add3A_353 : vector<16xf32>
        %mul3A_355 = arith.mulf %add3A_354, %mul3A_348 : vector<16xf32>
        %add3A_356 = arith.constant -0.0013862747 : f32
        %add3A_357 = vector.broadcast %add3A_356 : f32 to vector<16xf32>
        %add3A_358 = arith.addf %mul3A_355, %add3A_357 : vector<16xf32>
        %mul3A_359 = arith.mulf %add3A_358, %mul3A_348 : vector<16xf32>
        %add3A_360 = arith.constant 0.0416610315 : f32
        %add3A_361 = vector.broadcast %add3A_360 : f32 to vector<16xf32>
        %add3A_362 = arith.addf %mul3A_359, %add3A_361 : vector<16xf32>
        %mul3A_363 = arith.mulf %add3A_362, %mul3A_348 : vector<16xf32>
        %add3A_364 = arith.constant -0.499995589 : f32
        %add3A_365 = vector.broadcast %add3A_364 : f32 to vector<16xf32>
        %add3A_366 = arith.addf %mul3A_363, %add3A_365 : vector<16xf32>
        %mul3A_367 = arith.mulf %add3A_366, %mul3A_348 : vector<16xf32>
        %add3A_368 = arith.constant 0.999999463 : f32
        %add3A_369 = vector.broadcast %add3A_368 : f32 to vector<16xf32>
        %add3A_370 = arith.addf %mul3A_367, %add3A_369 : vector<16xf32>
        %neg3A_371 = arith.constant 0.000000e+00 : f32
        %neg3A_372 = vector.broadcast %neg3A_371 : f32 to vector<16xf32>
        %neg3A_373 = arith.subf %neg3A_372, %add3A_370 : vector<16xf32>
        %mul3A_374 = arith.mulf %unpack3A_310, %unpack3A_315 : vector<16xf32>
        %abs3A_375 = math.absf %mul3A_374 : vector<16xf32>
        %mul3A_376 = arith.mulf %unpack3A_319, %neg3A_373 : vector<16xf32>
        %mul3A_377 = arith.mulf %unpack3A_320, %neg3A_347 : vector<16xf32>
        %add3A_378 = arith.addf %mul3A_376, %mul3A_377 : vector<16xf32>
        %mul3A_379 = arith.mulf %abs3A_375, %add3A_378 : vector<16xf32>
        %swap3A = arith.index_cast %mul3A_308 : i32 to index
        %swap3A_380 = tpu.vector_load %arg26[%swap3A] {strides = array<i32>} : memref<4000xf32, #tpu.memory_space<vmem>>, vector<16xf32>,
        tpu.vector_store %arg26[%swap3A], %mul3A_379 {strides = array<i32>} : memref<4000xf32, #tpu.memory_space<vmem>>, vector<16xf32>,
        %mul3A_381 = arith.mulf %unpack3A_319, %neg3A_347 : vector<16xf32>
        %mul3A_382 = arith.mulf %unpack3A_320, %neg3A_373 : vector<16xf32>
        %sub3A_383 = arith.subf %mul3A_381, %mul3A_382 : vector<16xf32>
        %mul3A_384 = arith.mulf %abs3A_375, %sub3A_383 : vector<16xf32>
        %swap3A_385 = arith.index_cast %mul3A_308 : i32 to index
        %swap3A_386 = tpu.vector_load %arg27[%swap3A_385] {strides = array<i32>} : memref<4000xf32, #tpu.memory_space<vmem>>, vector<16xf32>,
        tpu.vector_store %arg27[%swap3A_385], %mul3A_384 {strides = array<i32>} : memref<4000xf32, #tpu.memory_space<vmem>>, vector<16xf32>,
      }
      %scan3A_152 = arith.constant 250 : i32
      %gt3A = arith.constant 0 : i32
      %gt3A_153 = arith.cmpi sgt, %add3A_125, %gt3A : i32
      %convert_element_type3A = arith.extui %gt3A_153 : i1 to i32
      %cond3A = arith.constant 0 : i32
      %cond3A_154 = arith.cmpi ne, %convert_element_type3A, %cond3A : i32
      scf.if %cond3A_154 {
        %dma_wait3A_306 = arith.constant 0 : i32
        %dma_wait3A_307 = tpu.memref_slice %arg8[%dma_wait3A_306] : memref<100352xf32, #tpu.memory_space<vmem_shared>> -> memref<100352xf32, #tpu.memory_space<vmem_shared>>
        tpu.wait_indirect_dma semaphore(%arg35 : memref<!tpu.dma_semaphore, #tpu.memory_space<semaphore_mem>>) src(%arg28 : memref<4000xf32, #tpu.memory_space<vmem>>) dst(%dma_wait3A_307 : memref<100352xf32, #tpu.memory_space<vmem_shared>>)
        %dma_wait3A_308 = arith.constant 0 : i32
        %dma_wait3A_309 = tpu.memref_slice %arg9[%dma_wait3A_308] : memref<100352xf32, #tpu.memory_space<vmem_shared>> -> memref<100352xf32, #tpu.memory_space<vmem_shared>>
        tpu.wait_indirect_dma semaphore(%arg35 : memref<!tpu.dma_semaphore, #tpu.memory_space<semaphore_mem>>) src(%arg29 : memref<4000xf32, #tpu.memory_space<vmem>>) dst(%dma_wait3A_309 : memref<100352xf32, #tpu.memory_space<vmem_shared>>)
      } else {
      }
      %add3A_155 = arith.constant 3 : i32
      %add3A_156 = arith.addi %add3A_125, %add3A_155 : i32
      %lt3A = arith.constant 50 : i32
      %lt3A_157 = arith.cmpi slt, %add3A_156, %lt3A : i32
      %convert_element_type3A_158 = arith.extui %lt3A_157 : i1 to i32
      %cond3A_159 = arith.constant 0 : i32
      %cond3A_160 = arith.cmpi ne, %convert_element_type3A_158, %cond3A_159 : i32
      scf.if %cond3A_160 {
        %add3A_306 = arith.constant 3 : i32
        %add3A_307 = arith.addi %add3A_125, %add3A_306 : i32
        %mul3A_308 = arith.constant 4000 : i32
        %mul3A_309 = arith.muli %add3A_307, %mul3A_308 : i32
        %add3A_310 = arith.addi %mul3A_4, %mul3A_309 : i32
        %dma_start3A_311 = tpu.memref_slice %arg3[%add3A_310] : memref<12800000xi32, #tpu.memory_space<hbm>> -> memref<4000xi32, #tpu.memory_space<hbm>>
        %dma_start3A_312 = tpu.memref_slice %arg3[%add3A_310] : memref<12800000xi32, #tpu.memory_space<hbm>> -> memref<4000xi32, #tpu.memory_space<hbm>>
        tpu.enqueue_dma source(%dma_start3A_312 : memref<4000xi32, #tpu.memory_space<hbm>>) target(%arg19 : memref<4000xi32, #tpu.memory_space<vmem>>) target_semaphore(%arg33 : memref<!tpu.dma_semaphore, #tpu.memory_space<semaphore_mem>>)
        %add3A_313 = arith.constant 6400000 : i32
        %add3A_314 = arith.addi %add3A_313, %add3A_310 : i32
        %dma_start3A_315 = tpu.memref_slice %arg3[%add3A_314] : memref<12800000xi32, #tpu.memory_space<hbm>> -> memref<4000xi32, #tpu.memory_space<hbm>>
        %dma_start3A_316 = tpu.memref_slice %arg3[%add3A_314] : memref<12800000xi32, #tpu.memory_space<hbm>> -> memref<4000xi32, #tpu.memory_space<hbm>>
        tpu.enqueue_dma source(%dma_start3A_316 : memref<4000xi32, #tpu.memory_space<hbm>>) target(%arg20 : memref<4000xi32, #tpu.memory_space<vmem>>) target_semaphore(%arg33 : memref<!tpu.dma_semaphore, #tpu.memory_space<semaphore_mem>>)
        %dma_start3A_317 = tpu.memref_slice %arg4[%add3A_310] : memref<6400000xi32, #tpu.memory_space<hbm>> -> memref<4000xi32, #tpu.memory_space<hbm>>
        %dma_start3A_318 = tpu.memref_slice %arg4[%add3A_310] : memref<6400000xi32, #tpu.memory_space<hbm>> -> memref<4000xi32, #tpu.memory_space<hbm>>
        tpu.enqueue_dma source(%dma_start3A_318 : memref<4000xi32, #tpu.memory_space<hbm>>) target(%arg21 : memref<4000xi32, #tpu.memory_space<vmem>>) target_semaphore(%arg33 : memref<!tpu.dma_semaphore, #tpu.memory_space<semaphore_mem>>)
      } else {
      }
      %dma_start3A_161 = arith.constant 0 : i32
      %dma_start3A_162 = tpu.memref_slice %arg8[%dma_start3A_161] : memref<100352xf32, #tpu.memory_space<vmem_shared>> -> memref<100352xf32, #tpu.memory_space<vmem_shared>>
      tpu.enqueue_indirect_dma source(%arg26 : memref<4000xf32, #tpu.memory_space<vmem>>) target(%dma_start3A_162 : memref<100352xf32, #tpu.memory_space<vmem_shared>>) offsets(%arg10 : memref<4000xi32, #tpu.memory_space<vmem>>) semaphore(%arg35 : memref<!tpu.dma_semaphore, #tpu.memory_space<semaphore_mem>>) {add = true}
      %dma_start3A_163 = arith.constant 0 : i32
      %dma_start3A_164 = tpu.memref_slice %arg9[%dma_start3A_163] : memref<100352xf32, #tpu.memory_space<vmem_shared>> -> memref<100352xf32, #tpu.memory_space<vmem_shared>>
      tpu.enqueue_indirect_dma source(%arg27 : memref<4000xf32, #tpu.memory_space<vmem>>) target(%dma_start3A_164 : memref<100352xf32, #tpu.memory_space<vmem_shared>>) offsets(%arg10 : memref<4000xi32, #tpu.memory_space<vmem>>) semaphore(%arg35 : memref<!tpu.dma_semaphore, #tpu.memory_space<semaphore_mem>>) {add = true}
      %mul3A_165 = arith.constant 4 : i32
      %mul3A_166 = arith.muli %mul3A_165, %scan3A_121 : i32
      %add3A_167 = arith.constant 1 : i32
      %add3A_168 = arith.addi %mul3A_166, %add3A_167 : i32
      %add3A_169 = arith.constant 1 : i32
      %add3A_170 = arith.addi %add3A_168, %add3A_169 : i32
      %mul3A_171 = arith.constant 4000 : i32
      %mul3A_172 = arith.muli %add3A_170, %mul3A_171 : i32
      %add3A_173 = arith.addi %mul3A_4, %mul3A_172 : i32
      %dma_wait3A_174 = tpu.memref_slice %arg3[%add3A_173] : memref<12800000xi32, #tpu.memory_space<hbm>> -> memref<4000xi32, #tpu.memory_space<hbm>>
      %dma_wait3A_175 = tpu.memref_slice %arg3[%add3A_173] : memref<12800000xi32, #tpu.memory_space<hbm>> -> memref<4000xi32, #tpu.memory_space<hbm>>
      tpu.wait_dma2 semaphore(%arg32 : memref<!tpu.dma_semaphore, #tpu.memory_space<semaphore_mem>>) src(%dma_wait3A_175 : memref<4000xi32, #tpu.memory_space<hbm>>) dst(%arg16 : memref<4000xi32, #tpu.memory_space<vmem>>)
      %add3A_176 = arith.constant 6400000 : i32
      %add3A_177 = arith.addi %add3A_176, %add3A_173 : i32
      %dma_wait3A_178 = tpu.memref_slice %arg3[%add3A_177] : memref<12800000xi32, #tpu.memory_space<hbm>> -> memref<4000xi32, #tpu.memory_space<hbm>>
      %dma_wait3A_179 = tpu.memref_slice %arg3[%add3A_177] : memref<12800000xi32, #tpu.memory_space<hbm>> -> memref<4000xi32, #tpu.memory_space<hbm>>
      tpu.wait_dma2 semaphore(%arg32 : memref<!tpu.dma_semaphore, #tpu.memory_space<semaphore_mem>>) src(%dma_wait3A_179 : memref<4000xi32, #tpu.memory_space<hbm>>) dst(%arg17 : memref<4000xi32, #tpu.memory_space<vmem>>)
      %dma_wait3A_180 = tpu.memref_slice %arg4[%add3A_173] : memref<6400000xi32, #tpu.memory_space<hbm>> -> memref<4000xi32, #tpu.memory_space<hbm>>
      %dma_wait3A_181 = tpu.memref_slice %arg4[%add3A_173] : memref<6400000xi32, #tpu.memory_space<hbm>> -> memref<4000xi32, #tpu.memory_space<hbm>>
      tpu.wait_dma2 semaphore(%arg32 : memref<!tpu.dma_semaphore, #tpu.memory_space<semaphore_mem>>) src(%dma_wait3A_181 : memref<4000xi32, #tpu.memory_space<hbm>>) dst(%arg18 : memref<4000xi32, #tpu.memory_space<vmem>>)
      %dma_start3A_182 = arith.constant 0 : i32
      %dma_start3A_183 = tpu.memref_slice %arg7[%dma_start3A_182] : memref<100352xi32, #tpu.memory_space<vmem_shared>> -> memref<100352xi32, #tpu.memory_space<vmem_shared>>
      tpu.enqueue_indirect_dma source(%dma_start3A_183 : memref<100352xi32, #tpu.memory_space<vmem_shared>>) target(%arg22 : memref<4000xi32, #tpu.memory_space<vmem>>) offsets(%arg16 : memref<4000xi32, #tpu.memory_space<vmem>>) semaphore(%arg34 : memref<!tpu.dma_semaphore, #tpu.memory_space<semaphore_mem>>)
      %dma_start3A_184 = arith.constant 0 : i32
      %dma_start3A_185 = tpu.memref_slice %arg7[%dma_start3A_184] : memref<100352xi32, #tpu.memory_space<vmem_shared>> -> memref<100352xi32, #tpu.memory_space<vmem_shared>>
      tpu.enqueue_indirect_dma source(%dma_start3A_185 : memref<100352xi32, #tpu.memory_space<vmem_shared>>) target(%arg23 : memref<4000xi32, #tpu.memory_space<vmem>>) offsets(%arg17 : memref<4000xi32, #tpu.memory_space<vmem>>) semaphore(%arg34 : memref<!tpu.dma_semaphore, #tpu.memory_space<semaphore_mem>>)
      %dma_wait3A_186 = arith.constant 0 : i32
      %dma_wait3A_187 = tpu.memref_slice %arg7[%dma_wait3A_186] : memref<100352xi32, #tpu.memory_space<vmem_shared>> -> memref<100352xi32, #tpu.memory_space<vmem_shared>>
      tpu.wait_indirect_dma semaphore(%arg34 : memref<!tpu.dma_semaphore, #tpu.memory_space<semaphore_mem>>) src(%dma_wait3A_187 : memref<100352xi32, #tpu.memory_space<vmem_shared>>) dst(%arg24 : memref<4000xi32, #tpu.memory_space<vmem>>)
      %dma_wait3A_188 = arith.constant 0 : i32
      %dma_wait3A_189 = tpu.memref_slice %arg7[%dma_wait3A_188] : memref<100352xi32, #tpu.memory_space<vmem_shared>> -> memref<100352xi32, #tpu.memory_space<vmem_shared>>
      tpu.wait_indirect_dma semaphore(%arg34 : memref<!tpu.dma_semaphore, #tpu.memory_space<semaphore_mem>>) src(%dma_wait3A_189 : memref<100352xi32, #tpu.memory_space<vmem_shared>>) dst(%arg25 : memref<4000xi32, #tpu.memory_space<vmem>>)
      %scan3A_190 = arith.constant 0 : i32
      %scan3A_191 = arith.constant 0 : i32
      %scan3A_192 = arith.constant 250 : i32
      %scan3A_193 = arith.addi %scan3A_191, %scan3A_192 : i32
      %scan3A_194 = arith.constant 1 : i32
      scf.for %scan3A_306 = %scan3A_191 to %scan3A_193 step %scan3A_194  : i32 {
        %mul3A_307 = arith.constant 16 : i32
        %mul3A_308 = arith.muli %scan3A_306, %mul3A_307 : i32
        %get3A = arith.index_cast %mul3A_308 : i32 to index
        %get3A_309 = tpu.vector_load %arg24[%get3A] {strides = array<i32>} : memref<4000xi32, #tpu.memory_space<vmem>>, vector<16xi32>,
        %bitcast3A = vector.bitcast %get3A_309 : vector<16xi32> to vector<32xbf16>
        %unpack3A = tpu.unpack_subelements %bitcast3A, 0 {pack_format = #tpu.pack_format<interleaved>} : vector<32xbf16> -> vector<16xf32>
        %unpack3A_310 = tpu.unpack_subelements %bitcast3A, 1 {pack_format = #tpu.pack_format<interleaved>} : vector<32xbf16> -> vector<16xf32>
        %get3A_311 = arith.index_cast %mul3A_308 : i32 to index
        %get3A_312 = tpu.vector_load %arg25[%get3A_311] {strides = array<i32>} : memref<4000xi32, #tpu.memory_space<vmem>>, vector<16xi32>,
        %bitcast3A_313 = vector.bitcast %get3A_312 : vector<16xi32> to vector<32xbf16>
        %unpack3A_314 = tpu.unpack_subelements %bitcast3A_313, 0 {pack_format = #tpu.pack_format<interleaved>} : vector<32xbf16> -> vector<16xf32>
        %unpack3A_315 = tpu.unpack_subelements %bitcast3A_313, 1 {pack_format = #tpu.pack_format<interleaved>} : vector<32xbf16> -> vector<16xf32>
        %get3A_316 = arith.index_cast %mul3A_308 : i32 to index
        %get3A_317 = tpu.vector_load %arg15[%get3A_316] {strides = array<i32>} : memref<4000xi32, #tpu.memory_space<vmem>>, vector<16xi32>,
        %bitcast3A_318 = vector.bitcast %get3A_317 : vector<16xi32> to vector<32xbf16>
        %unpack3A_319 = tpu.unpack_subelements %bitcast3A_318, 0 {pack_format = #tpu.pack_format<interleaved>} : vector<32xbf16> -> vector<16xf32>
        %unpack3A_320 = tpu.unpack_subelements %bitcast3A_318, 1 {pack_format = #tpu.pack_format<interleaved>} : vector<32xbf16> -> vector<16xf32>
        %sub3A = arith.subf %unpack3A, %unpack3A_314 : vector<16xf32>
        %abs3A = math.absf %sub3A : vector<16xf32>
        %rem3A = arith.constant 6.28318548 : f32
        %rem3A_321 = vector.broadcast %rem3A : f32 to vector<16xf32>
        %rem3A_322 = arith.remf %abs3A, %rem3A_321 : vector<16xf32>
        %sub3A_323 = arith.constant 3.14159274 : f32
        %sub3A_324 = vector.broadcast %sub3A_323 : f32 to vector<16xf32>
        %sub3A_325 = arith.subf %rem3A_322, %sub3A_324 : vector<16xf32>
        %mul3A_326 = arith.mulf %sub3A_325, %sub3A_325 : vector<16xf32>
        %mul3A_327 = arith.constant 2.173236E-6 : f32
        %mul3A_328 = vector.broadcast %mul3A_327 : f32 to vector<16xf32>
        %mul3A_329 = arith.mulf %mul3A_328, %mul3A_326 : vector<16xf32>
        %add3A_330 = arith.constant -1.93162312E-4 : f32
        %add3A_331 = vector.broadcast %add3A_330 : f32 to vector<16xf32>
        %add3A_332 = arith.addf %mul3A_329, %add3A_331 : vector<16xf32>
        %mul3A_333 = arith.mulf %add3A_332, %mul3A_326 : vector<16xf32>
        %add3A_334 = arith.constant 0.00831238552 : f32
        %add3A_335 = vector.broadcast %add3A_334 : f32 to vector<16xf32>
        %add3A_336 = arith.addf %mul3A_333, %add3A_335 : vector<16xf32>
        %mul3A_337 = arith.mulf %add3A_336, %mul3A_326 : vector<16xf32>
        %add3A_338 = arith.constant -0.166632593 : f32
        %add3A_339 = vector.broadcast %add3A_338 : f32 to vector<16xf32>
        %add3A_340 = arith.addf %mul3A_337, %add3A_339 : vector<16xf32>
        %mul3A_341 = arith.mulf %add3A_340, %mul3A_326 : vector<16xf32>
        %add3A_342 = arith.constant 0.999984562 : f32
        %add3A_343 = vector.broadcast %add3A_342 : f32 to vector<16xf32>
        %add3A_344 = arith.addf %mul3A_341, %add3A_343 : vector<16xf32>
        %mul3A_345 = arith.mulf %add3A_344, %sub3A_325 : vector<16xf32>
        %neg3A = arith.constant 0.000000e+00 : f32
        %neg3A_346 = vector.broadcast %neg3A : f32 to vector<16xf32>
        %neg3A_347 = arith.subf %neg3A_346, %mul3A_345 : vector<16xf32>
        %mul3A_348 = arith.mulf %sub3A_325, %sub3A_325 : vector<16xf32>
        %mul3A_349 = arith.constant -2.21939217E-7 : f32
        %mul3A_350 = vector.broadcast %mul3A_349 : f32 to vector<16xf32>
        %mul3A_351 = arith.mulf %mul3A_350, %mul3A_348 : vector<16xf32>
        %add3A_352 = arith.constant 2.4253186E-5 : f32
        %add3A_353 = vector.broadcast %add3A_352 : f32 to vector<16xf32>
        %add3A_354 = arith.addf %mul3A_351, %add3A_353 : vector<16xf32>
        %mul3A_355 = arith.mulf %add3A_354, %mul3A_348 : vector<16xf32>
        %add3A_356 = arith.constant -0.0013862747 : f32
        %add3A_357 = vector.broadcast %add3A_356 : f32 to vector<16xf32>
        %add3A_358 = arith.addf %mul3A_355, %add3A_357 : vector<16xf32>
        %mul3A_359 = arith.mulf %add3A_358, %mul3A_348 : vector<16xf32>
        %add3A_360 = arith.constant 0.0416610315 : f32
        %add3A_361 = vector.broadcast %add3A_360 : f32 to vector<16xf32>
        %add3A_362 = arith.addf %mul3A_359, %add3A_361 : vector<16xf32>
        %mul3A_363 = arith.mulf %add3A_362, %mul3A_348 : vector<16xf32>
        %add3A_364 = arith.constant -0.499995589 : f32
        %add3A_365 = vector.broadcast %add3A_364 : f32 to vector<16xf32>
        %add3A_366 = arith.addf %mul3A_363, %add3A_365 : vector<16xf32>
        %mul3A_367 = arith.mulf %add3A_366, %mul3A_348 : vector<16xf32>
        %add3A_368 = arith.constant 0.999999463 : f32
        %add3A_369 = vector.broadcast %add3A_368 : f32 to vector<16xf32>
        %add3A_370 = arith.addf %mul3A_367, %add3A_369 : vector<16xf32>
        %neg3A_371 = arith.constant 0.000000e+00 : f32
        %neg3A_372 = vector.broadcast %neg3A_371 : f32 to vector<16xf32>
        %neg3A_373 = arith.subf %neg3A_372, %add3A_370 : vector<16xf32>
        %mul3A_374 = arith.mulf %unpack3A_310, %unpack3A_315 : vector<16xf32>
        %abs3A_375 = math.absf %mul3A_374 : vector<16xf32>
        %mul3A_376 = arith.mulf %unpack3A_319, %neg3A_373 : vector<16xf32>
        %mul3A_377 = arith.mulf %unpack3A_320, %neg3A_347 : vector<16xf32>
        %add3A_378 = arith.addf %mul3A_376, %mul3A_377 : vector<16xf32>
        %mul3A_379 = arith.mulf %abs3A_375, %add3A_378 : vector<16xf32>
        %swap3A = arith.index_cast %mul3A_308 : i32 to index
        %swap3A_380 = tpu.vector_load %arg28[%swap3A] {strides = array<i32>} : memref<4000xf32, #tpu.memory_space<vmem>>, vector<16xf32>,
        tpu.vector_store %arg28[%swap3A], %mul3A_379 {strides = array<i32>} : memref<4000xf32, #tpu.memory_space<vmem>>, vector<16xf32>,
        %mul3A_381 = arith.mulf %unpack3A_319, %neg3A_347 : vector<16xf32>
        %mul3A_382 = arith.mulf %unpack3A_320, %neg3A_373 : vector<16xf32>
        %sub3A_383 = arith.subf %mul3A_381, %mul3A_382 : vector<16xf32>
        %mul3A_384 = arith.mulf %abs3A_375, %sub3A_383 : vector<16xf32>
        %swap3A_385 = arith.index_cast %mul3A_308 : i32 to index
        %swap3A_386 = tpu.vector_load %arg29[%swap3A_385] {strides = array<i32>} : memref<4000xf32, #tpu.memory_space<vmem>>, vector<16xf32>,
        tpu.vector_store %arg29[%swap3A_385], %mul3A_384 {strides = array<i32>} : memref<4000xf32, #tpu.memory_space<vmem>>, vector<16xf32>,
      }
      %scan3A_195 = arith.constant 250 : i32
      %gt3A_196 = arith.constant 0 : i32
      %gt3A_197 = arith.cmpi sgt, %add3A_168, %gt3A_196 : i32
      %convert_element_type3A_198 = arith.extui %gt3A_197 : i1 to i32
      %cond3A_199 = arith.constant 0 : i32
      %cond3A_200 = arith.cmpi ne, %convert_element_type3A_198, %cond3A_199 : i32
      scf.if %cond3A_200 {
        %dma_wait3A_306 = arith.constant 0 : i32
        %dma_wait3A_307 = tpu.memref_slice %arg8[%dma_wait3A_306] : memref<100352xf32, #tpu.memory_space<vmem_shared>> -> memref<100352xf32, #tpu.memory_space<vmem_shared>>
        tpu.wait_indirect_dma semaphore(%arg35 : memref<!tpu.dma_semaphore, #tpu.memory_space<semaphore_mem>>) src(%arg26 : memref<4000xf32, #tpu.memory_space<vmem>>) dst(%dma_wait3A_307 : memref<100352xf32, #tpu.memory_space<vmem_shared>>)
        %dma_wait3A_308 = arith.constant 0 : i32
        %dma_wait3A_309 = tpu.memref_slice %arg9[%dma_wait3A_308] : memref<100352xf32, #tpu.memory_space<vmem_shared>> -> memref<100352xf32, #tpu.memory_space<vmem_shared>>
        tpu.wait_indirect_dma semaphore(%arg35 : memref<!tpu.dma_semaphore, #tpu.memory_space<semaphore_mem>>) src(%arg27 : memref<4000xf32, #tpu.memory_space<vmem>>) dst(%dma_wait3A_309 : memref<100352xf32, #tpu.memory_space<vmem_shared>>)
      } else {
      }
      %add3A_201 = arith.constant 3 : i32
      %add3A_202 = arith.addi %add3A_168, %add3A_201 : i32
      %lt3A_203 = arith.constant 50 : i32
      %lt3A_204 = arith.cmpi slt, %add3A_202, %lt3A_203 : i32
      %convert_element_type3A_205 = arith.extui %lt3A_204 : i1 to i32
      %cond3A_206 = arith.constant 0 : i32
      %cond3A_207 = arith.cmpi ne, %convert_element_type3A_205, %cond3A_206 : i32
      scf.if %cond3A_207 {
        %add3A_306 = arith.constant 3 : i32
        %add3A_307 = arith.addi %add3A_168, %add3A_306 : i32
        %mul3A_308 = arith.constant 4000 : i32
        %mul3A_309 = arith.muli %add3A_307, %mul3A_308 : i32
        %add3A_310 = arith.addi %mul3A_4, %mul3A_309 : i32
        %dma_start3A_311 = tpu.memref_slice %arg3[%add3A_310] : memref<12800000xi32, #tpu.memory_space<hbm>> -> memref<4000xi32, #tpu.memory_space<hbm>>
        %dma_start3A_312 = tpu.memref_slice %arg3[%add3A_310] : memref<12800000xi32, #tpu.memory_space<hbm>> -> memref<4000xi32, #tpu.memory_space<hbm>>
        tpu.enqueue_dma source(%dma_start3A_312 : memref<4000xi32, #tpu.memory_space<hbm>>) target(%arg10 : memref<4000xi32, #tpu.memory_space<vmem>>) target_semaphore(%arg30 : memref<!tpu.dma_semaphore, #tpu.memory_space<semaphore_mem>>)
        %add3A_313 = arith.constant 6400000 : i32
        %add3A_314 = arith.addi %add3A_313, %add3A_310 : i32
        %dma_start3A_315 = tpu.memref_slice %arg3[%add3A_314] : memref<12800000xi32, #tpu.memory_space<hbm>> -> memref<4000xi32, #tpu.memory_space<hbm>>
        %dma_start3A_316 = tpu.memref_slice %arg3[%add3A_314] : memref<12800000xi32, #tpu.memory_space<hbm>> -> memref<4000xi32, #tpu.memory_space<hbm>>
        tpu.enqueue_dma source(%dma_start3A_316 : memref<4000xi32, #tpu.memory_space<hbm>>) target(%arg11 : memref<4000xi32, #tpu.memory_space<vmem>>) target_semaphore(%arg30 : memref<!tpu.dma_semaphore, #tpu.memory_space<semaphore_mem>>)
        %dma_start3A_317 = tpu.memref_slice %arg4[%add3A_310] : memref<6400000xi32, #tpu.memory_space<hbm>> -> memref<4000xi32, #tpu.memory_space<hbm>>
        %dma_start3A_318 = tpu.memref_slice %arg4[%add3A_310] : memref<6400000xi32, #tpu.memory_space<hbm>> -> memref<4000xi32, #tpu.memory_space<hbm>>
        tpu.enqueue_dma source(%dma_start3A_318 : memref<4000xi32, #tpu.memory_space<hbm>>) target(%arg12 : memref<4000xi32, #tpu.memory_space<vmem>>) target_semaphore(%arg30 : memref<!tpu.dma_semaphore, #tpu.memory_space<semaphore_mem>>)
      } else {
      }
      %dma_start3A_208 = arith.constant 0 : i32
      %dma_start3A_209 = tpu.memref_slice %arg8[%dma_start3A_208] : memref<100352xf32, #tpu.memory_space<vmem_shared>> -> memref<100352xf32, #tpu.memory_space<vmem_shared>>
      tpu.enqueue_indirect_dma source(%arg28 : memref<4000xf32, #tpu.memory_space<vmem>>) target(%dma_start3A_209 : memref<100352xf32, #tpu.memory_space<vmem_shared>>) offsets(%arg13 : memref<4000xi32, #tpu.memory_space<vmem>>) semaphore(%arg35 : memref<!tpu.dma_semaphore, #tpu.memory_space<semaphore_mem>>) {add = true}
      %dma_start3A_210 = arith.constant 0 : i32
      %dma_start3A_211 = tpu.memref_slice %arg9[%dma_start3A_210] : memref<100352xf32, #tpu.memory_space<vmem_shared>> -> memref<100352xf32, #tpu.memory_space<vmem_shared>>
      tpu.enqueue_indirect_dma source(%arg29 : memref<4000xf32, #tpu.memory_space<vmem>>) target(%dma_start3A_211 : memref<100352xf32, #tpu.memory_space<vmem_shared>>) offsets(%arg13 : memref<4000xi32, #tpu.memory_space<vmem>>) semaphore(%arg35 : memref<!tpu.dma_semaphore, #tpu.memory_space<semaphore_mem>>) {add = true}
      %mul3A_212 = arith.constant 4 : i32
      %mul3A_213 = arith.muli %mul3A_212, %scan3A_121 : i32
      %add3A_214 = arith.constant 2 : i32
      %add3A_215 = arith.addi %mul3A_213, %add3A_214 : i32
      %add3A_216 = arith.constant 1 : i32
      %add3A_217 = arith.addi %add3A_215, %add3A_216 : i32
      %mul3A_218 = arith.constant 4000 : i32
      %mul3A_219 = arith.muli %add3A_217, %mul3A_218 : i32
      %add3A_220 = arith.addi %mul3A_4, %mul3A_219 : i32
      %dma_wait3A_221 = tpu.memref_slice %arg3[%add3A_220] : memref<12800000xi32, #tpu.memory_space<hbm>> -> memref<4000xi32, #tpu.memory_space<hbm>>
      %dma_wait3A_222 = tpu.memref_slice %arg3[%add3A_220] : memref<12800000xi32, #tpu.memory_space<hbm>> -> memref<4000xi32, #tpu.memory_space<hbm>>
      tpu.wait_dma2 semaphore(%arg33 : memref<!tpu.dma_semaphore, #tpu.memory_space<semaphore_mem>>) src(%dma_wait3A_222 : memref<4000xi32, #tpu.memory_space<hbm>>) dst(%arg19 : memref<4000xi32, #tpu.memory_space<vmem>>)
      %add3A_223 = arith.constant 6400000 : i32
      %add3A_224 = arith.addi %add3A_223, %add3A_220 : i32
      %dma_wait3A_225 = tpu.memref_slice %arg3[%add3A_224] : memref<12800000xi32, #tpu.memory_space<hbm>> -> memref<4000xi32, #tpu.memory_space<hbm>>
      %dma_wait3A_226 = tpu.memref_slice %arg3[%add3A_224] : memref<12800000xi32, #tpu.memory_space<hbm>> -> memref<4000xi32, #tpu.memory_space<hbm>>
      tpu.wait_dma2 semaphore(%arg33 : memref<!tpu.dma_semaphore, #tpu.memory_space<semaphore_mem>>) src(%dma_wait3A_226 : memref<4000xi32, #tpu.memory_space<hbm>>) dst(%arg20 : memref<4000xi32, #tpu.memory_space<vmem>>)
      %dma_wait3A_227 = tpu.memref_slice %arg4[%add3A_220] : memref<6400000xi32, #tpu.memory_space<hbm>> -> memref<4000xi32, #tpu.memory_space<hbm>>
      %dma_wait3A_228 = tpu.memref_slice %arg4[%add3A_220] : memref<6400000xi32, #tpu.memory_space<hbm>> -> memref<4000xi32, #tpu.memory_space<hbm>>
      tpu.wait_dma2 semaphore(%arg33 : memref<!tpu.dma_semaphore, #tpu.memory_space<semaphore_mem>>) src(%dma_wait3A_228 : memref<4000xi32, #tpu.memory_space<hbm>>) dst(%arg21 : memref<4000xi32, #tpu.memory_space<vmem>>)
      %dma_start3A_229 = arith.constant 0 : i32
      %dma_start3A_230 = tpu.memref_slice %arg7[%dma_start3A_229] : memref<100352xi32, #tpu.memory_space<vmem_shared>> -> memref<100352xi32, #tpu.memory_space<vmem_shared>>
      tpu.enqueue_indirect_dma source(%dma_start3A_230 : memref<100352xi32, #tpu.memory_space<vmem_shared>>) target(%arg24 : memref<4000xi32, #tpu.memory_space<vmem>>) offsets(%arg19 : memref<4000xi32, #tpu.memory_space<vmem>>) semaphore(%arg34 : memref<!tpu.dma_semaphore, #tpu.memory_space<semaphore_mem>>)
      %dma_start3A_231 = arith.constant 0 : i32
      %dma_start3A_232 = tpu.memref_slice %arg7[%dma_start3A_231] : memref<100352xi32, #tpu.memory_space<vmem_shared>> -> memref<100352xi32, #tpu.memory_space<vmem_shared>>
      tpu.enqueue_indirect_dma source(%dma_start3A_232 : memref<100352xi32, #tpu.memory_space<vmem_shared>>) target(%arg25 : memref<4000xi32, #tpu.memory_space<vmem>>) offsets(%arg20 : memref<4000xi32, #tpu.memory_space<vmem>>) semaphore(%arg34 : memref<!tpu.dma_semaphore, #tpu.memory_space<semaphore_mem>>)
      %dma_wait3A_233 = arith.constant 0 : i32
      %dma_wait3A_234 = tpu.memref_slice %arg7[%dma_wait3A_233] : memref<100352xi32, #tpu.memory_space<vmem_shared>> -> memref<100352xi32, #tpu.memory_space<vmem_shared>>
      tpu.wait_indirect_dma semaphore(%arg34 : memref<!tpu.dma_semaphore, #tpu.memory_space<semaphore_mem>>) src(%dma_wait3A_234 : memref<100352xi32, #tpu.memory_space<vmem_shared>>) dst(%arg22 : memref<4000xi32, #tpu.memory_space<vmem>>)
      %dma_wait3A_235 = arith.constant 0 : i32
      %dma_wait3A_236 = tpu.memref_slice %arg7[%dma_wait3A_235] : memref<100352xi32, #tpu.memory_space<vmem_shared>> -> memref<100352xi32, #tpu.memory_space<vmem_shared>>
      tpu.wait_indirect_dma semaphore(%arg34 : memref<!tpu.dma_semaphore, #tpu.memory_space<semaphore_mem>>) src(%dma_wait3A_236 : memref<100352xi32, #tpu.memory_space<vmem_shared>>) dst(%arg23 : memref<4000xi32, #tpu.memory_space<vmem>>)
      %scan3A_237 = arith.constant 0 : i32
      %scan3A_238 = arith.constant 0 : i32
      %scan3A_239 = arith.constant 250 : i32
      %scan3A_240 = arith.addi %scan3A_238, %scan3A_239 : i32
      %scan3A_241 = arith.constant 1 : i32
      scf.for %scan3A_306 = %scan3A_238 to %scan3A_240 step %scan3A_241  : i32 {
        %mul3A_307 = arith.constant 16 : i32
        %mul3A_308 = arith.muli %scan3A_306, %mul3A_307 : i32
        %get3A = arith.index_cast %mul3A_308 : i32 to index
        %get3A_309 = tpu.vector_load %arg22[%get3A] {strides = array<i32>} : memref<4000xi32, #tpu.memory_space<vmem>>, vector<16xi32>,
        %bitcast3A = vector.bitcast %get3A_309 : vector<16xi32> to vector<32xbf16>
        %unpack3A = tpu.unpack_subelements %bitcast3A, 0 {pack_format = #tpu.pack_format<interleaved>} : vector<32xbf16> -> vector<16xf32>
        %unpack3A_310 = tpu.unpack_subelements %bitcast3A, 1 {pack_format = #tpu.pack_format<interleaved>} : vector<32xbf16> -> vector<16xf32>
        %get3A_311 = arith.index_cast %mul3A_308 : i32 to index
        %get3A_312 = tpu.vector_load %arg23[%get3A_311] {strides = array<i32>} : memref<4000xi32, #tpu.memory_space<vmem>>, vector<16xi32>,
        %bitcast3A_313 = vector.bitcast %get3A_312 : vector<16xi32> to vector<32xbf16>
        %unpack3A_314 = tpu.unpack_subelements %bitcast3A_313, 0 {pack_format = #tpu.pack_format<interleaved>} : vector<32xbf16> -> vector<16xf32>
        %unpack3A_315 = tpu.unpack_subelements %bitcast3A_313, 1 {pack_format = #tpu.pack_format<interleaved>} : vector<32xbf16> -> vector<16xf32>
        %get3A_316 = arith.index_cast %mul3A_308 : i32 to index
        %get3A_317 = tpu.vector_load %arg18[%get3A_316] {strides = array<i32>} : memref<4000xi32, #tpu.memory_space<vmem>>, vector<16xi32>,
        %bitcast3A_318 = vector.bitcast %get3A_317 : vector<16xi32> to vector<32xbf16>
        %unpack3A_319 = tpu.unpack_subelements %bitcast3A_318, 0 {pack_format = #tpu.pack_format<interleaved>} : vector<32xbf16> -> vector<16xf32>
        %unpack3A_320 = tpu.unpack_subelements %bitcast3A_318, 1 {pack_format = #tpu.pack_format<interleaved>} : vector<32xbf16> -> vector<16xf32>
        %sub3A = arith.subf %unpack3A, %unpack3A_314 : vector<16xf32>
        %abs3A = math.absf %sub3A : vector<16xf32>
        %rem3A = arith.constant 6.28318548 : f32
        %rem3A_321 = vector.broadcast %rem3A : f32 to vector<16xf32>
        %rem3A_322 = arith.remf %abs3A, %rem3A_321 : vector<16xf32>
        %sub3A_323 = arith.constant 3.14159274 : f32
        %sub3A_324 = vector.broadcast %sub3A_323 : f32 to vector<16xf32>
        %sub3A_325 = arith.subf %rem3A_322, %sub3A_324 : vector<16xf32>
        %mul3A_326 = arith.mulf %sub3A_325, %sub3A_325 : vector<16xf32>
        %mul3A_327 = arith.constant 2.173236E-6 : f32
        %mul3A_328 = vector.broadcast %mul3A_327 : f32 to vector<16xf32>
        %mul3A_329 = arith.mulf %mul3A_328, %mul3A_326 : vector<16xf32>
        %add3A_330 = arith.constant -1.93162312E-4 : f32
        %add3A_331 = vector.broadcast %add3A_330 : f32 to vector<16xf32>
        %add3A_332 = arith.addf %mul3A_329, %add3A_331 : vector<16xf32>
        %mul3A_333 = arith.mulf %add3A_332, %mul3A_326 : vector<16xf32>
        %add3A_334 = arith.constant 0.00831238552 : f32
        %add3A_335 = vector.broadcast %add3A_334 : f32 to vector<16xf32>
        %add3A_336 = arith.addf %mul3A_333, %add3A_335 : vector<16xf32>
        %mul3A_337 = arith.mulf %add3A_336, %mul3A_326 : vector<16xf32>
        %add3A_338 = arith.constant -0.166632593 : f32
        %add3A_339 = vector.broadcast %add3A_338 : f32 to vector<16xf32>
        %add3A_340 = arith.addf %mul3A_337, %add3A_339 : vector<16xf32>
        %mul3A_341 = arith.mulf %add3A_340, %mul3A_326 : vector<16xf32>
        %add3A_342 = arith.constant 0.999984562 : f32
        %add3A_343 = vector.broadcast %add3A_342 : f32 to vector<16xf32>
        %add3A_344 = arith.addf %mul3A_341, %add3A_343 : vector<16xf32>
        %mul3A_345 = arith.mulf %add3A_344, %sub3A_325 : vector<16xf32>
        %neg3A = arith.constant 0.000000e+00 : f32
        %neg3A_346 = vector.broadcast %neg3A : f32 to vector<16xf32>
        %neg3A_347 = arith.subf %neg3A_346, %mul3A_345 : vector<16xf32>
        %mul3A_348 = arith.mulf %sub3A_325, %sub3A_325 : vector<16xf32>
        %mul3A_349 = arith.constant -2.21939217E-7 : f32
        %mul3A_350 = vector.broadcast %mul3A_349 : f32 to vector<16xf32>
        %mul3A_351 = arith.mulf %mul3A_350, %mul3A_348 : vector<16xf32>
        %add3A_352 = arith.constant 2.4253186E-5 : f32
        %add3A_353 = vector.broadcast %add3A_352 : f32 to vector<16xf32>
        %add3A_354 = arith.addf %mul3A_351, %add3A_353 : vector<16xf32>
        %mul3A_355 = arith.mulf %add3A_354, %mul3A_348 : vector<16xf32>
        %add3A_356 = arith.constant -0.0013862747 : f32
        %add3A_357 = vector.broadcast %add3A_356 : f32 to vector<16xf32>
        %add3A_358 = arith.addf %mul3A_355, %add3A_357 : vector<16xf32>
        %mul3A_359 = arith.mulf %add3A_358, %mul3A_348 : vector<16xf32>
        %add3A_360 = arith.constant 0.0416610315 : f32
        %add3A_361 = vector.broadcast %add3A_360 : f32 to vector<16xf32>
        %add3A_362 = arith.addf %mul3A_359, %add3A_361 : vector<16xf32>
        %mul3A_363 = arith.mulf %add3A_362, %mul3A_348 : vector<16xf32>
        %add3A_364 = arith.constant -0.499995589 : f32
        %add3A_365 = vector.broadcast %add3A_364 : f32 to vector<16xf32>
        %add3A_366 = arith.addf %mul3A_363, %add3A_365 : vector<16xf32>
        %mul3A_367 = arith.mulf %add3A_366, %mul3A_348 : vector<16xf32>
        %add3A_368 = arith.constant 0.999999463 : f32
        %add3A_369 = vector.broadcast %add3A_368 : f32 to vector<16xf32>
        %add3A_370 = arith.addf %mul3A_367, %add3A_369 : vector<16xf32>
        %neg3A_371 = arith.constant 0.000000e+00 : f32
        %neg3A_372 = vector.broadcast %neg3A_371 : f32 to vector<16xf32>
        %neg3A_373 = arith.subf %neg3A_372, %add3A_370 : vector<16xf32>
        %mul3A_374 = arith.mulf %unpack3A_310, %unpack3A_315 : vector<16xf32>
        %abs3A_375 = math.absf %mul3A_374 : vector<16xf32>
        %mul3A_376 = arith.mulf %unpack3A_319, %neg3A_373 : vector<16xf32>
        %mul3A_377 = arith.mulf %unpack3A_320, %neg3A_347 : vector<16xf32>
        %add3A_378 = arith.addf %mul3A_376, %mul3A_377 : vector<16xf32>
        %mul3A_379 = arith.mulf %abs3A_375, %add3A_378 : vector<16xf32>
        %swap3A = arith.index_cast %mul3A_308 : i32 to index
        %swap3A_380 = tpu.vector_load %arg26[%swap3A] {strides = array<i32>} : memref<4000xf32, #tpu.memory_space<vmem>>, vector<16xf32>,
        tpu.vector_store %arg26[%swap3A], %mul3A_379 {strides = array<i32>} : memref<4000xf32, #tpu.memory_space<vmem>>, vector<16xf32>,
        %mul3A_381 = arith.mulf %unpack3A_319, %neg3A_347 : vector<16xf32>
        %mul3A_382 = arith.mulf %unpack3A_320, %neg3A_373 : vector<16xf32>
        %sub3A_383 = arith.subf %mul3A_381, %mul3A_382 : vector<16xf32>
        %mul3A_384 = arith.mulf %abs3A_375, %sub3A_383 : vector<16xf32>
        %swap3A_385 = arith.index_cast %mul3A_308 : i32 to index
        %swap3A_386 = tpu.vector_load %arg27[%swap3A_385] {strides = array<i32>} : memref<4000xf32, #tpu.memory_space<vmem>>, vector<16xf32>,
        tpu.vector_store %arg27[%swap3A_385], %mul3A_384 {strides = array<i32>} : memref<4000xf32, #tpu.memory_space<vmem>>, vector<16xf32>,
      }
      %scan3A_242 = arith.constant 250 : i32
      %gt3A_243 = arith.constant 0 : i32
      %gt3A_244 = arith.cmpi sgt, %add3A_215, %gt3A_243 : i32
      %convert_element_type3A_245 = arith.extui %gt3A_244 : i1 to i32
      %cond3A_246 = arith.constant 0 : i32
      %cond3A_247 = arith.cmpi ne, %convert_element_type3A_245, %cond3A_246 : i32
      scf.if %cond3A_247 {
        %dma_wait3A_306 = arith.constant 0 : i32
        %dma_wait3A_307 = tpu.memref_slice %arg8[%dma_wait3A_306] : memref<100352xf32, #tpu.memory_space<vmem_shared>> -> memref<100352xf32, #tpu.memory_space<vmem_shared>>
        tpu.wait_indirect_dma semaphore(%arg35 : memref<!tpu.dma_semaphore, #tpu.memory_space<semaphore_mem>>) src(%arg28 : memref<4000xf32, #tpu.memory_space<vmem>>) dst(%dma_wait3A_307 : memref<100352xf32, #tpu.memory_space<vmem_shared>>)
        %dma_wait3A_308 = arith.constant 0 : i32
        %dma_wait3A_309 = tpu.memref_slice %arg9[%dma_wait3A_308] : memref<100352xf32, #tpu.memory_space<vmem_shared>> -> memref<100352xf32, #tpu.memory_space<vmem_shared>>
        tpu.wait_indirect_dma semaphore(%arg35 : memref<!tpu.dma_semaphore, #tpu.memory_space<semaphore_mem>>) src(%arg29 : memref<4000xf32, #tpu.memory_space<vmem>>) dst(%dma_wait3A_309 : memref<100352xf32, #tpu.memory_space<vmem_shared>>)
      } else {
      }
      %add3A_248 = arith.constant 3 : i32
      %add3A_249 = arith.addi %add3A_215, %add3A_248 : i32
      %lt3A_250 = arith.constant 50 : i32
      %lt3A_251 = arith.cmpi slt, %add3A_249, %lt3A_250 : i32
      %convert_element_type3A_252 = arith.extui %lt3A_251 : i1 to i32
      %cond3A_253 = arith.constant 0 : i32
      %cond3A_254 = arith.cmpi ne, %convert_element_type3A_252, %cond3A_253 : i32
      scf.if %cond3A_254 {
        %add3A_306 = arith.constant 3 : i32
        %add3A_307 = arith.addi %add3A_215, %add3A_306 : i32
        %mul3A_308 = arith.constant 4000 : i32
        %mul3A_309 = arith.muli %add3A_307, %mul3A_308 : i32
        %add3A_310 = arith.addi %mul3A_4, %mul3A_309 : i32
        %dma_start3A_311 = tpu.memref_slice %arg3[%add3A_310] : memref<12800000xi32, #tpu.memory_space<hbm>> -> memref<4000xi32, #tpu.memory_space<hbm>>
        %dma_start3A_312 = tpu.memref_slice %arg3[%add3A_310] : memref<12800000xi32, #tpu.memory_space<hbm>> -> memref<4000xi32, #tpu.memory_space<hbm>>
        tpu.enqueue_dma source(%dma_start3A_312 : memref<4000xi32, #tpu.memory_space<hbm>>) target(%arg13 : memref<4000xi32, #tpu.memory_space<vmem>>) target_semaphore(%arg31 : memref<!tpu.dma_semaphore, #tpu.memory_space<semaphore_mem>>)
        %add3A_313 = arith.constant 6400000 : i32
        %add3A_314 = arith.addi %add3A_313, %add3A_310 : i32
        %dma_start3A_315 = tpu.memref_slice %arg3[%add3A_314] : memref<12800000xi32, #tpu.memory_space<hbm>> -> memref<4000xi32, #tpu.memory_space<hbm>>
        %dma_start3A_316 = tpu.memref_slice %arg3[%add3A_314] : memref<12800000xi32, #tpu.memory_space<hbm>> -> memref<4000xi32, #tpu.memory_space<hbm>>
        tpu.enqueue_dma source(%dma_start3A_316 : memref<4000xi32, #tpu.memory_space<hbm>>) target(%arg14 : memref<4000xi32, #tpu.memory_space<vmem>>) target_semaphore(%arg31 : memref<!tpu.dma_semaphore, #tpu.memory_space<semaphore_mem>>)
        %dma_start3A_317 = tpu.memref_slice %arg4[%add3A_310] : memref<6400000xi32, #tpu.memory_space<hbm>> -> memref<4000xi32, #tpu.memory_space<hbm>>
        %dma_start3A_318 = tpu.memref_slice %arg4[%add3A_310] : memref<6400000xi32, #tpu.memory_space<hbm>> -> memref<4000xi32, #tpu.memory_space<hbm>>
        tpu.enqueue_dma source(%dma_start3A_318 : memref<4000xi32, #tpu.memory_space<hbm>>) target(%arg15 : memref<4000xi32, #tpu.memory_space<vmem>>) target_semaphore(%arg31 : memref<!tpu.dma_semaphore, #tpu.memory_space<semaphore_mem>>)
      } else {
      }
      %dma_start3A_255 = arith.constant 0 : i32
      %dma_start3A_256 = tpu.memref_slice %arg8[%dma_start3A_255] : memref<100352xf32, #tpu.memory_space<vmem_shared>> -> memref<100352xf32, #tpu.memory_space<vmem_shared>>
      tpu.enqueue_indirect_dma source(%arg26 : memref<4000xf32, #tpu.memory_space<vmem>>) target(%dma_start3A_256 : memref<100352xf32, #tpu.memory_space<vmem_shared>>) offsets(%arg16 : memref<4000xi32, #tpu.memory_space<vmem>>) semaphore(%arg35 : memref<!tpu.dma_semaphore, #tpu.memory_space<semaphore_mem>>) {add = true}
      %dma_start3A_257 = arith.constant 0 : i32
      %dma_start3A_258 = tpu.memref_slice %arg9[%dma_start3A_257] : memref<100352xf32, #tpu.memory_space<vmem_shared>> -> memref<100352xf32, #tpu.memory_space<vmem_shared>>
      tpu.enqueue_indirect_dma source(%arg27 : memref<4000xf32, #tpu.memory_space<vmem>>) target(%dma_start3A_258 : memref<100352xf32, #tpu.memory_space<vmem_shared>>) offsets(%arg16 : memref<4000xi32, #tpu.memory_space<vmem>>) semaphore(%arg35 : memref<!tpu.dma_semaphore, #tpu.memory_space<semaphore_mem>>) {add = true}
      %mul3A_259 = arith.constant 4 : i32
      %mul3A_260 = arith.muli %mul3A_259, %scan3A_121 : i32
      %add3A_261 = arith.constant 3 : i32
      %add3A_262 = arith.addi %mul3A_260, %add3A_261 : i32
      %add3A_263 = arith.constant 1 : i32
      %add3A_264 = arith.addi %add3A_262, %add3A_263 : i32
      %mul3A_265 = arith.constant 4000 : i32
      %mul3A_266 = arith.muli %add3A_264, %mul3A_265 : i32
      %add3A_267 = arith.addi %mul3A_4, %mul3A_266 : i32
      %dma_wait3A_268 = tpu.memref_slice %arg3[%add3A_267] : memref<12800000xi32, #tpu.memory_space<hbm>> -> memref<4000xi32, #tpu.memory_space<hbm>>
      %dma_wait3A_269 = tpu.memref_slice %arg3[%add3A_267] : memref<12800000xi32, #tpu.memory_space<hbm>> -> memref<4000xi32, #tpu.memory_space<hbm>>
      tpu.wait_dma2 semaphore(%arg30 : memref<!tpu.dma_semaphore, #tpu.memory_space<semaphore_mem>>) src(%dma_wait3A_269 : memref<4000xi32, #tpu.memory_space<hbm>>) dst(%arg10 : memref<4000xi32, #tpu.memory_space<vmem>>)
      %add3A_270 = arith.constant 6400000 : i32
      %add3A_271 = arith.addi %add3A_270, %add3A_267 : i32
      %dma_wait3A_272 = tpu.memref_slice %arg3[%add3A_271] : memref<12800000xi32, #tpu.memory_space<hbm>> -> memref<4000xi32, #tpu.memory_space<hbm>>
      %dma_wait3A_273 = tpu.memref_slice %arg3[%add3A_271] : memref<12800000xi32, #tpu.memory_space<hbm>> -> memref<4000xi32, #tpu.memory_space<hbm>>
      tpu.wait_dma2 semaphore(%arg30 : memref<!tpu.dma_semaphore, #tpu.memory_space<semaphore_mem>>) src(%dma_wait3A_273 : memref<4000xi32, #tpu.memory_space<hbm>>) dst(%arg11 : memref<4000xi32, #tpu.memory_space<vmem>>)
      %dma_wait3A_274 = tpu.memref_slice %arg4[%add3A_267] : memref<6400000xi32, #tpu.memory_space<hbm>> -> memref<4000xi32, #tpu.memory_space<hbm>>
      %dma_wait3A_275 = tpu.memref_slice %arg4[%add3A_267] : memref<6400000xi32, #tpu.memory_space<hbm>> -> memref<4000xi32, #tpu.memory_space<hbm>>
      tpu.wait_dma2 semaphore(%arg30 : memref<!tpu.dma_semaphore, #tpu.memory_space<semaphore_mem>>) src(%dma_wait3A_275 : memref<4000xi32, #tpu.memory_space<hbm>>) dst(%arg12 : memref<4000xi32, #tpu.memory_space<vmem>>)
      %dma_start3A_276 = arith.constant 0 : i32
      %dma_start3A_277 = tpu.memref_slice %arg7[%dma_start3A_276] : memref<100352xi32, #tpu.memory_space<vmem_shared>> -> memref<100352xi32, #tpu.memory_space<vmem_shared>>
      tpu.enqueue_indirect_dma source(%dma_start3A_277 : memref<100352xi32, #tpu.memory_space<vmem_shared>>) target(%arg22 : memref<4000xi32, #tpu.memory_space<vmem>>) offsets(%arg10 : memref<4000xi32, #tpu.memory_space<vmem>>) semaphore(%arg34 : memref<!tpu.dma_semaphore, #tpu.memory_space<semaphore_mem>>)
      %dma_start3A_278 = arith.constant 0 : i32
      %dma_start3A_279 = tpu.memref_slice %arg7[%dma_start3A_278] : memref<100352xi32, #tpu.memory_space<vmem_shared>> -> memref<100352xi32, #tpu.memory_space<vmem_shared>>
      tpu.enqueue_indirect_dma source(%dma_start3A_279 : memref<100352xi32, #tpu.memory_space<vmem_shared>>) target(%arg23 : memref<4000xi32, #tpu.memory_space<vmem>>) offsets(%arg11 : memref<4000xi32, #tpu.memory_space<vmem>>) semaphore(%arg34 : memref<!tpu.dma_semaphore, #tpu.memory_space<semaphore_mem>>)
      %dma_wait3A_280 = arith.constant 0 : i32
      %dma_wait3A_281 = tpu.memref_slice %arg7[%dma_wait3A_280] : memref<100352xi32, #tpu.memory_space<vmem_shared>> -> memref<100352xi32, #tpu.memory_space<vmem_shared>>
      tpu.wait_indirect_dma semaphore(%arg34 : memref<!tpu.dma_semaphore, #tpu.memory_space<semaphore_mem>>) src(%dma_wait3A_281 : memref<100352xi32, #tpu.memory_space<vmem_shared>>) dst(%arg24 : memref<4000xi32, #tpu.memory_space<vmem>>)
      %dma_wait3A_282 = arith.constant 0 : i32
      %dma_wait3A_283 = tpu.memref_slice %arg7[%dma_wait3A_282] : memref<100352xi32, #tpu.memory_space<vmem_shared>> -> memref<100352xi32, #tpu.memory_space<vmem_shared>>
      tpu.wait_indirect_dma semaphore(%arg34 : memref<!tpu.dma_semaphore, #tpu.memory_space<semaphore_mem>>) src(%dma_wait3A_283 : memref<100352xi32, #tpu.memory_space<vmem_shared>>) dst(%arg25 : memref<4000xi32, #tpu.memory_space<vmem>>)
      %scan3A_284 = arith.constant 0 : i32
      %scan3A_285 = arith.constant 0 : i32
      %scan3A_286 = arith.constant 250 : i32
      %scan3A_287 = arith.addi %scan3A_285, %scan3A_286 : i32
      %scan3A_288 = arith.constant 1 : i32
      scf.for %scan3A_306 = %scan3A_285 to %scan3A_287 step %scan3A_288  : i32 {
        %mul3A_307 = arith.constant 16 : i32
        %mul3A_308 = arith.muli %scan3A_306, %mul3A_307 : i32
        %get3A = arith.index_cast %mul3A_308 : i32 to index
        %get3A_309 = tpu.vector_load %arg24[%get3A] {strides = array<i32>} : memref<4000xi32, #tpu.memory_space<vmem>>, vector<16xi32>,
        %bitcast3A = vector.bitcast %get3A_309 : vector<16xi32> to vector<32xbf16>
        %unpack3A = tpu.unpack_subelements %bitcast3A, 0 {pack_format = #tpu.pack_format<interleaved>} : vector<32xbf16> -> vector<16xf32>
        %unpack3A_310 = tpu.unpack_subelements %bitcast3A, 1 {pack_format = #tpu.pack_format<interleaved>} : vector<32xbf16> -> vector<16xf32>
        %get3A_311 = arith.index_cast %mul3A_308 : i32 to index
        %get3A_312 = tpu.vector_load %arg25[%get3A_311] {strides = array<i32>} : memref<4000xi32, #tpu.memory_space<vmem>>, vector<16xi32>,
        %bitcast3A_313 = vector.bitcast %get3A_312 : vector<16xi32> to vector<32xbf16>
        %unpack3A_314 = tpu.unpack_subelements %bitcast3A_313, 0 {pack_format = #tpu.pack_format<interleaved>} : vector<32xbf16> -> vector<16xf32>
        %unpack3A_315 = tpu.unpack_subelements %bitcast3A_313, 1 {pack_format = #tpu.pack_format<interleaved>} : vector<32xbf16> -> vector<16xf32>
        %get3A_316 = arith.index_cast %mul3A_308 : i32 to index
        %get3A_317 = tpu.vector_load %arg21[%get3A_316] {strides = array<i32>} : memref<4000xi32, #tpu.memory_space<vmem>>, vector<16xi32>,
        %bitcast3A_318 = vector.bitcast %get3A_317 : vector<16xi32> to vector<32xbf16>
        %unpack3A_319 = tpu.unpack_subelements %bitcast3A_318, 0 {pack_format = #tpu.pack_format<interleaved>} : vector<32xbf16> -> vector<16xf32>
        %unpack3A_320 = tpu.unpack_subelements %bitcast3A_318, 1 {pack_format = #tpu.pack_format<interleaved>} : vector<32xbf16> -> vector<16xf32>
        %sub3A = arith.subf %unpack3A, %unpack3A_314 : vector<16xf32>
        %abs3A = math.absf %sub3A : vector<16xf32>
        %rem3A = arith.constant 6.28318548 : f32
        %rem3A_321 = vector.broadcast %rem3A : f32 to vector<16xf32>
        %rem3A_322 = arith.remf %abs3A, %rem3A_321 : vector<16xf32>
        %sub3A_323 = arith.constant 3.14159274 : f32
        %sub3A_324 = vector.broadcast %sub3A_323 : f32 to vector<16xf32>
        %sub3A_325 = arith.subf %rem3A_322, %sub3A_324 : vector<16xf32>
        %mul3A_326 = arith.mulf %sub3A_325, %sub3A_325 : vector<16xf32>
        %mul3A_327 = arith.constant 2.173236E-6 : f32
        %mul3A_328 = vector.broadcast %mul3A_327 : f32 to vector<16xf32>
        %mul3A_329 = arith.mulf %mul3A_328, %mul3A_326 : vector<16xf32>
        %add3A_330 = arith.constant -1.93162312E-4 : f32
        %add3A_331 = vector.broadcast %add3A_330 : f32 to vector<16xf32>
        %add3A_332 = arith.addf %mul3A_329, %add3A_331 : vector<16xf32>
        %mul3A_333 = arith.mulf %add3A_332, %mul3A_326 : vector<16xf32>
        %add3A_334 = arith.constant 0.00831238552 : f32
        %add3A_335 = vector.broadcast %add3A_334 : f32 to vector<16xf32>
        %add3A_336 = arith.addf %mul3A_333, %add3A_335 : vector<16xf32>
        %mul3A_337 = arith.mulf %add3A_336, %mul3A_326 : vector<16xf32>
        %add3A_338 = arith.constant -0.166632593 : f32
        %add3A_339 = vector.broadcast %add3A_338 : f32 to vector<16xf32>
        %add3A_340 = arith.addf %mul3A_337, %add3A_339 : vector<16xf32>
        %mul3A_341 = arith.mulf %add3A_340, %mul3A_326 : vector<16xf32>
        %add3A_342 = arith.constant 0.999984562 : f32
        %add3A_343 = vector.broadcast %add3A_342 : f32 to vector<16xf32>
        %add3A_344 = arith.addf %mul3A_341, %add3A_343 : vector<16xf32>
        %mul3A_345 = arith.mulf %add3A_344, %sub3A_325 : vector<16xf32>
        %neg3A = arith.constant 0.000000e+00 : f32
        %neg3A_346 = vector.broadcast %neg3A : f32 to vector<16xf32>
        %neg3A_347 = arith.subf %neg3A_346, %mul3A_345 : vector<16xf32>
        %mul3A_348 = arith.mulf %sub3A_325, %sub3A_325 : vector<16xf32>
        %mul3A_349 = arith.constant -2.21939217E-7 : f32
        %mul3A_350 = vector.broadcast %mul3A_349 : f32 to vector<16xf32>
        %mul3A_351 = arith.mulf %mul3A_350, %mul3A_348 : vector<16xf32>
        %add3A_352 = arith.constant 2.4253186E-5 : f32
        %add3A_353 = vector.broadcast %add3A_352 : f32 to vector<16xf32>
        %add3A_354 = arith.addf %mul3A_351, %add3A_353 : vector<16xf32>
        %mul3A_355 = arith.mulf %add3A_354, %mul3A_348 : vector<16xf32>
        %add3A_356 = arith.constant -0.0013862747 : f32
        %add3A_357 = vector.broadcast %add3A_356 : f32 to vector<16xf32>
        %add3A_358 = arith.addf %mul3A_355, %add3A_357 : vector<16xf32>
        %mul3A_359 = arith.mulf %add3A_358, %mul3A_348 : vector<16xf32>
        %add3A_360 = arith.constant 0.0416610315 : f32
        %add3A_361 = vector.broadcast %add3A_360 : f32 to vector<16xf32>
        %add3A_362 = arith.addf %mul3A_359, %add3A_361 : vector<16xf32>
        %mul3A_363 = arith.mulf %add3A_362, %mul3A_348 : vector<16xf32>
        %add3A_364 = arith.constant -0.499995589 : f32
        %add3A_365 = vector.broadcast %add3A_364 : f32 to vector<16xf32>
        %add3A_366 = arith.addf %mul3A_363, %add3A_365 : vector<16xf32>
        %mul3A_367 = arith.mulf %add3A_366, %mul3A_348 : vector<16xf32>
        %add3A_368 = arith.constant 0.999999463 : f32
        %add3A_369 = vector.broadcast %add3A_368 : f32 to vector<16xf32>
        %add3A_370 = arith.addf %mul3A_367, %add3A_369 : vector<16xf32>
        %neg3A_371 = arith.constant 0.000000e+00 : f32
        %neg3A_372 = vector.broadcast %neg3A_371 : f32 to vector<16xf32>
        %neg3A_373 = arith.subf %neg3A_372, %add3A_370 : vector<16xf32>
        %mul3A_374 = arith.mulf %unpack3A_310, %unpack3A_315 : vector<16xf32>
        %abs3A_375 = math.absf %mul3A_374 : vector<16xf32>
        %mul3A_376 = arith.mulf %unpack3A_319, %neg3A_373 : vector<16xf32>
        %mul3A_377 = arith.mulf %unpack3A_320, %neg3A_347 : vector<16xf32>
        %add3A_378 = arith.addf %mul3A_376, %mul3A_377 : vector<16xf32>
        %mul3A_379 = arith.mulf %abs3A_375, %add3A_378 : vector<16xf32>
        %swap3A = arith.index_cast %mul3A_308 : i32 to index
        %swap3A_380 = tpu.vector_load %arg28[%swap3A] {strides = array<i32>} : memref<4000xf32, #tpu.memory_space<vmem>>, vector<16xf32>,
        tpu.vector_store %arg28[%swap3A], %mul3A_379 {strides = array<i32>} : memref<4000xf32, #tpu.memory_space<vmem>>, vector<16xf32>,
        %mul3A_381 = arith.mulf %unpack3A_319, %neg3A_347 : vector<16xf32>
        %mul3A_382 = arith.mulf %unpack3A_320, %neg3A_373 : vector<16xf32>
        %sub3A_383 = arith.subf %mul3A_381, %mul3A_382 : vector<16xf32>
        %mul3A_384 = arith.mulf %abs3A_375, %sub3A_383 : vector<16xf32>
        %swap3A_385 = arith.index_cast %mul3A_308 : i32 to index
        %swap3A_386 = tpu.vector_load %arg29[%swap3A_385] {strides = array<i32>} : memref<4000xf32, #tpu.memory_space<vmem>>, vector<16xf32>,
        tpu.vector_store %arg29[%swap3A_385], %mul3A_384 {strides = array<i32>} : memref<4000xf32, #tpu.memory_space<vmem>>, vector<16xf32>,
      }
      %scan3A_289 = arith.constant 250 : i32
      %gt3A_290 = arith.constant 0 : i32
      %gt3A_291 = arith.cmpi sgt, %add3A_262, %gt3A_290 : i32
      %convert_element_type3A_292 = arith.extui %gt3A_291 : i1 to i32
      %cond3A_293 = arith.constant 0 : i32
      %cond3A_294 = arith.cmpi ne, %convert_element_type3A_292, %cond3A_293 : i32
      scf.if %cond3A_294 {
        %dma_wait3A_306 = arith.constant 0 : i32
        %dma_wait3A_307 = tpu.memref_slice %arg8[%dma_wait3A_306] : memref<100352xf32, #tpu.memory_space<vmem_shared>> -> memref<100352xf32, #tpu.memory_space<vmem_shared>>
        tpu.wait_indirect_dma semaphore(%arg35 : memref<!tpu.dma_semaphore, #tpu.memory_space<semaphore_mem>>) src(%arg26 : memref<4000xf32, #tpu.memory_space<vmem>>) dst(%dma_wait3A_307 : memref<100352xf32, #tpu.memory_space<vmem_shared>>)
        %dma_wait3A_308 = arith.constant 0 : i32
        %dma_wait3A_309 = tpu.memref_slice %arg9[%dma_wait3A_308] : memref<100352xf32, #tpu.memory_space<vmem_shared>> -> memref<100352xf32, #tpu.memory_space<vmem_shared>>
        tpu.wait_indirect_dma semaphore(%arg35 : memref<!tpu.dma_semaphore, #tpu.memory_space<semaphore_mem>>) src(%arg27 : memref<4000xf32, #tpu.memory_space<vmem>>) dst(%dma_wait3A_309 : memref<100352xf32, #tpu.memory_space<vmem_shared>>)
      } else {
      }
      %add3A_295 = arith.constant 3 : i32
      %add3A_296 = arith.addi %add3A_262, %add3A_295 : i32
      %lt3A_297 = arith.constant 50 : i32
      %lt3A_298 = arith.cmpi slt, %add3A_296, %lt3A_297 : i32
      %convert_element_type3A_299 = arith.extui %lt3A_298 : i1 to i32
      %cond3A_300 = arith.constant 0 : i32
      %cond3A_301 = arith.cmpi ne, %convert_element_type3A_299, %cond3A_300 : i32
      scf.if %cond3A_301 {
        %add3A_306 = arith.constant 3 : i32
        %add3A_307 = arith.addi %add3A_262, %add3A_306 : i32
        %mul3A_308 = arith.constant 4000 : i32
        %mul3A_309 = arith.muli %add3A_307, %mul3A_308 : i32
        %add3A_310 = arith.addi %mul3A_4, %mul3A_309 : i32
        %dma_start3A_311 = tpu.memref_slice %arg3[%add3A_310] : memref<12800000xi32, #tpu.memory_space<hbm>> -> memref<4000xi32, #tpu.memory_space<hbm>>
        %dma_start3A_312 = tpu.memref_slice %arg3[%add3A_310] : memref<12800000xi32, #tpu.memory_space<hbm>> -> memref<4000xi32, #tpu.memory_space<hbm>>
        tpu.enqueue_dma source(%dma_start3A_312 : memref<4000xi32, #tpu.memory_space<hbm>>) target(%arg16 : memref<4000xi32, #tpu.memory_space<vmem>>) target_semaphore(%arg32 : memref<!tpu.dma_semaphore, #tpu.memory_space<semaphore_mem>>)
        %add3A_313 = arith.constant 6400000 : i32
        %add3A_314 = arith.addi %add3A_313, %add3A_310 : i32
        %dma_start3A_315 = tpu.memref_slice %arg3[%add3A_314] : memref<12800000xi32, #tpu.memory_space<hbm>> -> memref<4000xi32, #tpu.memory_space<hbm>>
        %dma_start3A_316 = tpu.memref_slice %arg3[%add3A_314] : memref<12800000xi32, #tpu.memory_space<hbm>> -> memref<4000xi32, #tpu.memory_space<hbm>>
        tpu.enqueue_dma source(%dma_start3A_316 : memref<4000xi32, #tpu.memory_space<hbm>>) target(%arg17 : memref<4000xi32, #tpu.memory_space<vmem>>) target_semaphore(%arg32 : memref<!tpu.dma_semaphore, #tpu.memory_space<semaphore_mem>>)
        %dma_start3A_317 = tpu.memref_slice %arg4[%add3A_310] : memref<6400000xi32, #tpu.memory_space<hbm>> -> memref<4000xi32, #tpu.memory_space<hbm>>
        %dma_start3A_318 = tpu.memref_slice %arg4[%add3A_310] : memref<6400000xi32, #tpu.memory_space<hbm>> -> memref<4000xi32, #tpu.memory_space<hbm>>
        tpu.enqueue_dma source(%dma_start3A_318 : memref<4000xi32, #tpu.memory_space<hbm>>) target(%arg18 : memref<4000xi32, #tpu.memory_space<vmem>>) target_semaphore(%arg32 : memref<!tpu.dma_semaphore, #tpu.memory_space<semaphore_mem>>)
      } else {
      }
      %dma_start3A_302 = arith.constant 0 : i32
      %dma_start3A_303 = tpu.memref_slice %arg8[%dma_start3A_302] : memref<100352xf32, #tpu.memory_space<vmem_shared>> -> memref<100352xf32, #tpu.memory_space<vmem_shared>>
      tpu.enqueue_indirect_dma source(%arg28 : memref<4000xf32, #tpu.memory_space<vmem>>) target(%dma_start3A_303 : memref<100352xf32, #tpu.memory_space<vmem_shared>>) offsets(%arg19 : memref<4000xi32, #tpu.memory_space<vmem>>) semaphore(%arg35 : memref<!tpu.dma_semaphore, #tpu.memory_space<semaphore_mem>>) {add = true}
      %dma_start3A_304 = arith.constant 0 : i32
      %dma_start3A_305 = tpu.memref_slice %arg9[%dma_start3A_304] : memref<100352xf32, #tpu.memory_space<vmem_shared>> -> memref<100352xf32, #tpu.memory_space<vmem_shared>>
      tpu.enqueue_indirect_dma source(%arg29 : memref<4000xf32, #tpu.memory_space<vmem>>) target(%dma_start3A_305 : memref<100352xf32, #tpu.memory_space<vmem_shared>>) offsets(%arg19 : memref<4000xi32, #tpu.memory_space<vmem>>) semaphore(%arg35 : memref<!tpu.dma_semaphore, #tpu.memory_space<semaphore_mem>>) {add = true}
    }
    %scan3A_51 = arith.constant 12 : i32
    %add3A_52 = arith.constant 196000 : i32
    %add3A_53 = arith.addi %mul3A_4, %add3A_52 : i32
    %dma_wait3A_54 = tpu.memref_slice %arg3[%add3A_53] : memref<12800000xi32, #tpu.memory_space<hbm>> -> memref<4000xi32, #tpu.memory_space<hbm>>
    %dma_wait3A_55 = tpu.memref_slice %arg3[%add3A_53] : memref<12800000xi32, #tpu.memory_space<hbm>> -> memref<4000xi32, #tpu.memory_space<hbm>>
    tpu.wait_dma2 semaphore(%arg31 : memref<!tpu.dma_semaphore, #tpu.memory_space<semaphore_mem>>) src(%dma_wait3A_55 : memref<4000xi32, #tpu.memory_space<hbm>>) dst(%arg13 : memref<4000xi32, #tpu.memory_space<vmem>>)
    %add3A_56 = arith.constant 6400000 : i32
    %add3A_57 = arith.addi %add3A_56, %add3A_53 : i32
    %dma_wait3A_58 = tpu.memref_slice %arg3[%add3A_57] : memref<12800000xi32, #tpu.memory_space<hbm>> -> memref<4000xi32, #tpu.memory_space<hbm>>
    %dma_wait3A_59 = tpu.memref_slice %arg3[%add3A_57] : memref<12800000xi32, #tpu.memory_space<hbm>> -> memref<4000xi32, #tpu.memory_space<hbm>>
    tpu.wait_dma2 semaphore(%arg31 : memref<!tpu.dma_semaphore, #tpu.memory_space<semaphore_mem>>) src(%dma_wait3A_59 : memref<4000xi32, #tpu.memory_space<hbm>>) dst(%arg14 : memref<4000xi32, #tpu.memory_space<vmem>>)
    %dma_wait3A_60 = tpu.memref_slice %arg4[%add3A_53] : memref<6400000xi32, #tpu.memory_space<hbm>> -> memref<4000xi32, #tpu.memory_space<hbm>>
    %dma_wait3A_61 = tpu.memref_slice %arg4[%add3A_53] : memref<6400000xi32, #tpu.memory_space<hbm>> -> memref<4000xi32, #tpu.memory_space<hbm>>
    tpu.wait_dma2 semaphore(%arg31 : memref<!tpu.dma_semaphore, #tpu.memory_space<semaphore_mem>>) src(%dma_wait3A_61 : memref<4000xi32, #tpu.memory_space<hbm>>) dst(%arg15 : memref<4000xi32, #tpu.memory_space<vmem>>)
    %dma_start3A_62 = arith.constant 0 : i32
    %dma_start3A_63 = tpu.memref_slice %arg7[%dma_start3A_62] : memref<100352xi32, #tpu.memory_space<vmem_shared>> -> memref<100352xi32, #tpu.memory_space<vmem_shared>>
    tpu.enqueue_indirect_dma source(%dma_start3A_63 : memref<100352xi32, #tpu.memory_space<vmem_shared>>) target(%arg24 : memref<4000xi32, #tpu.memory_space<vmem>>) offsets(%arg13 : memref<4000xi32, #tpu.memory_space<vmem>>) semaphore(%arg34 : memref<!tpu.dma_semaphore, #tpu.memory_space<semaphore_mem>>)
    %dma_start3A_64 = arith.constant 0 : i32
    %dma_start3A_65 = tpu.memref_slice %arg7[%dma_start3A_64] : memref<100352xi32, #tpu.memory_space<vmem_shared>> -> memref<100352xi32, #tpu.memory_space<vmem_shared>>
    tpu.enqueue_indirect_dma source(%dma_start3A_65 : memref<100352xi32, #tpu.memory_space<vmem_shared>>) target(%arg25 : memref<4000xi32, #tpu.memory_space<vmem>>) offsets(%arg14 : memref<4000xi32, #tpu.memory_space<vmem>>) semaphore(%arg34 : memref<!tpu.dma_semaphore, #tpu.memory_space<semaphore_mem>>)
    %dma_wait3A_66 = arith.constant 0 : i32
    %dma_wait3A_67 = tpu.memref_slice %arg7[%dma_wait3A_66] : memref<100352xi32, #tpu.memory_space<vmem_shared>> -> memref<100352xi32, #tpu.memory_space<vmem_shared>>
    tpu.wait_indirect_dma semaphore(%arg34 : memref<!tpu.dma_semaphore, #tpu.memory_space<semaphore_mem>>) src(%dma_wait3A_67 : memref<100352xi32, #tpu.memory_space<vmem_shared>>) dst(%arg22 : memref<4000xi32, #tpu.memory_space<vmem>>)
    %dma_wait3A_68 = arith.constant 0 : i32
    %dma_wait3A_69 = tpu.memref_slice %arg7[%dma_wait3A_68] : memref<100352xi32, #tpu.memory_space<vmem_shared>> -> memref<100352xi32, #tpu.memory_space<vmem_shared>>
    tpu.wait_indirect_dma semaphore(%arg34 : memref<!tpu.dma_semaphore, #tpu.memory_space<semaphore_mem>>) src(%dma_wait3A_69 : memref<100352xi32, #tpu.memory_space<vmem_shared>>) dst(%arg23 : memref<4000xi32, #tpu.memory_space<vmem>>)
    %scan3A_70 = arith.constant 0 : i32
    %scan3A_71 = arith.constant 0 : i32
    %scan3A_72 = arith.constant 250 : i32
    %scan3A_73 = arith.addi %scan3A_71, %scan3A_72 : i32
    %scan3A_74 = arith.constant 1 : i32
    scf.for %scan3A_121 = %scan3A_71 to %scan3A_73 step %scan3A_74  : i32 {
      %mul3A_122 = arith.constant 16 : i32
      %mul3A_123 = arith.muli %scan3A_121, %mul3A_122 : i32
      %get3A = arith.index_cast %mul3A_123 : i32 to index
      %get3A_124 = tpu.vector_load %arg22[%get3A] {strides = array<i32>} : memref<4000xi32, #tpu.memory_space<vmem>>, vector<16xi32>,
      %bitcast3A = vector.bitcast %get3A_124 : vector<16xi32> to vector<32xbf16>
      %unpack3A = tpu.unpack_subelements %bitcast3A, 0 {pack_format = #tpu.pack_format<interleaved>} : vector<32xbf16> -> vector<16xf32>
      %unpack3A_125 = tpu.unpack_subelements %bitcast3A, 1 {pack_format = #tpu.pack_format<interleaved>} : vector<32xbf16> -> vector<16xf32>
      %get3A_126 = arith.index_cast %mul3A_123 : i32 to index
      %get3A_127 = tpu.vector_load %arg23[%get3A_126] {strides = array<i32>} : memref<4000xi32, #tpu.memory_space<vmem>>, vector<16xi32>,
      %bitcast3A_128 = vector.bitcast %get3A_127 : vector<16xi32> to vector<32xbf16>
      %unpack3A_129 = tpu.unpack_subelements %bitcast3A_128, 0 {pack_format = #tpu.pack_format<interleaved>} : vector<32xbf16> -> vector<16xf32>
      %unpack3A_130 = tpu.unpack_subelements %bitcast3A_128, 1 {pack_format = #tpu.pack_format<interleaved>} : vector<32xbf16> -> vector<16xf32>
      %get3A_131 = arith.index_cast %mul3A_123 : i32 to index
      %get3A_132 = tpu.vector_load %arg12[%get3A_131] {strides = array<i32>} : memref<4000xi32, #tpu.memory_space<vmem>>, vector<16xi32>,
      %bitcast3A_133 = vector.bitcast %get3A_132 : vector<16xi32> to vector<32xbf16>
      %unpack3A_134 = tpu.unpack_subelements %bitcast3A_133, 0 {pack_format = #tpu.pack_format<interleaved>} : vector<32xbf16> -> vector<16xf32>
      %unpack3A_135 = tpu.unpack_subelements %bitcast3A_133, 1 {pack_format = #tpu.pack_format<interleaved>} : vector<32xbf16> -> vector<16xf32>
      %sub3A = arith.subf %unpack3A, %unpack3A_129 : vector<16xf32>
      %abs3A = math.absf %sub3A : vector<16xf32>
      %rem3A = arith.constant 6.28318548 : f32
      %rem3A_136 = vector.broadcast %rem3A : f32 to vector<16xf32>
      %rem3A_137 = arith.remf %abs3A, %rem3A_136 : vector<16xf32>
      %sub3A_138 = arith.constant 3.14159274 : f32
      %sub3A_139 = vector.broadcast %sub3A_138 : f32 to vector<16xf32>
      %sub3A_140 = arith.subf %rem3A_137, %sub3A_139 : vector<16xf32>
      %mul3A_141 = arith.mulf %sub3A_140, %sub3A_140 : vector<16xf32>
      %mul3A_142 = arith.constant 2.173236E-6 : f32
      %mul3A_143 = vector.broadcast %mul3A_142 : f32 to vector<16xf32>
      %mul3A_144 = arith.mulf %mul3A_143, %mul3A_141 : vector<16xf32>
      %add3A_145 = arith.constant -1.93162312E-4 : f32
      %add3A_146 = vector.broadcast %add3A_145 : f32 to vector<16xf32>
      %add3A_147 = arith.addf %mul3A_144, %add3A_146 : vector<16xf32>
      %mul3A_148 = arith.mulf %add3A_147, %mul3A_141 : vector<16xf32>
      %add3A_149 = arith.constant 0.00831238552 : f32
      %add3A_150 = vector.broadcast %add3A_149 : f32 to vector<16xf32>
      %add3A_151 = arith.addf %mul3A_148, %add3A_150 : vector<16xf32>
      %mul3A_152 = arith.mulf %add3A_151, %mul3A_141 : vector<16xf32>
      %add3A_153 = arith.constant -0.166632593 : f32
      %add3A_154 = vector.broadcast %add3A_153 : f32 to vector<16xf32>
      %add3A_155 = arith.addf %mul3A_152, %add3A_154 : vector<16xf32>
      %mul3A_156 = arith.mulf %add3A_155, %mul3A_141 : vector<16xf32>
      %add3A_157 = arith.constant 0.999984562 : f32
      %add3A_158 = vector.broadcast %add3A_157 : f32 to vector<16xf32>
      %add3A_159 = arith.addf %mul3A_156, %add3A_158 : vector<16xf32>
      %mul3A_160 = arith.mulf %add3A_159, %sub3A_140 : vector<16xf32>
      %neg3A = arith.constant 0.000000e+00 : f32
      %neg3A_161 = vector.broadcast %neg3A : f32 to vector<16xf32>
      %neg3A_162 = arith.subf %neg3A_161, %mul3A_160 : vector<16xf32>
      %mul3A_163 = arith.mulf %sub3A_140, %sub3A_140 : vector<16xf32>
      %mul3A_164 = arith.constant -2.21939217E-7 : f32
      %mul3A_165 = vector.broadcast %mul3A_164 : f32 to vector<16xf32>
      %mul3A_166 = arith.mulf %mul3A_165, %mul3A_163 : vector<16xf32>
      %add3A_167 = arith.constant 2.4253186E-5 : f32
      %add3A_168 = vector.broadcast %add3A_167 : f32 to vector<16xf32>
      %add3A_169 = arith.addf %mul3A_166, %add3A_168 : vector<16xf32>
      %mul3A_170 = arith.mulf %add3A_169, %mul3A_163 : vector<16xf32>
      %add3A_171 = arith.constant -0.0013862747 : f32
      %add3A_172 = vector.broadcast %add3A_171 : f32 to vector<16xf32>
      %add3A_173 = arith.addf %mul3A_170, %add3A_172 : vector<16xf32>
      %mul3A_174 = arith.mulf %add3A_173, %mul3A_163 : vector<16xf32>
      %add3A_175 = arith.constant 0.0416610315 : f32
      %add3A_176 = vector.broadcast %add3A_175 : f32 to vector<16xf32>
      %add3A_177 = arith.addf %mul3A_174, %add3A_176 : vector<16xf32>
      %mul3A_178 = arith.mulf %add3A_177, %mul3A_163 : vector<16xf32>
      %add3A_179 = arith.constant -0.499995589 : f32
      %add3A_180 = vector.broadcast %add3A_179 : f32 to vector<16xf32>
      %add3A_181 = arith.addf %mul3A_178, %add3A_180 : vector<16xf32>
      %mul3A_182 = arith.mulf %add3A_181, %mul3A_163 : vector<16xf32>
      %add3A_183 = arith.constant 0.999999463 : f32
      %add3A_184 = vector.broadcast %add3A_183 : f32 to vector<16xf32>
      %add3A_185 = arith.addf %mul3A_182, %add3A_184 : vector<16xf32>
      %neg3A_186 = arith.constant 0.000000e+00 : f32
      %neg3A_187 = vector.broadcast %neg3A_186 : f32 to vector<16xf32>
      %neg3A_188 = arith.subf %neg3A_187, %add3A_185 : vector<16xf32>
      %mul3A_189 = arith.mulf %unpack3A_125, %unpack3A_130 : vector<16xf32>
      %abs3A_190 = math.absf %mul3A_189 : vector<16xf32>
      %mul3A_191 = arith.mulf %unpack3A_134, %neg3A_188 : vector<16xf32>
      %mul3A_192 = arith.mulf %unpack3A_135, %neg3A_162 : vector<16xf32>
      %add3A_193 = arith.addf %mul3A_191, %mul3A_192 : vector<16xf32>
      %mul3A_194 = arith.mulf %abs3A_190, %add3A_193 : vector<16xf32>
      %swap3A = arith.index_cast %mul3A_123 : i32 to index
      %swap3A_195 = tpu.vector_load %arg26[%swap3A] {strides = array<i32>} : memref<4000xf32, #tpu.memory_space<vmem>>, vector<16xf32>,
      tpu.vector_store %arg26[%swap3A], %mul3A_194 {strides = array<i32>} : memref<4000xf32, #tpu.memory_space<vmem>>, vector<16xf32>,
      %mul3A_196 = arith.mulf %unpack3A_134, %neg3A_162 : vector<16xf32>
      %mul3A_197 = arith.mulf %unpack3A_135, %neg3A_188 : vector<16xf32>
      %sub3A_198 = arith.subf %mul3A_196, %mul3A_197 : vector<16xf32>
      %mul3A_199 = arith.mulf %abs3A_190, %sub3A_198 : vector<16xf32>
      %swap3A_200 = arith.index_cast %mul3A_123 : i32 to index
      %swap3A_201 = tpu.vector_load %arg27[%swap3A_200] {strides = array<i32>} : memref<4000xf32, #tpu.memory_space<vmem>>, vector<16xf32>,
      tpu.vector_store %arg27[%swap3A_200], %mul3A_199 {strides = array<i32>} : memref<4000xf32, #tpu.memory_space<vmem>>, vector<16xf32>,
    }
    %scan3A_75 = arith.constant 250 : i32
    %dma_wait3A_76 = arith.constant 0 : i32
    %dma_wait3A_77 = tpu.memref_slice %arg8[%dma_wait3A_76] : memref<100352xf32, #tpu.memory_space<vmem_shared>> -> memref<100352xf32, #tpu.memory_space<vmem_shared>>
    tpu.wait_indirect_dma semaphore(%arg35 : memref<!tpu.dma_semaphore, #tpu.memory_space<semaphore_mem>>) src(%arg28 : memref<4000xf32, #tpu.memory_space<vmem>>) dst(%dma_wait3A_77 : memref<100352xf32, #tpu.memory_space<vmem_shared>>)
    %dma_wait3A_78 = arith.constant 0 : i32
    %dma_wait3A_79 = tpu.memref_slice %arg9[%dma_wait3A_78] : memref<100352xf32, #tpu.memory_space<vmem_shared>> -> memref<100352xf32, #tpu.memory_space<vmem_shared>>
    tpu.wait_indirect_dma semaphore(%arg35 : memref<!tpu.dma_semaphore, #tpu.memory_space<semaphore_mem>>) src(%arg29 : memref<4000xf32, #tpu.memory_space<vmem>>) dst(%dma_wait3A_79 : memref<100352xf32, #tpu.memory_space<vmem_shared>>)
    %dma_start3A_80 = arith.constant 0 : i32
    %dma_start3A_81 = tpu.memref_slice %arg8[%dma_start3A_80] : memref<100352xf32, #tpu.memory_space<vmem_shared>> -> memref<100352xf32, #tpu.memory_space<vmem_shared>>
    tpu.enqueue_indirect_dma source(%arg26 : memref<4000xf32, #tpu.memory_space<vmem>>) target(%dma_start3A_81 : memref<100352xf32, #tpu.memory_space<vmem_shared>>) offsets(%arg10 : memref<4000xi32, #tpu.memory_space<vmem>>) semaphore(%arg35 : memref<!tpu.dma_semaphore, #tpu.memory_space<semaphore_mem>>) {add = true}
    %dma_start3A_82 = arith.constant 0 : i32
    %dma_start3A_83 = tpu.memref_slice %arg9[%dma_start3A_82] : memref<100352xf32, #tpu.memory_space<vmem_shared>> -> memref<100352xf32, #tpu.memory_space<vmem_shared>>
    tpu.enqueue_indirect_dma source(%arg27 : memref<4000xf32, #tpu.memory_space<vmem>>) target(%dma_start3A_83 : memref<100352xf32, #tpu.memory_space<vmem_shared>>) offsets(%arg10 : memref<4000xi32, #tpu.memory_space<vmem>>) semaphore(%arg35 : memref<!tpu.dma_semaphore, #tpu.memory_space<semaphore_mem>>) {add = true}
    %dma_wait3A_84 = arith.constant 0 : i32
    %dma_wait3A_85 = tpu.memref_slice %arg7[%dma_wait3A_84] : memref<100352xi32, #tpu.memory_space<vmem_shared>> -> memref<100352xi32, #tpu.memory_space<vmem_shared>>
    tpu.wait_indirect_dma semaphore(%arg34 : memref<!tpu.dma_semaphore, #tpu.memory_space<semaphore_mem>>) src(%dma_wait3A_85 : memref<100352xi32, #tpu.memory_space<vmem_shared>>) dst(%arg24 : memref<4000xi32, #tpu.memory_space<vmem>>)
    %dma_wait3A_86 = arith.constant 0 : i32
    %dma_wait3A_87 = tpu.memref_slice %arg7[%dma_wait3A_86] : memref<100352xi32, #tpu.memory_space<vmem_shared>> -> memref<100352xi32, #tpu.memory_space<vmem_shared>>
    tpu.wait_indirect_dma semaphore(%arg34 : memref<!tpu.dma_semaphore, #tpu.memory_space<semaphore_mem>>) src(%dma_wait3A_87 : memref<100352xi32, #tpu.memory_space<vmem_shared>>) dst(%arg25 : memref<4000xi32, #tpu.memory_space<vmem>>)
    %scan3A_88 = arith.constant 0 : i32
    %scan3A_89 = arith.constant 0 : i32
    %scan3A_90 = arith.constant 250 : i32
    %scan3A_91 = arith.addi %scan3A_89, %scan3A_90 : i32
    %scan3A_92 = arith.constant 1 : i32
    scf.for %scan3A_121 = %scan3A_89 to %scan3A_91 step %scan3A_92  : i32 {
      %mul3A_122 = arith.constant 16 : i32
      %mul3A_123 = arith.muli %scan3A_121, %mul3A_122 : i32
      %get3A = arith.index_cast %mul3A_123 : i32 to index
      %get3A_124 = tpu.vector_load %arg24[%get3A] {strides = array<i32>} : memref<4000xi32, #tpu.memory_space<vmem>>, vector<16xi32>,
      %bitcast3A = vector.bitcast %get3A_124 : vector<16xi32> to vector<32xbf16>
      %unpack3A = tpu.unpack_subelements %bitcast3A, 0 {pack_format = #tpu.pack_format<interleaved>} : vector<32xbf16> -> vector<16xf32>
      %unpack3A_125 = tpu.unpack_subelements %bitcast3A, 1 {pack_format = #tpu.pack_format<interleaved>} : vector<32xbf16> -> vector<16xf32>
      %get3A_126 = arith.index_cast %mul3A_123 : i32 to index
      %get3A_127 = tpu.vector_load %arg25[%get3A_126] {strides = array<i32>} : memref<4000xi32, #tpu.memory_space<vmem>>, vector<16xi32>,
      %bitcast3A_128 = vector.bitcast %get3A_127 : vector<16xi32> to vector<32xbf16>
      %unpack3A_129 = tpu.unpack_subelements %bitcast3A_128, 0 {pack_format = #tpu.pack_format<interleaved>} : vector<32xbf16> -> vector<16xf32>
      %unpack3A_130 = tpu.unpack_subelements %bitcast3A_128, 1 {pack_format = #tpu.pack_format<interleaved>} : vector<32xbf16> -> vector<16xf32>
      %get3A_131 = arith.index_cast %mul3A_123 : i32 to index
      %get3A_132 = tpu.vector_load %arg15[%get3A_131] {strides = array<i32>} : memref<4000xi32, #tpu.memory_space<vmem>>, vector<16xi32>,
      %bitcast3A_133 = vector.bitcast %get3A_132 : vector<16xi32> to vector<32xbf16>
      %unpack3A_134 = tpu.unpack_subelements %bitcast3A_133, 0 {pack_format = #tpu.pack_format<interleaved>} : vector<32xbf16> -> vector<16xf32>
      %unpack3A_135 = tpu.unpack_subelements %bitcast3A_133, 1 {pack_format = #tpu.pack_format<interleaved>} : vector<32xbf16> -> vector<16xf32>
      %sub3A = arith.subf %unpack3A, %unpack3A_129 : vector<16xf32>
      %abs3A = math.absf %sub3A : vector<16xf32>
      %rem3A = arith.constant 6.28318548 : f32
      %rem3A_136 = vector.broadcast %rem3A : f32 to vector<16xf32>
      %rem3A_137 = arith.remf %abs3A, %rem3A_136 : vector<16xf32>
      %sub3A_138 = arith.constant 3.14159274 : f32
      %sub3A_139 = vector.broadcast %sub3A_138 : f32 to vector<16xf32>
      %sub3A_140 = arith.subf %rem3A_137, %sub3A_139 : vector<16xf32>
      %mul3A_141 = arith.mulf %sub3A_140, %sub3A_140 : vector<16xf32>
      %mul3A_142 = arith.constant 2.173236E-6 : f32
      %mul3A_143 = vector.broadcast %mul3A_142 : f32 to vector<16xf32>
      %mul3A_144 = arith.mulf %mul3A_143, %mul3A_141 : vector<16xf32>
      %add3A_145 = arith.constant -1.93162312E-4 : f32
      %add3A_146 = vector.broadcast %add3A_145 : f32 to vector<16xf32>
      %add3A_147 = arith.addf %mul3A_144, %add3A_146 : vector<16xf32>
      %mul3A_148 = arith.mulf %add3A_147, %mul3A_141 : vector<16xf32>
      %add3A_149 = arith.constant 0.00831238552 : f32
      %add3A_150 = vector.broadcast %add3A_149 : f32 to vector<16xf32>
      %add3A_151 = arith.addf %mul3A_148, %add3A_150 : vector<16xf32>
      %mul3A_152 = arith.mulf %add3A_151, %mul3A_141 : vector<16xf32>
      %add3A_153 = arith.constant -0.166632593 : f32
      %add3A_154 = vector.broadcast %add3A_153 : f32 to vector<16xf32>
      %add3A_155 = arith.addf %mul3A_152, %add3A_154 : vector<16xf32>
      %mul3A_156 = arith.mulf %add3A_155, %mul3A_141 : vector<16xf32>
      %add3A_157 = arith.constant 0.999984562 : f32
      %add3A_158 = vector.broadcast %add3A_157 : f32 to vector<16xf32>
      %add3A_159 = arith.addf %mul3A_156, %add3A_158 : vector<16xf32>
      %mul3A_160 = arith.mulf %add3A_159, %sub3A_140 : vector<16xf32>
      %neg3A = arith.constant 0.000000e+00 : f32
      %neg3A_161 = vector.broadcast %neg3A : f32 to vector<16xf32>
      %neg3A_162 = arith.subf %neg3A_161, %mul3A_160 : vector<16xf32>
      %mul3A_163 = arith.mulf %sub3A_140, %sub3A_140 : vector<16xf32>
      %mul3A_164 = arith.constant -2.21939217E-7 : f32
      %mul3A_165 = vector.broadcast %mul3A_164 : f32 to vector<16xf32>
      %mul3A_166 = arith.mulf %mul3A_165, %mul3A_163 : vector<16xf32>
      %add3A_167 = arith.constant 2.4253186E-5 : f32
      %add3A_168 = vector.broadcast %add3A_167 : f32 to vector<16xf32>
      %add3A_169 = arith.addf %mul3A_166, %add3A_168 : vector<16xf32>
      %mul3A_170 = arith.mulf %add3A_169, %mul3A_163 : vector<16xf32>
      %add3A_171 = arith.constant -0.0013862747 : f32
      %add3A_172 = vector.broadcast %add3A_171 : f32 to vector<16xf32>
      %add3A_173 = arith.addf %mul3A_170, %add3A_172 : vector<16xf32>
      %mul3A_174 = arith.mulf %add3A_173, %mul3A_163 : vector<16xf32>
      %add3A_175 = arith.constant 0.0416610315 : f32
      %add3A_176 = vector.broadcast %add3A_175 : f32 to vector<16xf32>
      %add3A_177 = arith.addf %mul3A_174, %add3A_176 : vector<16xf32>
      %mul3A_178 = arith.mulf %add3A_177, %mul3A_163 : vector<16xf32>
      %add3A_179 = arith.constant -0.499995589 : f32
      %add3A_180 = vector.broadcast %add3A_179 : f32 to vector<16xf32>
      %add3A_181 = arith.addf %mul3A_178, %add3A_180 : vector<16xf32>
      %mul3A_182 = arith.mulf %add3A_181, %mul3A_163 : vector<16xf32>
      %add3A_183 = arith.constant 0.999999463 : f32
      %add3A_184 = vector.broadcast %add3A_183 : f32 to vector<16xf32>
      %add3A_185 = arith.addf %mul3A_182, %add3A_184 : vector<16xf32>
      %neg3A_186 = arith.constant 0.000000e+00 : f32
      %neg3A_187 = vector.broadcast %neg3A_186 : f32 to vector<16xf32>
      %neg3A_188 = arith.subf %neg3A_187, %add3A_185 : vector<16xf32>
      %mul3A_189 = arith.mulf %unpack3A_125, %unpack3A_130 : vector<16xf32>
      %abs3A_190 = math.absf %mul3A_189 : vector<16xf32>
      %mul3A_191 = arith.mulf %unpack3A_134, %neg3A_188 : vector<16xf32>
      %mul3A_192 = arith.mulf %unpack3A_135, %neg3A_162 : vector<16xf32>
      %add3A_193 = arith.addf %mul3A_191, %mul3A_192 : vector<16xf32>
      %mul3A_194 = arith.mulf %abs3A_190, %add3A_193 : vector<16xf32>
      %swap3A = arith.index_cast %mul3A_123 : i32 to index
      %swap3A_195 = tpu.vector_load %arg28[%swap3A] {strides = array<i32>} : memref<4000xf32, #tpu.memory_space<vmem>>, vector<16xf32>,
      tpu.vector_store %arg28[%swap3A], %mul3A_194 {strides = array<i32>} : memref<4000xf32, #tpu.memory_space<vmem>>, vector<16xf32>,
      %mul3A_196 = arith.mulf %unpack3A_134, %neg3A_162 : vector<16xf32>
      %mul3A_197 = arith.mulf %unpack3A_135, %neg3A_188 : vector<16xf32>
      %sub3A_198 = arith.subf %mul3A_196, %mul3A_197 : vector<16xf32>
      %mul3A_199 = arith.mulf %abs3A_190, %sub3A_198 : vector<16xf32>
      %swap3A_200 = arith.index_cast %mul3A_123 : i32 to index
      %swap3A_201 = tpu.vector_load %arg29[%swap3A_200] {strides = array<i32>} : memref<4000xf32, #tpu.memory_space<vmem>>, vector<16xf32>,
      tpu.vector_store %arg29[%swap3A_200], %mul3A_199 {strides = array<i32>} : memref<4000xf32, #tpu.memory_space<vmem>>, vector<16xf32>,
    }
    %scan3A_93 = arith.constant 250 : i32
    %dma_wait3A_94 = arith.constant 0 : i32
    %dma_wait3A_95 = tpu.memref_slice %arg8[%dma_wait3A_94] : memref<100352xf32, #tpu.memory_space<vmem_shared>> -> memref<100352xf32, #tpu.memory_space<vmem_shared>>
    tpu.wait_indirect_dma semaphore(%arg35 : memref<!tpu.dma_semaphore, #tpu.memory_space<semaphore_mem>>) src(%arg26 : memref<4000xf32, #tpu.memory_space<vmem>>) dst(%dma_wait3A_95 : memref<100352xf32, #tpu.memory_space<vmem_shared>>)
    %dma_wait3A_96 = arith.constant 0 : i32
    %dma_wait3A_97 = tpu.memref_slice %arg9[%dma_wait3A_96] : memref<100352xf32, #tpu.memory_space<vmem_shared>> -> memref<100352xf32, #tpu.memory_space<vmem_shared>>
    tpu.wait_indirect_dma semaphore(%arg35 : memref<!tpu.dma_semaphore, #tpu.memory_space<semaphore_mem>>) src(%arg27 : memref<4000xf32, #tpu.memory_space<vmem>>) dst(%dma_wait3A_97 : memref<100352xf32, #tpu.memory_space<vmem_shared>>)
    %dma_start3A_98 = arith.constant 0 : i32
    %dma_start3A_99 = tpu.memref_slice %arg8[%dma_start3A_98] : memref<100352xf32, #tpu.memory_space<vmem_shared>> -> memref<100352xf32, #tpu.memory_space<vmem_shared>>
    tpu.enqueue_indirect_dma source(%arg28 : memref<4000xf32, #tpu.memory_space<vmem>>) target(%dma_start3A_99 : memref<100352xf32, #tpu.memory_space<vmem_shared>>) offsets(%arg13 : memref<4000xi32, #tpu.memory_space<vmem>>) semaphore(%arg35 : memref<!tpu.dma_semaphore, #tpu.memory_space<semaphore_mem>>) {add = true}
    %dma_start3A_100 = arith.constant 0 : i32
    %dma_start3A_101 = tpu.memref_slice %arg9[%dma_start3A_100] : memref<100352xf32, #tpu.memory_space<vmem_shared>> -> memref<100352xf32, #tpu.memory_space<vmem_shared>>
    tpu.enqueue_indirect_dma source(%arg29 : memref<4000xf32, #tpu.memory_space<vmem>>) target(%dma_start3A_101 : memref<100352xf32, #tpu.memory_space<vmem_shared>>) offsets(%arg13 : memref<4000xi32, #tpu.memory_space<vmem>>) semaphore(%arg35 : memref<!tpu.dma_semaphore, #tpu.memory_space<semaphore_mem>>) {add = true}
    %dma_wait3A_102 = arith.constant 0 : i32
    %dma_wait3A_103 = tpu.memref_slice %arg8[%dma_wait3A_102] : memref<100352xf32, #tpu.memory_space<vmem_shared>> -> memref<100352xf32, #tpu.memory_space<vmem_shared>>
    tpu.wait_indirect_dma semaphore(%arg35 : memref<!tpu.dma_semaphore, #tpu.memory_space<semaphore_mem>>) src(%arg28 : memref<4000xf32, #tpu.memory_space<vmem>>) dst(%dma_wait3A_103 : memref<100352xf32, #tpu.memory_space<vmem_shared>>)
    %dma_wait3A_104 = arith.constant 0 : i32
    %dma_wait3A_105 = tpu.memref_slice %arg9[%dma_wait3A_104] : memref<100352xf32, #tpu.memory_space<vmem_shared>> -> memref<100352xf32, #tpu.memory_space<vmem_shared>>
    tpu.wait_indirect_dma semaphore(%arg35 : memref<!tpu.dma_semaphore, #tpu.memory_space<semaphore_mem>>) src(%arg29 : memref<4000xf32, #tpu.memory_space<vmem>>) dst(%dma_wait3A_105 : memref<100352xf32, #tpu.memory_space<vmem_shared>>)
    %barrier3A_106 = arith.constant 0 : index
    tpu.barrier barrier_id(%barrier3A_106)
    %mul3A_107 = arith.constant 2 : i32
    %mul3A_108 = arith.muli %arg0, %mul3A_107 : i32
    %add3A_109 = arith.constant 0 : i32
    %add3A_110 = arith.addi %mul3A_108, %add3A_109 : i32
    %mul3A_111 = arith.constant 100352 : i32
    %mul3A_112 = arith.muli %add3A_110, %mul3A_111 : i32
    %add3A_113 = arith.addi %mul3A_112, %mul3A_2 : i32
    "tpu.region"() ({
      %run_scoped3A = tpu.sem_alloc : memref<!tpu.dma_semaphore, #tpu.memory_space<semaphore_mem>>
      %dma_start3A_121 = tpu.memref_slice %arg6[%add3A_113] : memref<401408xf32, #tpu.memory_space<hbm>> -> memref<6272xf32, #tpu.memory_space<hbm>>
      %dma_start3A_122 = tpu.memref_slice %arg8[%mul3A_2] : memref<100352xf32, #tpu.memory_space<vmem_shared>> -> memref<6272xf32, #tpu.memory_space<vmem_shared>>
      tpu.enqueue_dma source(%dma_start3A_122 : memref<6272xf32, #tpu.memory_space<vmem_shared>>) target(%dma_start3A_121 : memref<6272xf32, #tpu.memory_space<hbm>>) target_semaphore(%run_scoped3A : memref<!tpu.dma_semaphore, #tpu.memory_space<semaphore_mem>>)
      %dma_wait3A_123 = tpu.memref_slice %arg6[%add3A_113] : memref<401408xf32, #tpu.memory_space<hbm>> -> memref<6272xf32, #tpu.memory_space<hbm>>
      %dma_wait3A_124 = tpu.memref_slice %arg8[%mul3A_2] : memref<100352xf32, #tpu.memory_space<vmem_shared>> -> memref<6272xf32, #tpu.memory_space<vmem_shared>>
      tpu.wait_dma2 semaphore(%run_scoped3A : memref<!tpu.dma_semaphore, #tpu.memory_space<semaphore_mem>>) src(%dma_wait3A_124 : memref<6272xf32, #tpu.memory_space<vmem_shared>>) dst(%dma_wait3A_123 : memref<6272xf32, #tpu.memory_space<hbm>>)
      tpu.yield
    }) : () -> ()
    %mul3A_114 = arith.constant 2 : i32
    %mul3A_115 = arith.muli %arg0, %mul3A_114 : i32
    %add3A_116 = arith.constant 1 : i32
    %add3A_117 = arith.addi %mul3A_115, %add3A_116 : i32
    %mul3A_118 = arith.constant 100352 : i32
    %mul3A_119 = arith.muli %add3A_117, %mul3A_118 : i32
    %add3A_120 = arith.addi %mul3A_119, %mul3A_2 : i32
    "tpu.region"() ({
      %run_scoped3A = tpu.sem_alloc : memref<!tpu.dma_semaphore, #tpu.memory_space<semaphore_mem>>
      %dma_start3A_121 = tpu.memref_slice %arg6[%add3A_120] : memref<401408xf32, #tpu.memory_space<hbm>> -> memref<6272xf32, #tpu.memory_space<hbm>>
      %dma_start3A_122 = tpu.memref_slice %arg9[%mul3A_2] : memref<100352xf32, #tpu.memory_space<vmem_shared>> -> memref<6272xf32, #tpu.memory_space<vmem_shared>>
      tpu.enqueue_dma source(%dma_start3A_122 : memref<6272xf32, #tpu.memory_space<vmem_shared>>) target(%dma_start3A_121 : memref<6272xf32, #tpu.memory_space<hbm>>) target_semaphore(%run_scoped3A : memref<!tpu.dma_semaphore, #tpu.memory_space<semaphore_mem>>)
      %dma_wait3A_123 = tpu.memref_slice %arg6[%add3A_120] : memref<401408xf32, #tpu.memory_space<hbm>> -> memref<6272xf32, #tpu.memory_space<hbm>>
      %dma_wait3A_124 = tpu.memref_slice %arg9[%mul3A_2] : memref<100352xf32, #tpu.memory_space<vmem_shared>> -> memref<6272xf32, #tpu.memory_space<vmem_shared>>
      tpu.wait_dma2 semaphore(%run_scoped3A : memref<!tpu.dma_semaphore, #tpu.memory_space<semaphore_mem>>) src(%dma_wait3A_124 : memref<6272xf32, #tpu.memory_space<vmem_shared>>) dst(%dma_wait3A_123 : memref<6272xf32, #tpu.memory_space<hbm>>)
      tpu.yield
    }) : () -> ()
    return
  }
}

module attributes {stable_mosaic.version = 14 : i64} {
  func.func @_loss_body(%arg0: memref<2x784x128xf32, #tpu.memory_space<vmem>>, %arg1: memref<4x784x128xf32, #tpu.memory_space<vmem>>, %arg2: memref<1x1xf32, #tpu.memory_space<smem>>) attributes {dimension_semantics = [], scalar_prefetch = 0 : i64, scratch_operands = 0 : i64, tpu.core_type = #tpu.core_type<tc>} {
    %get3A = arith.constant 0 : index
    %get3A_0 = arith.constant 0 : index
    %get3A_1 = arith.constant 0 : index
    %get3A_2 = vector.load %arg1[%get3A, %get3A_0, %get3A_1] : memref<4x784x128xf32, #tpu.memory_space<vmem>>, vector<1x784x128xf32>
    %get3A_3 = vector.shape_cast %get3A_2 : vector<1x784x128xf32> to vector<784x128xf32>
    %get3A_4 = arith.constant 2 : index
    %get3A_5 = arith.constant 0 : index
    %get3A_6 = arith.constant 0 : index
    %get3A_7 = vector.load %arg1[%get3A_4, %get3A_5, %get3A_6] : memref<4x784x128xf32, #tpu.memory_space<vmem>>, vector<1x784x128xf32>
    %get3A_8 = vector.shape_cast %get3A_7 : vector<1x784x128xf32> to vector<784x128xf32>
    %add3A = arith.addf %get3A_3, %get3A_8 : vector<784x128xf32>
    %get3A_9 = arith.constant 1 : index
    %get3A_10 = arith.constant 0 : index
    %get3A_11 = arith.constant 0 : index
    %get3A_12 = vector.load %arg1[%get3A_9, %get3A_10, %get3A_11] : memref<4x784x128xf32, #tpu.memory_space<vmem>>, vector<1x784x128xf32>
    %get3A_13 = vector.shape_cast %get3A_12 : vector<1x784x128xf32> to vector<784x128xf32>
    %get3A_14 = arith.constant 3 : index
    %get3A_15 = arith.constant 0 : index
    %get3A_16 = arith.constant 0 : index
    %get3A_17 = vector.load %arg1[%get3A_14, %get3A_15, %get3A_16] : memref<4x784x128xf32, #tpu.memory_space<vmem>>, vector<1x784x128xf32>
    %get3A_18 = vector.shape_cast %get3A_17 : vector<1x784x128xf32> to vector<784x128xf32>
    %add3A_19 = arith.addf %get3A_13, %get3A_18 : vector<784x128xf32>
    %get3A_20 = arith.constant 0 : index
    %get3A_21 = arith.constant 0 : index
    %get3A_22 = arith.constant 0 : index
    %get3A_23 = vector.load %arg0[%get3A_20, %get3A_21, %get3A_22] : memref<2x784x128xf32, #tpu.memory_space<vmem>>, vector<1x784x128xf32>
    %get3A_24 = vector.shape_cast %get3A_23 : vector<1x784x128xf32> to vector<784x128xf32>
    %sub3A = arith.subf %get3A_24, %add3A : vector<784x128xf32>
    %abs3A = math.absf %sub3A : vector<784x128xf32>
    %get3A_25 = arith.constant 1 : index
    %get3A_26 = arith.constant 0 : index
    %get3A_27 = arith.constant 0 : index
    %get3A_28 = vector.load %arg0[%get3A_25, %get3A_26, %get3A_27] : memref<2x784x128xf32, #tpu.memory_space<vmem>>, vector<1x784x128xf32>
    %get3A_29 = vector.shape_cast %get3A_28 : vector<1x784x128xf32> to vector<784x128xf32>
    %sub3A_30 = arith.subf %get3A_29, %add3A_19 : vector<784x128xf32>
    %abs3A_31 = math.absf %sub3A_30 : vector<784x128xf32>
    %add3A_32 = arith.addf %abs3A, %abs3A_31 : vector<784x128xf32>
    %reduce_sum3A = vector.shape_cast %add3A_32 : vector<784x128xf32> to vector<1x784x128xf32>
    %reduce_sum3A_33 = arith.constant dense<0.000000e+00> : vector<1xf32>
    %reduce_sum3A_34 = vector.multi_reduction <add>, %reduce_sum3A, %reduce_sum3A_33 [1, 2] : vector<1x784x128xf32> to vector<1xf32>
    %reduce_sum3A_35 = vector.shape_cast %reduce_sum3A_34 : vector<1xf32> to vector<1x1x1xf32>
    %reduce_sum3A_36 = vector.extract %reduce_sum3A_35[0, 0, 0] : f32 from vector<1x1x1xf32>
    %swap3A = arith.constant 0 : index
    %swap3A_37 = arith.constant 0 : index
    %swap3A_38 = memref.load %arg2[%swap3A, %swap3A_37] : memref<1x1xf32, #tpu.memory_space<smem>>
    memref.store %reduce_sum3A_36, %arg2[%swap3A, %swap3A_37] : memref<1x1xf32, #tpu.memory_space<smem>>
    return
  }
}

</mosaic_0001>

<sc_bundles>
// kernel: kernel.4.cloned.1.call-start
scs
__scs_entry_jumppad:
0x0: {  	(pc) =	sbr.rel $0x88, $3  }
0x1: {  	(tag) =	ssettag $0x0;
	lr =	simm.s32 $0x1  }
0x2: {  	[smem:$0x3F9E] =	sst lr;
	_ =	strace $0xD0000000  }
0x3: {  	_ = 	snop  }
0x4: {  	_ = 	snop  }
0x5: {  	_ = 	snop  }
0x6: {  	_ = 	snop  }
0x7: {  	_ = 	snop  }
__scs_overlays_trampoline_lowered:
0x8: {  	[smem:$0x3FAD] =	sst s0  }
0x9: {  	[smem:$0x3FAE] =	sst s1  }
0xa: {  	[smem:$0x3FAF] =	sst s2  }
0xb: {  	[smem:$0x3FB0] =	sst s3  }
0xc: {  	[smem:$0x3FB1] =	sst s4  }
0xd: {  	[smem:$0x3FB2] =	sst s5  }
0xe: {  	[smem:$0x3FB3] =	sst s6  }
0xf: {  	[smem:$0x3FB4] =	sst s7  }
0x10: {  	[smem:$0x3FB5] =	sst s8  }
0x11: {  	[smem:$0x3FB6] =	sst s9;
	s0 =	simm.s32 @!p0 $0x0  }
0x12: {  	s1 =	sld [smem:$0x3F9C];
	s0 =	simm.s32 @p0 $0x1  }
0x13: {  	[smem:$0x3FB7] =	sst s0;
	s0 =	simm.s32 @!p1 $0x0  }
0x14: {  	s2 =	sld [smem:$0x3F9B];
	s0 =	simm.s32 @p1 $0x1  }
0x15: {  	[smem:$0x3FB8] =	sst s0;
	s0 =	simm.s32 @!p2 $0x0  }
0x16: {  	s3 =	sld [smem:$0x3FDB];
	s0 =	simm.s32 @p2 $0x1  }
0x17: {  	s4 =	simm.s32 $0x1BF5;
	[smem:$0x3FBA] =	sst s0  }
0x18: {  	s0 =	sld [smem:$0x3F9D];
	_ =	swait.ge [sflag:s4], $0x0  }
0x19: {  	s7 =	sld [smem:$0x3F9E]  }
0x1a: {  	s8 =	sadd.s32 $0xFFFFE003, lr  }
0x1b: {  	s9 =	sadd.s32 $0xFFFFFEF7, lr;
	s5 =	simm.s32 $0xFFFFFFFF;
	p2 =	slt.u32 s8, $0xFFFFF086  }
0x1c: {  	p1 =	slt.u32 s9, $0xF7A;
	s5 =	simm.s32 @!p2 $0x0  }
0x1d: {  	s5 =	simm.s32 @p1 $0x1;
	p0 =	seq.s32 s7, s2  }
0x1e: {  	s7 =	smul.u32 @!p0 $0xF7A, s2;
	p2 =	seq.s32 @!p0 s5, $0x0  }
0x1f: {  	s9 =	smul.u32 $0xF7A, s1;
	s8 =	simm.s32 @!p0 $0x1BF5;
	p2 =	por !p2, p0  }
0x20: {  	[sflag:s8] =	ssyncset.s32 @!p0 $0xFFFFF086;
	s6 =	sadd.s32 @!p0 s3, s7;
	s7 =	simm.s32 @!p0 $0x108  }
0x21: {  	s3 =	sadd.s32 s3, s9;
	s6 =	sadd.s32 @!p0 $0x88, s6;
	s7 =	simm.s32 @p2 $0x1082  }
0x22: {  	[simem:s7], [sflag:s8] =	dma.local @!p0 [hbm:s6], $0xF7A  }
0x23: {  	s9 =	sor.u32 $0xD0000000, s2;
	s6 =	simm.s32 $0x108;
	_ =	swait.ge @!p0 [sflag:s8], $0x0  }
0x24: {  	s3 =	sadd.s32 $0x88, s3;
	s6 =	simm.s32 @!p1 $0x1082;
	[sflag:s4] =	ssyncset.s32 $0xFFFFF086  }
0x25: {  	[simem:s6], [sflag:s4] =	dma.local [hbm:s3], $0xF7A  }
0x26: {  	[smem:$0x3F9E] =	sst s1;
	(tag) =	ssettag s2;
	_ =	strace s9  }
0x27: {  	s1 =	sld [smem:$0x3FAE]  }
0x28: {  	s2 =	sld [smem:$0x3FAF]  }
0x29: {  	s4 =	sld [smem:$0x3FB1]  }
0x2a: {  	p0 =	seq.s32 s5, $0x0;
	s5 =	sld [smem:$0x3FB2]  }
0x2b: {  	s6 =	sld [smem:$0x3FB3]  }
0x2c: {  	s7 =	sld [smem:$0x3FB4]  }
0x2d: {  	s3 =	simm.s32 $0x108;
	s8 =	sld [smem:$0x3FB5]  }
0x2e: {  	s3 =	simm.s32 @!p0 $0x1082;
	s9 =	sld [smem:$0x3FB6]  }
0x2f: {  	lr =	sadd.s32 s0, s3;
	s0 =	sld [smem:$0x3FAD]  }
0x30: {  	s3 =	sld [smem:$0x3FB0]  }
0x31: {  	[smem:$0x3FB9] =	sst s10  }
0x32: {  	s10 =	sld [smem:$0x3FB7];
	_ =	sdelay $0x3  }
0x33: {  	p0 =	seq.s32 s10, $0x1;
	s10 =	sld [smem:$0x3FB9];
	_ =	sdelay $0x3  }
0x34: {  	[smem:$0x3FB9] =	sst s10  }
0x35: {  	s10 =	sld [smem:$0x3FB8];
	_ =	sdelay $0x3  }
0x36: {  	p1 =	seq.s32 s10, $0x1;
	s10 =	sld [smem:$0x3FB9];
	_ =	sdelay $0x3  }
0x37: {  	[smem:$0x3FB9] =	sst s10  }
0x38: {  	s10 =	sld [smem:$0x3FBA]  }
0x39: {  	_ = 	snop;
	(pc) =	sbr.ind lr, $3  }
0x3a: {  	_ = 	snop  }
0x3b: {  	_ = 	snop  }
0x3c: {  	p2 =	seq.s32 s10, $0x1;
	s10 =	sld [smem:$0x3FB9]  }
0x3d: {  	_ =	shalt  }
0x3e: {  	_ =	shalt  }
0x3f: {  	_ =	shalt  }
0x40: {  	_ =	shalt  }
0x41: {  	_ =	shalt  }
0x42: {  	_ =	shalt  }
0x43: {  	_ =	shalt  }
0x44: {  	_ =	shalt  }
0x45: {  	_ =	shalt  }
0x46: {  	_ =	shalt  }
0x47: {  	_ =	shalt  }
0x48: {  	_ =	shalt  }
0x49: {  	_ =	shalt  }
0x4a: {  	_ =	shalt  }
0x4b: {  	_ =	shalt  }
0x4c: {  	_ =	shalt  }
0x4d: {  	_ =	shalt  }
0x4e: {  	_ =	shalt  }
0x4f: {  	_ =	shalt  }
0x50: {  	_ =	shalt  }
0x51: {  	_ =	shalt  }
0x52: {  	_ =	shalt  }
0x53: {  	_ =	shalt  }
0x54: {  	_ =	shalt  }
0x55: {  	_ =	shalt  }
0x56: {  	_ =	shalt  }
0x57: {  	_ =	shalt  }
0x58: {  	_ =	shalt  }
0x59: {  	_ =	shalt  }
0x5a: {  	_ =	shalt  }
0x5b: {  	_ =	shalt  }
0x5c: {  	_ =	shalt  }
0x5d: {  	_ =	shalt  }
0x5e: {  	_ =	shalt  }
0x5f: {  	_ =	shalt  }
0x60: {  	_ =	shalt  }
0x61: {  	_ =	shalt  }
0x62: {  	_ =	shalt  }
0x63: {  	_ =	shalt  }
0x64: {  	_ =	shalt  }
0x65: {  	_ =	shalt  }
0x66: {  	_ =	shalt  }
0x67: {  	_ =	shalt  }
0x68: {  	_ =	shalt  }
0x69: {  	_ =	shalt  }
0x6a: {  	_ =	shalt  }
0x6b: {  	_ =	shalt  }
0x6c: {  	_ =	shalt  }
0x6d: {  	_ =	shalt  }
0x6e: {  	_ =	shalt  }
0x6f: {  	_ =	shalt  }
0x70: {  	_ =	shalt  }
0x71: {  	_ =	shalt  }
0x72: {  	_ =	shalt  }
0x73: {  	_ =	shalt  }
0x74: {  	_ =	shalt  }
0x75: {  	_ =	shalt  }
0x76: {  	_ =	shalt  }
0x77: {  	_ =	shalt  }
0x78: {  	_ =	shalt  }
0x79: {  	_ =	shalt  }
0x7a: {  	_ =	shalt  }
0x7b: {  	_ =	shalt  }
0x7c: {  	_ =	shalt  }
0x7d: {  	_ =	shalt  }
0x7e: {  	_ =	shalt  }
0x7f: {  	_ =	shalt  }
0x80: {  	_ =	shalt  }
0x81: {  	_ =	shalt  }
0x82: {  	_ =	shalt  }
0x83: {  	_ =	shalt  }
0x84: {  	_ =	shalt  }
0x85: {  	_ =	shalt  }
0x86: {  	_ =	shalt  }
0x87: {  	_ =	shalt  }
.Lfunc_end0:
.L_simem_size_0:
called_computation.1_lowered:
.L_overlay_start_0:
0x88: {  	s2 =	sld [smem:$0x3FD9]  }
0x89: {  	s3 =	sld [smem:$0x3FFE];
	_ =	sdelay $0x1  }
0x8a: {  	s1 =	srdreg.scid  }
0x8b: {  	s0 =	sand.u32 $0x1, s1  }
0x8c: {  	s16 =	sshll.u32 s0, $0xA;
	s2 =	sadd.s32 s3, s2  }
0x8d: {  	s2 =	sadd.s32 s2, s16  }
0x8e: {  	[smem:$0x3FC5] =	sst s2  }
0x8f: {  	_ = 	snop  }
0x90: {  	(tm) =	ssettm $0x1  }
0x91: {  	s17 =	sld [smem:$0x3FFB];
	_ =	sdelay $0x3  }
0x92: {  	_ =	strace s17  }
0x93: {  	s2 =	sld [smem:$0x3FFC];
	_ =	sdelay $0x3  }
0x94: {  	_ =	strace s2  }
0x95: {  	s2 =	sld [smem:$0x3FFD];
	_ =	sdelay $0x3  }
0x96: {  	_ =	strace s2  }
0x97: {  	_ =	strace $0x8FFFFFFF  }
0x98: {  	s18 =	sld [smem:$0x3FDB];
	_ =	sdelay $0x1  }
0x99: {  	s19 =	simm.s32 $_scs_section_size  }
0x9a: {  	s4 =	simm.s32 $_size__tile_overlayer_lowered;
	s5 =	simm.s32 $_tile_overlayer_lowered  }
0x9b: {  	s22 =	simm.s32 $0x1BFF;
	s21 =	sshll.u32 s5, $0x1;
	s2 =	sadd.s32 s19, s18  }
0x9c: {  	s6 =	simm.s32 $0x0;
	s20 =	sshll.u32 s4, $0x1;
	s4 =	sadd.s32 s21, s2  }
0x9d: {  	[timem:s6], [sflag:s22] =	dma.local [hbm:s4], s20  }
0x9e: {  	_ =	swait.ge [sflag:s22], s20  }
0x9f: {  	s3 =	ssub.s32 $0x0, s20;
	[sflag:s22] =	ssyncset.done $0x0  }
0xa0: {  	[sflag:s22] =	ssyncadd.s32 s3;
	_ =	sdelay $0x1  }
0xa1: {  	s23 =	simm.s32 $0x1B8B  }
0xa2: {  	_ =	swait.ge [sflag:s23], $0x1  }
0xa3: {  	[sflag:s23] =	ssyncset.done $0x0  }
0xa4: {  	s25 =	simm.s32 $0x1B8E;
	s24 =	sld [smem:$0x3FFE];
	[sflag:s23] =	ssyncadd.s32 $0xFFFFFFFF  }
0xa5: {  	s26 =	simm.s32 $execute0_lowered;
	[smem:$0x3FD2] =	sst s25  }
0xa6: {  	s4 =	sshll.u32 s26, $0x1;
	_ =	strace $0x80000049;
	[dreg:$0x1] =	wrdreg $0xFFFFFFFF  }
0xa7: {  	s28 =	simm.s32 $_size_execute0_lowered;
	s2 =	sadd.s32 s2, s4;
	[dreg:$0x0] =	wrdreg $0x0  }
0xa8: {  	s4 =	sshll.u32 s28, $0x1;
	[dreg:$0x2] =	wrdreg s2  }
0xa9: {  	[dreg:$0x3] =	wrdreg s4  }
0xaa: {  	[dreg:$0x4] =	wrdreg $0xC0  }
0xab: {  	_ =	task [dreg:s6], $0x5FFFF  }
0xac: {  	[dreg:$0x1] =	wrdreg $0xFFFFFFFF  }
0xad: {  	[dreg:$0x0] =	wrdreg $0x60  }
0xae: {  	[dreg:$0x2] =	wrdreg s24  }
0xaf: {  	[dreg:$0x3] =	wrdreg $0x0  }
0xb0: {  	[dreg:$0x4] =	wrdreg $0x18800  }
0xb1: {  	[dreg:$0x5] =	wrdreg $0x31000  }
0xb2: {  	[dreg:$0x6] =	wrdreg $0x9  }
0xb3: {  	_ =	task.clear_ibuf [dreg:s6], $0x7FFFF;
	_ =	strace $0x90000049  }
0xb4: {  	s29 =	simm.s32 $0x9;
	_ =	strace $0x8000004B  }
0xb5: {  	_ =	swait.ge [sflag:s29], $0x1  }
0xb6: {  	[sflag:s29] =	ssyncadd.s32 $0xFFFFFFFF  }
0xb7: {  	_ =	strace $0x9000004B  }
0xb8: {  	_ =	sfence  }
0xb9: {  	s30 =	sld [smem:$0x0];
	_ =	sdelay $0x2  }
0xba: {  	s31 =	sshll.u32 s1, $0xD;
	s1 =	sshrl.u32 s1, $0x2  }
0xbb: {  	s3 =	sand.u32 $0x4000, s31;
	s1 =	sadd.s32 s1, s30  }
0xbc: {  	s0 =	sor.u32 s3, s0;
	s1 =	sshll.u32 s1, $0x11  }
0xbd: {  	s0 =	sor.u32 s1, s0  }
0xbe: {  	s0 =	sadd.s32 $0x8F2B, s0  }
0xbf: {  	[sflag:s0] =	ssyncadd.remote.s32 $0x1  }
0xc0: {  	_ =	sfence.sel $0xFFFF  }
0xc1: {  	[dreg:$0x0] =	wrdreg $0xFFFFFFFF;
	(pc) =	sbr.abs _section_cstart, $3  }
0xc2: {  	[dreg:$0x1] =	wrdreg $0xFFFFFFFF  }
0xc3: {  	_ =	task.clear_ibuf [dreg:s6], $0x2FFFF;
	_ =	strace $0x9FFFFFFF  }
0xc4: {  	(tm) =	ssettm $0x7FFFFFFF  }
0xc5: {  	_ =	shalt  }
tec
execute0_lowered:
.L_overlay_start_1:
0x0: {  	(tag) =	ssettag $0x1  }
0x1: {  	s1 =	rddreg [dreg:$0x0]  }
0x2: {  	s3 =	rddreg [dreg:$0x1]  }
0x3: {  	s4 =	rddreg [dreg:$0x2]  }
0x4: {  	s5 =	rddreg [dreg:$0x3]  }
0x5: {  	s13 =	stileid.u32;
	s0 =	srdreg.scid  }
0x6: {  	s6 =	simm.s32 $0x0;
	s31 =	simm.s32 $0x14980;
	s30 =	simm.s32 $0x17980  }
0x7: {  	s2 =	smul.u32 $0x1880, s13;
	s0 =	sand.u32 $0x1, s0;
	[smem:$0x7FF] =	sst s6  }
0x8: {  	s7 =	sadd.s32 $0x186A00, s1;
	s11 =	sshll.u32 s13, $0x1;
	s25 =	sshll.u32 s13, $0x6  }
0x9: {  	s8 =	smul.u32 $0x31000, s0;
	_ =	strace $0x8000004A;
	s10 =	ssub.s32 $0x2, s0  }
0xa: {  	s0 =	sor.u32 s0, s11;
	s17 =	sor.u32 $0x1C07, s25;
	s9 =	sshrl.u32 s2, $0x3  }
0xb: {  	s12 =	sshrl.u32 s10, $0x1;
	s26 =	sadd.s32 s2, s3;
	s29 =	sadd.s32 s2, s4  }
0xc: {  	[dreg:$0x7] =	wrdreg s17;
	s9 =	sadd.s32 s9, s1;
	s8 =	sadd.s32 s2, s8  }
0xd: {  	s10 =	ssub.s32 s10, s12;
	[dreg:$0x8] =	wrdreg s29;
	s2 =	sadd.s32 s2, s5  }
0xe: {  	s12 =	smul.u32 $0x30D40, s0;
	s0 =	sshrl.u32 s26, $0x3;
	[dreg:$0xa] =	wrdreg s2  }
0xf: {  	s13 =	simm.s32 $0x8980;
	s28 =	sadd.s32 $0x24A000, s9;
	[dreg:$0x16] =	wrdreg s0  }
0x10: {  	s8 =	sshrl.u32 s8, $0x3;
	s9 =	sadd.s32 $0x24D200, s9;
	[dreg:$0x6] =	wrdreg s28  }
0x11: {  	s24 =	smax.u32 s10, $0x1;
	s0 =	simm.s32 $0x4980;
	[dreg:$0x9] =	wrdreg s9  }
0x12: {  	s10 =	simm.s32 $0x3;
	s8 =	sadd.s32 s8, s1;
	[dreg:$0x15] =	wrdreg s24  }
0x13: {  	s11 =	sshrl.u32 s12, $0x3;
	s26 =	sadd.s32 $0x3E80, s12;
	[dreg:$0x5] =	wrdreg s12  }
0x14: {  	s28 =	sadd.s32 $0x4E20, s12;
	s29 =	sadd.s32 $0x5DC0, s12;
	[dreg:$0x18] =	wrdreg s26  }
0x15: {  	s24 =	simm.s32 $0xB980;
	s14 =	sadd.s32 s1, s11;
	[dreg:$0x19] =	wrdreg s28  }
0x16: {  	s15 =	sadd.s32 $0x1F4, s11;
	s18 =	sadd.s32 s7, s11;
	[dreg:$0x1a] =	wrdreg s29  }
0x17: {  	s21 =	sadd.s32 $0x3E8, s11;
	s22 =	sadd.s32 $0x250400, s8;
	[dreg:$0xd] =	wrdreg s18  }
0x18: {  	v0 =	vimm.f32 $6.283185480e+00;
	s23 =	sadd.s32 $0x253500, s8;
	s11 =	simm.s32 $0x7980;
	[dreg:$0x13] =	wrdreg s22  }
0x19: {  	(erf) = vrcp.f32 v0;
	s26 =	simm.s32 $0x5;
	s8 =	simm.s32 $0x4;
	[dreg:$0x14] =	wrdreg s23  }
0x1a: {  	s16 =	sadd.s32 $0xC3500, s14;
	s19 =	sadd.s32 s1, s15;
	[dreg:$0xb] =	wrdreg s14  }
0x1b: {  	s20 =	sadd.s32 $0xC36F4, s14;
	s2 =	sadd.s32 s7, s15;
	[dreg:$0xc] =	wrdreg s16  }
0x1c: {  	s9 =	sadd.s32 s1, s21;
	s25 =	sadd.s32 $0xC38E8, s14;
	[dreg:$0xe] =	wrdreg s19  }
0x1d: {  	s22 =	simm.s32 $0x7;
	s23 =	simm.s32 $0x2;
	[dreg:$0xf] =	wrdreg s20  }
0x1e: {  	s14 =	simm.s32 $0xD980;
	s18 =	simm.s32 $0x15980;
	[dreg:$0x10] =	wrdreg s2  }
0x1f: {  	s15 =	simm.s32 $0x16980;
	[dreg:$0x11] =	wrdreg s9;
	s2 =	sadd.s32 s7, s21  }
0x20: {  	[dreg:$0x17] =	wrdreg s25;
	s16 =	simm.s32 $0xA980;
	s19 =	simm.s32 $0x1  }
0x21: {  	s20 =	simm.s32 $0xFA0;
	s25 =	simm.s32 $0x13980;
	s9 =	simm.s32 $0x6  }
0x22: {  	s21 =	simm.s32 $0x0;
	[dreg:$0x12] =	wrdreg s2;
	s2 =	simm.s32 $0x5980;
	v0 =	vpop (erf)  }
.LBB2_1:
0x23: {  	[dreg:$0x1b] =	wrdreg s21  }
0x24: {  	s12 =	rddreg [dreg:$0x6]  }
0x25: {  	s29 =	rddreg [dreg:$0x16]  }
0x26: {  	[spmem:s29], [sflag:s17] =	dma.local [hbm:s12], $0x310  }
0x27: {  	_ =	swait.ge [sflag:s22], $0x310  }
0x28: {  	s21 =	rddreg [dreg:$0x8]  }
0x29: {  	[sflag:s22] =	ssyncset.done $0x0;
	s12 =	rddreg [dreg:$0x9];
	s29 =	sshrl.u32 s21, $0x3  }
0x2a: {  	[sflag:s22] =	ssyncadd.s32 $0xFFFFFCF0;
	[dreg:$0x1c] =	wrdreg s29  }
0x2b: {  	[spmem:s29], [sflag:s17] =	dma.local [hbm:s12], $0x310  }
0x2c: {  	_ =	swait.ge [sflag:s22], $0x310  }
0x2d: {  	s29 =	rddreg [dreg:$0xa]  }
0x2e: {  	[sflag:s22] =	ssyncset.done $0x0;
	s21 =	sshrl.u32 s29, $0x3  }
0x2f: {  	[sflag:s22] =	ssyncadd.s32 $0xFFFFFCF0;
	[dreg:$0x1d] =	wrdreg s21  }
0x30: {  	[spmem:s21], [sflag:s17] =	dma.local [hbm:s12], $0x310  }
0x31: {  	_ =	swait.ge [sflag:s22], $0x310  }
0x32: {  	[sflag:s22] =	ssyncset.done $0x0  }
0x33: {  	[sflag:s22] =	ssyncadd.s32 $0xFFFFFCF0  }
0x34: {  	[bflag:$0x0] =	sbarrier.arrive $0xFFFF  }
0x35: {  	s22 =	rddreg [dreg:$0xb]  }
0x36: {  	[tilespmem:s0], [sflag:$0x1] =	stream.linear.gather [hbm4b:s22+s6], $0xFA0, $0x38;
	[tilespmem:$0x18980] =	vst v63  }
0x37: {  	s29 =	rddreg [dreg:$0xc]  }
0x38: {  	[tilespmem:s2], [sflag:$0x1] =	stream.linear.gather [hbm4b:s29+s6], $0xFA0, $0x38;
	[tilespmem:$0x18980] =	vst v63  }
0x39: {  	s21 =	simm.s32 $0x6980;
	s17 =	rddreg [dreg:$0xd]  }
0x3a: {  	[tilespmem:s21], [sflag:$0x1] =	stream.linear.gather [hbm4b:s17+s6], $0xFA0, $0x38;
	[tilespmem:$0x18980] =	vst v63  }
0x3b: {  	s22 =	rddreg [dreg:$0xe]  }
0x3c: {  	[tilespmem:s11], [sflag:$0x2] =	stream.linear.gather [hbm4b:s22+s6], $0xFA0, $0x38;
	[tilespmem:$0x18980] =	vst v63  }
0x3d: {  	s29 =	rddreg [dreg:$0xf]  }
0x3e: {  	[tilespmem:s13], [sflag:$0x2] =	stream.linear.gather [hbm4b:s29+s6], $0xFA0, $0x38;
	[tilespmem:$0x18980] =	vst v63  }
0x3f: {  	s17 =	rddreg [dreg:$0x10];
	s21 =	simm.s32 $0x9980  }
0x40: {  	[tilespmem:s21], [sflag:$0x2] =	stream.linear.gather [hbm4b:s17+s6], $0xFA0, $0x38;
	[tilespmem:$0x18980] =	vst v63  }
0x41: {  	s22 =	rddreg [dreg:$0x11]  }
0x42: {  	[tilespmem:s16], [sflag:$0x3] =	stream.linear.gather [hbm4b:s22+s6], $0xFA0, $0x38;
	[tilespmem:$0x18980] =	vst v63  }
0x43: {  	s29 =	rddreg [dreg:$0x17]  }
0x44: {  	[tilespmem:s24], [sflag:$0x3] =	stream.linear.gather [hbm4b:s29+s6], $0xFA0, $0x38;
	[tilespmem:$0x18980] =	vst v63  }
0x45: {  	s17 =	rddreg [dreg:$0x12];
	s21 =	simm.s32 $0xC980  }
0x46: {  	[tilespmem:s21], [sflag:$0x3] =	stream.linear.gather [hbm4b:s17+s6], $0xFA0, $0x38;
	[tilespmem:$0x18980] =	vst v63  }
0x47: {  	_ =	swait.ge [sflag:s19], $0xFA0  }
0x48: {  	[sflag:s19] =	ssyncset.done $0x0  }
0x49: {  	[sflag:s19] =	ssyncadd.s32 $0xFFFFF060  }
0x4a: {  	_ =	swait.ge [sflag:s19], $0xFA0  }
0x4b: {  	[sflag:s19] =	ssyncset.done $0x0  }
0x4c: {  	[sflag:s19] =	ssyncadd.s32 $0xFFFFF060  }
0x4d: {  	_ =	swait.ge [sflag:s19], $0xFA0  }
0x4e: {  	[sflag:s19] =	ssyncset.done $0x0  }
0x4f: {  	s22 =	simm.s32 $0x10980;
	[sflag:s19] =	ssyncadd.s32 $0xFFFFF060  }
0x50: {  	[tilespmem:s22], [sflag:$0x5] =	stream.indirect.gather [spmem:s3], $0x1, s0, s20, $0xb8;
	[tilespmem:$0x18980] =	vst v63  }
0x51: {  	s28 =	simm.s32 $0x0;
	s29 =	simm.s32 $0x11980  }
0x52: {  	[tilespmem:s29], [sflag:$0x5] =	stream.indirect.gather [spmem:s3], $0x1, s2, s20, $0xb8;
	[tilespmem:$0x18980] =	vst v63  }
.LBB2_2:
0x53: {  	_ =	swait.ge [sflag:s23], $0xFA0  }
0x54: {  	[sflag:s23] =	ssyncset.done $0x0  }
0x55: {  	[sflag:s23] =	ssyncadd.s32 $0xFFFFF060  }
0x56: {  	_ =	swait.ge [sflag:s23], $0xFA0  }
0x57: {  	[sflag:s23] =	ssyncset.done $0x0  }
0x58: {  	[sflag:s23] =	ssyncadd.s32 $0xFFFFF060  }
0x59: {  	_ =	swait.ge [sflag:s23], $0xFA0  }
0x5a: {  	[sflag:s23] =	ssyncset.done $0x0  }
0x5b: {  	s12 =	simm.s32 $0x12980;
	[sflag:s23] =	ssyncadd.s32 $0xFFFFF060  }
0x5c: {  	[tilespmem:s12], [sflag:$0x5] =	stream.indirect.gather [spmem:s3], $0x1, s11, s20, $0xb8;
	[tilespmem:$0x18980] =	vst v63  }
0x5d: {  	_ = 	snop  }
0x5e: {  	[tilespmem:s25], [sflag:$0x5] =	stream.indirect.gather [spmem:s3], $0x1, s13, s20, $0xb8;
	[tilespmem:$0x18980] =	vst v63  }
0x5f: {  	_ =	swait.ge [sflag:s26], $0xFA0  }
0x60: {  	[sflag:s26] =	ssyncset.done $0x0  }
0x61: {  	[sflag:s26] =	ssyncadd.s32 $0xFFFFF060  }
0x62: {  	_ =	swait.ge [sflag:s26], $0xFA0  }
0x63: {  	[sflag:s26] =	ssyncset.done $0x0  }
0x64: {  	s12 =	simm.s32 $0x0;
	[sflag:s26] =	ssyncadd.s32 $0xFFFFF060  }
0x65: {  	v5 =	vld [tilespmem:s12+$0x10980]  }
0x66: {  	v6 =	vld [tilespmem:s12+$0x11980];
	_ =	sdelay $0x4  }
0x67: {  	v1 =	vunpack.i.l.bf16.f32 v5;
	v2 =	vunpack.i.l.bf16.f32 v6  }
0x68: {  	v1 =	vsub.f32 v1, v2;
	_ =	sdelay $0x1  }
0x69: {  	v1 =	vand.u32 $0x7FFFFFFF, v1  }
0x6a: {  	v2 =	vmul.f32 v1, v0;
	_ =	sdelay $0x1  }
0x6b: {  	v2 =	vfloor.f32 v2  }
0x6c: {  	v2 =	vmul.f32 $6.283185480e+00, v2;
	_ =	sdelay $0x1  }
0x6d: {  	s17 =	simm.s32 $0x10;
	v1 =	vsub.f32 v1, v2  }
0x6e: {  	v4 =	vld [tilespmem:s17+$0x10980]  }
0x6f: {  	v3 =	vld [tilespmem:s17+$0x11980];
	v2 =	vand.u32 $0x7FFFFFFF, v1  }
0x70: {  	v2 =	vadd.f32 $-3.141592740e+00, v2  }
0x71: {  	vm0 =	veq.f32 v1, $6.283185480e+00  }
0x72: {  	v9 =	vsel vm0, $0xC0490FDB, v2  }
0x73: {  	v10 =	vmul.f32 v9, v9  }
0x74: {  	v1 =	vunpack.i.l.bf16.f32 v4;
	v2 =	vunpack.i.l.bf16.f32 v3  }
0x75: {  	v1 =	vsub.f32 v1, v2;
	v2 =	vmul.f32 $-2.219392170e-07, v10;
	_ =	sdelay $0x1  }
0x76: {  	v7 =	vand.u32 $0x7FFFFFFF, v1;
	v1 =	vmul.f32 $2.173236000e-06, v10;
	v2 =	vadd.f32 $2.425318600e-05, v2  }
0x77: {  	v8 =	vmul.f32 v7, v0  }
0x78: {  	v1 =	vadd.f32 $-1.931623120e-04, v1;
	v11 =	vmul.f32 v2, v10  }
0x79: {  	s29 =	simm.s32 $0x20;
	v8 =	vfloor.f32 v8  }
0x7a: {  	v2 =	vld [tilespmem:s29+$0x10980];
	v8 =	vmul.f32 $6.283185480e+00, v8;
	v12 =	vmul.f32 v1, v10;
	v11 =	vadd.f32 $-1.386274700e-03, v11  }
0x7b: {  	v1 =	vld [tilespmem:s29+$0x11980]  }
0x7c: {  	v7 =	vsub.f32 v7, v8;
	v8 =	vadd.f32 $8.312385520e-03, v12;
	v11 =	vmul.f32 v11, v10  }
0x7d: {  	v5 =	vunpack.i.u.bf16.f32 v5  }
0x7e: {  	v12 =	vand.u32 $0x7FFFFFFF, v7;
	v8 =	vmul.f32 v8, v10;
	v11 =	vadd.f32 $4.166103150e-02, v11  }
0x7f: {  	vm15 =	veq.f32 v7, $6.283185480e+00;
	v13 =	vunpack.i.l.bf16.f32 v2;
	v12 =	vadd.f32 $-3.141592740e+00, v12  }
0x80: {  	v14 =	vunpack.i.l.bf16.f32 v1;
	v15 =	vadd.f32 $-1.666325930e-01, v8;
	v11 =	vmul.f32 v11, v10  }
0x81: {  	v6 =	vunpack.i.u.bf16.f32 v6;
	v13 =	vsub.f32 v13, v14;
	v7 =	vsel vm15, $0xC0490FDB, v12  }
0x82: {  	v12 =	vld [tilespmem:s12+$0x6980];
	v8 =	vmul.f32 v7, v7;
	v14 =	vmul.f32 v15, v10;
	v11 =	vadd.f32 $-4.999955890e-01, v11  }
0x83: {  	v20 =	vmul.f32 v6, v5;
	v13 =	vand.u32 $0x7FFFFFFF, v13  }
0x84: {  	v15 =	vmul.f32 $-2.219392170e-07, v8;
	v14 =	vadd.f32 $9.999845620e-01, v14;
	v10 =	vmul.f32 v11, v10  }
0x85: {  	v16 =	vmul.f32 $2.173236000e-06, v8;
	v11 =	vmul.f32 v13, v0  }
0x86: {  	v15 =	vadd.f32 $2.425318600e-05, v15;
	v9 =	vmul.f32 v14, v9;
	v10 =	vadd.f32 $9.999994630e-01, v10  }
0x87: {  	v14 =	vadd.f32 $-1.931623120e-04, v16;
	v17 =	vunpack.i.u.bf16.f32 v12;
	v11 =	vfloor.f32 v11  }
0x88: {  	s21 =	simm.s32 $0x30;
	v15 =	vmul.f32 v15, v8;
	v18 =	vsub.f32 $0.0e+00, v9;
	v9 =	vsub.f32 $0.0e+00, v10  }
0x89: {  	v6 =	vld [tilespmem:s21+$0x10980];
	v12 =	vunpack.i.l.bf16.f32 v12;
	v14 =	vmul.f32 v14, v8;
	v10 =	vmul.f32 $6.283185480e+00, v11  }
0x8a: {  	v5 =	vld [tilespmem:s21+$0x11980];
	v15 =	vadd.f32 $-1.386274700e-03, v15;
	v16 =	vmul.f32 v18, v12;
	v19 =	vmul.f32 v9, v17  }
0x8b: {  	v14 =	vadd.f32 $8.312385520e-03, v14;
	v11 =	vsub.f32 v13, v10  }
0x8c: {  	v10 =	vmul.f32 v9, v12;
	v15 =	vmul.f32 v15, v8;
	v16 =	vsub.f32 v16, v19  }
0x8d: {  	s22 =	simm.s32 $0x100;
	v9 =	vand.u32 $0x7FFFFFFF, v20;
	v12 =	vmul.f32 v18, v17;
	v13 =	vand.u32 $0x7FFFFFFF, v11  }
.LBB2_3:
0x8e: {  	p0 =	sne.s32 s22, $0x3E40;
	v14 =	vmul.f32 v14, v8;
	v15 =	vadd.f32 $4.166103150e-02, v15;
	v16 =	vmul.f32 v16, v9  }
0x8f: {  	v17 =	vunpack.i.l.bf16.f32 v6;
	v13 =	vadd.f32 $-3.141592740e+00, v13;
	v18 =	vunpack.i.l.bf16.f32 v5  }
0x90: {  	vm0 =	veq.f32 v11, $6.283185480e+00;
	v11 =	vadd.f32 $-1.666325930e-01, v14;
	v14 =	vmul.f32 v15, v8;
	[tilespmem:s12+$0x15980] =	vst v16  }
0x91: {  	v10 =	vadd.f32 v10, v12;
	v15 =	vsub.f32 v17, v18;
	v13 =	vsel vm0, $0xC0490FDB, v13  }
0x92: {  	v12 =	vmul.f32 v13, v13;
	v16 =	vld [tilespmem:s17+$0x6980];
	v11 =	vmul.f32 v11, v8;
	v14 =	vadd.f32 $-4.999955890e-01, v14  }
0x93: {  	v17 =	vunpack.i.u.bf16.f32 v4;
	v4 =	vmovc v2;
	v2 =	vmovc v6;
	v9 =	vmul.f32 v10, v9;
	v15 =	vand.u32 $0x7FFFFFFF, v15  }
0x94: {  	v6 =	vmul.f32 $-2.219392170e-07, v12;
	v10 =	vadd.f32 $9.999845620e-01, v11;
	v11 =	vmul.f32 v14, v8;
	v8 =	vmovc v12  }
0x95: {  	v18 =	vunpack.i.u.bf16.f32 v3;
	v3 =	vmovc v1;
	v1 =	vmovc v5;
	v12 =	vmul.f32 v15, v0;
	v14 =	vmul.f32 $2.173236000e-06, v8;
	[tilespmem:s12+$0x14980] =	vst v9;
	s12 =	smov.u32 s17;
	s17 =	smov.u32 s29;
	s29 =	smov.u32 s21  }
0x96: {  	v5 =	vadd.f32 $2.425318600e-05, v6;
	v6 =	vmul.f32 v10, v7;
	v9 =	vadd.f32 $9.999994630e-01, v11;
	v7 =	vmovc v13  }
0x97: {  	v10 =	vfloor.f32 v12;
	v11 =	vadd.f32 $-1.931623120e-04, v14;
	v12 =	vunpack.i.u.bf16.f32 v16  }
0x98: {  	s21 =	sshra.s32 s22, $0x2;
	v13 =	vmul.f32 v5, v8;
	v19 =	vsub.f32 $0.0e+00, v6;
	v9 =	vsub.f32 $0.0e+00, v9  }
.Ltmp0:
0x99: {  	v10 =	vmul.f32 $6.283185480e+00, v10;
	v16 =	vunpack.i.l.bf16.f32 v16;
	v6 =	vld [tilespmem:s21+$0x10980];
	v14 =	vmul.f32 v11, v8;
	(pc) =	sbr.rel @p0 .LBB2_3-.Ltmp0, $4  }
0x9a: {  	v13 =	vadd.f32 $-1.386274700e-03, v13;
	v5 =	vld [tilespmem:s21+$0x11980];
	v20 =	vmul.f32 v19, v16;
	v21 =	vmul.f32 v9, v12  }
0x9b: {  	v17 =	vmul.f32 v18, v17;
	v11 =	vsub.f32 v15, v10;
	v10 =	vmul.f32 v9, v16  }
0x9c: {  	v14 =	vadd.f32 $8.312385520e-03, v14;
	v15 =	vmul.f32 v13, v8;
	v16 =	vsub.f32 v20, v21  }
0x9d: {  	s22 =	sadd.s32 $0x40, s22;
	v9 =	vand.u32 $0x7FFFFFFF, v17;
	v12 =	vmul.f32 v19, v12;
	v13 =	vand.u32 $0x7FFFFFFF, v11  }
0x9e: {  	v14 =	vmul.f32 v14, v8;
	v15 =	vadd.f32 $4.166103150e-02, v15;
	v16 =	vmul.f32 v16, v9  }
0x9f: {  	v17 =	vunpack.i.l.bf16.f32 v6;
	v13 =	vadd.f32 $-3.141592740e+00, v13;
	vm0 =	veq.f32 v11, $6.283185480e+00  }
0xa0: {  	v18 =	vunpack.i.l.bf16.f32 v5;
	v10 =	vadd.f32 v10, v12;
	v11 =	vadd.f32 $-1.666325930e-01, v14  }
0xa1: {  	v14 =	vmul.f32 v15, v8;
	v15 =	vsub.f32 v17, v18;
	v13 =	vsel vm0, $0xC0490FDB, v13  }
0xa2: {  	[tilespmem:s12+$0x15980] =	vst v16;
	v12 =	vmul.f32 v13, v13;
	v11 =	vmul.f32 v11, v8  }
0xa3: {  	v16 =	vld [tilespmem:s17+$0x6980];
	v9 =	vmul.f32 v10, v9;
	v14 =	vadd.f32 $-4.999955890e-01, v14;
	v15 =	vand.u32 $0x7FFFFFFF, v15  }
0xa4: {  	v10 =	vmul.f32 $-2.219392170e-07, v12;
	v17 =	vmul.f32 $2.173236000e-06, v12;
	v11 =	vadd.f32 $9.999845620e-01, v11  }
0xa5: {  	v4 =	vunpack.i.u.bf16.f32 v4;
	v8 =	vmul.f32 v14, v8;
	v14 =	vmul.f32 v15, v0  }
0xa6: {  	v3 =	vunpack.i.u.bf16.f32 v3;
	v10 =	vadd.f32 $2.425318600e-05, v10;
	v7 =	vmul.f32 v11, v7  }
0xa7: {  	v8 =	vadd.f32 $9.999994630e-01, v8;
	v11 =	vfloor.f32 v14;
	v14 =	vadd.f32 $-1.931623120e-04, v17  }
0xa8: {  	v17 =	vunpack.i.u.bf16.f32 v16;
	v10 =	vmul.f32 v10, v12;
	v11 =	vmul.f32 $6.283185480e+00, v11  }
0xa9: {  	v7 =	vsub.f32 $0.0e+00, v7;
	v8 =	vsub.f32 $0.0e+00, v8;
	v14 =	vmul.f32 v14, v12  }
0xaa: {  	v16 =	vunpack.i.l.bf16.f32 v16;
	v10 =	vadd.f32 $-1.386274700e-03, v10;
	v11 =	vsub.f32 v15, v11  }
0xab: {  	v15 =	vmul.f32 v7, v16;
	v18 =	vmul.f32 v8, v17;
	v14 =	vadd.f32 $8.312385520e-03, v14  }
0xac: {  	v3 =	vmul.f32 v3, v4;
	v4 =	vmul.f32 v10, v12;
	v10 =	vand.u32 $0x7FFFFFFF, v11  }
0xad: {  	v15 =	vsub.f32 v15, v18;
	v14 =	vmul.f32 v14, v12;
	v10 =	vadd.f32 $-3.141592740e+00, v10  }
0xae: {  	v3 =	vand.u32 $0x7FFFFFFF, v3;
	vm13 =	veq.f32 v11, $6.283185480e+00;
	v4 =	vadd.f32 $4.166103150e-02, v4  }
0xaf: {  	v11 =	vmul.f32 v15, v3;
	v14 =	vadd.f32 $-1.666325930e-01, v14;
	v10 =	vsel vm13, $0xC0490FDB, v10  }
0xb0: {  	v4 =	vmul.f32 v4, v12;
	v15 =	vmul.f32 v10, v10  }
0xb1: {  	[tilespmem:s12+$0x14980] =	vst v9;
	v9 =	vmul.f32 v14, v12  }
0xb2: {  	[tilespmem:s17+$0x15980] =	vst v11;
	v4 =	vadd.f32 $-4.999955890e-01, v4;
	v11 =	vmul.f32 $-2.219392170e-07, v15  }
0xb3: {  	v14 =	vld [tilespmem:s29+$0x6980];
	v18 =	vmul.f32 $2.173236000e-06, v15;
	v9 =	vadd.f32 $9.999845620e-01, v9  }
0xb4: {  	v4 =	vmul.f32 v4, v12;
	v11 =	vadd.f32 $2.425318600e-05, v11  }
0xb5: {  	v2 =	vunpack.i.u.bf16.f32 v2;
	v12 =	vadd.f32 $-1.931623120e-04, v18;
	v9 =	vmul.f32 v9, v13  }
0xb6: {  	v1 =	vunpack.i.u.bf16.f32 v1;
	v4 =	vadd.f32 $9.999994630e-01, v4;
	v11 =	vmul.f32 v11, v15  }
0xb7: {  	v8 =	vmul.f32 v8, v16;
	v12 =	vmul.f32 v12, v15;
	v9 =	vsub.f32 $0.0e+00, v9  }
0xb8: {  	v13 =	vunpack.i.l.bf16.f32 v14;
	v4 =	vsub.f32 $0.0e+00, v4;
	v11 =	vadd.f32 $-1.386274700e-03, v11  }
0xb9: {  	v7 =	vmul.f32 v7, v17;
	v14 =	vunpack.i.u.bf16.f32 v14;
	v16 =	vmul.f32 v9, v13  }
0xba: {  	v12 =	vadd.f32 $8.312385520e-03, v12;
	v17 =	vmul.f32 v4, v14;
	v11 =	vmul.f32 v11, v15  }
0xbb: {  	v1 =	vmul.f32 v1, v2;
	v7 =	vadd.f32 v8, v7  }
0xbc: {  	v2 =	vmul.f32 v12, v15;
	v8 =	vsub.f32 v16, v17;
	v11 =	vadd.f32 $4.166103150e-02, v11  }
0xbd: {  	v1 =	vand.u32 $0x7FFFFFFF, v1;
	v3 =	vmul.f32 v7, v3  }
0xbe: {  	v2 =	vadd.f32 $-1.666325930e-01, v2;
	v7 =	vmul.f32 v8, v1;
	v8 =	vmul.f32 v11, v15;
	_ =	sdelay $0x1  }
0xbf: {  	[tilespmem:s17+$0x14980] =	vst v3;
	v2 =	vmul.f32 v2, v15;
	v3 =	vadd.f32 $-4.999955890e-01, v8  }
0xc0: {  	[tilespmem:s29+$0x15980] =	vst v7  }
0xc1: {  	v2 =	vadd.f32 $9.999845620e-01, v2;
	v7 =	vld [tilespmem:s21+$0x6980];
	v3 =	vmul.f32 v3, v15  }
0xc2: {  	v6 =	vunpack.i.u.bf16.f32 v6  }
0xc3: {  	v5 =	vunpack.i.u.bf16.f32 v5;
	v2 =	vmul.f32 v2, v10;
	v3 =	vadd.f32 $9.999994630e-01, v3  }
0xc4: {  	v5 =	vmul.f32 v5, v6  }
0xc5: {  	v4 =	vmul.f32 v4, v13;
	v2 =	vsub.f32 $0.0e+00, v2;
	v3 =	vsub.f32 $0.0e+00, v3  }
0xc6: {  	v8 =	vmul.f32 v9, v14;
	v9 =	vunpack.i.l.bf16.f32 v7;
	v7 =	vunpack.i.u.bf16.f32 v7  }
0xc7: {  	v10 =	vmul.f32 v2, v9;
	v11 =	vmul.f32 v3, v7  }
0xc8: {  	v4 =	vadd.f32 v4, v8;
	v2 =	vmul.f32 v2, v7;
	v3 =	vmul.f32 v3, v9  }
0xc9: {  	v6 =	vsub.f32 v10, v11  }
0xca: {  	v1 =	vmul.f32 v4, v1;
	v4 =	vand.u32 $0x7FFFFFFF, v5;
	v2 =	vadd.f32 v3, v2  }
0xcb: {  	v3 =	vmul.f32 v6, v4  }
0xcc: {  	[tilespmem:s29+$0x14980] =	vst v1;
	v1 =	vmul.f32 v2, v4  }
0xcd: {  	p0 =	seq.s32 s28, $0x0;
	[tilespmem:s21+$0x15980] =	vst v3  }
0xce: {  	s12 =	simm.s32 @!p0 $0x6;
	[tilespmem:s21+$0x14980] =	vst v1  }
0xcf: {  	_ =	swait.ge @!p0 [sflag:s12], $0xFA0  }
0xd0: {  	s17 =	smul.u32 @!p0 $0x3E80, s28;
	[sflag:s12] =	ssyncset.done @!p0 $0x0  }
0xd1: {  	[sflag:s12] =	ssyncadd.s32 @!p0 $0xFFFFF060  }
0xd2: {  	s17 =	sadd.s32 @!p0 $0x2EE0, s17;
	_ =	swait.ge @!p0 [sflag:s12], $0xFA0  }
0xd3: {  	s17 =	simm.s32 @p0 $0x2EE0;
	s22 =	rddreg [dreg:$0x5]  }
0xd4: {  	s17 =	sadd.s32 s22, s17  }
0xd5: {  	[sflag:s12] =	ssyncset.done @!p0 $0x0;
	s17 =	sshrl.u32 s17, $0x3  }
0xd6: {  	s21 =	simm.s32 $0x0;
	[sflag:s12] =	ssyncadd.s32 @!p0 $0xFFFFF060;
	s22 =	sadd.s32 s1, s17  }
0xd7: {  	[tilespmem:s14], [sflag:$0x4] =	stream.linear.gather [hbm4b:s22+s21], $0xFA0, $0x38;
	[tilespmem:$0x18980] =	vst v63  }
0xd8: {  	s12 =	sadd.s32 $0xC3500, s22;
	s22 =	simm.s32 $0xE980  }
0xd9: {  	[tilespmem:s22], [sflag:$0x4] =	stream.linear.gather [hbm4b:s12+s21], $0xFA0, $0x38;
	[tilespmem:$0x18980] =	vst v63  }
0xda: {  	s17 =	sadd.s32 s7, s17;
	s22 =	simm.s32 $0xF980  }
0xdb: {  	[tilespmem:s22], [sflag:$0x4] =	stream.linear.gather [hbm4b:s17+s21], $0xFA0, $0x38;
	[tilespmem:$0x18980] =	vst v63  }
0xdc: {  	_ = 	snop  }
0xdd: {  	[spmem:s4] =	stream.indirect.scatter.add.f32 [tilespmem:s31], [sflag:$0x6], $0x1, s0, s20, $0xb8;
	[tilespmem:$0x18980] =	vst v63  }
0xde: {  	_ = 	snop  }
0xdf: {  	[spmem:s5] =	stream.indirect.scatter.add.f32 [tilespmem:s18], [sflag:$0x6], $0x1, s0, s20, $0xb8;
	[tilespmem:$0x18980] =	vst v63  }
0xe0: {  	_ =	swait.ge [sflag:s10], $0xFA0  }
0xe1: {  	[sflag:s10] =	ssyncset.done $0x0  }
0xe2: {  	[sflag:s10] =	ssyncadd.s32 $0xFFFFF060  }
0xe3: {  	_ =	swait.ge [sflag:s10], $0xFA0  }
0xe4: {  	[sflag:s10] =	ssyncset.done $0x0  }
0xe5: {  	[sflag:s10] =	ssyncadd.s32 $0xFFFFF060  }
0xe6: {  	_ =	swait.ge [sflag:s10], $0xFA0  }
0xe7: {  	[sflag:s10] =	ssyncset.done $0x0  }
0xe8: {  	s21 =	simm.s32 $0x10980;
	[sflag:s10] =	ssyncadd.s32 $0xFFFFF060  }
0xe9: {  	[tilespmem:s21], [sflag:$0x5] =	stream.indirect.gather [spmem:s3], $0x1, s16, s20, $0xb8;
	[tilespmem:$0x18980] =	vst v63  }
0xea: {  	s22 =	simm.s32 $0x11980  }
0xeb: {  	[tilespmem:s22], [sflag:$0x5] =	stream.indirect.gather [spmem:s3], $0x1, s24, s20, $0xb8;
	[tilespmem:$0x18980] =	vst v63  }
0xec: {  	_ =	swait.ge [sflag:s26], $0xFA0  }
0xed: {  	[sflag:s26] =	ssyncset.done $0x0  }
0xee: {  	[sflag:s26] =	ssyncadd.s32 $0xFFFFF060  }
0xef: {  	_ =	swait.ge [sflag:s26], $0xFA0  }
0xf0: {  	[sflag:s26] =	ssyncset.done $0x0  }
0xf1: {  	s12 =	simm.s32 $0x0;
	[sflag:s26] =	ssyncadd.s32 $0xFFFFF060  }
0xf2: {  	v5 =	vld [tilespmem:s12+$0x12980]  }
0xf3: {  	v6 =	vld [tilespmem:s12+$0x13980];
	_ =	sdelay $0x4  }
0xf4: {  	v1 =	vunpack.i.l.bf16.f32 v5;
	v2 =	vunpack.i.l.bf16.f32 v6  }
0xf5: {  	v1 =	vsub.f32 v1, v2;
	_ =	sdelay $0x1  }
0xf6: {  	v1 =	vand.u32 $0x7FFFFFFF, v1  }
0xf7: {  	v2 =	vmul.f32 v1, v0;
	_ =	sdelay $0x1  }
0xf8: {  	v2 =	vfloor.f32 v2  }
0xf9: {  	v2 =	vmul.f32 $6.283185480e+00, v2;
	_ =	sdelay $0x1  }
0xfa: {  	s17 =	simm.s32 $0x10;
	v1 =	vsub.f32 v1, v2  }
0xfb: {  	v4 =	vld [tilespmem:s17+$0x12980]  }
0xfc: {  	v3 =	vld [tilespmem:s17+$0x13980];
	v2 =	vand.u32 $0x7FFFFFFF, v1  }
0xfd: {  	v2 =	vadd.f32 $-3.141592740e+00, v2  }
0xfe: {  	vm14 =	veq.f32 v1, $6.283185480e+00  }
0xff: {  	v9 =	vsel vm14, $0xC0490FDB, v2  }
0x100: {  	v10 =	vmul.f32 v9, v9  }
0x101: {  	v1 =	vunpack.i.l.bf16.f32 v4;
	v2 =	vunpack.i.l.bf16.f32 v3  }
0x102: {  	v1 =	vsub.f32 v1, v2;
	v2 =	vmul.f32 $-2.219392170e-07, v10;
	_ =	sdelay $0x1  }
0x103: {  	v7 =	vand.u32 $0x7FFFFFFF, v1;
	v1 =	vmul.f32 $2.173236000e-06, v10;
	v2 =	vadd.f32 $2.425318600e-05, v2  }
0x104: {  	v8 =	vmul.f32 v7, v0  }
0x105: {  	v1 =	vadd.f32 $-1.931623120e-04, v1;
	v11 =	vmul.f32 v2, v10  }
0x106: {  	s29 =	simm.s32 $0x20;
	v8 =	vfloor.f32 v8  }
0x107: {  	v2 =	vld [tilespmem:s29+$0x12980];
	v8 =	vmul.f32 $6.283185480e+00, v8;
	v12 =	vmul.f32 v1, v10;
	v11 =	vadd.f32 $-1.386274700e-03, v11  }
0x108: {  	v1 =	vld [tilespmem:s29+$0x13980]  }
0x109: {  	v7 =	vsub.f32 v7, v8;
	v8 =	vadd.f32 $8.312385520e-03, v12;
	v11 =	vmul.f32 v11, v10  }
0x10a: {  	v5 =	vunpack.i.u.bf16.f32 v5  }
0x10b: {  	v12 =	vand.u32 $0x7FFFFFFF, v7;
	v8 =	vmul.f32 v8, v10;
	v11 =	vadd.f32 $4.166103150e-02, v11  }
0x10c: {  	vm15 =	veq.f32 v7, $6.283185480e+00;
	v13 =	vunpack.i.l.bf16.f32 v2;
	v12 =	vadd.f32 $-3.141592740e+00, v12  }
0x10d: {  	v14 =	vunpack.i.l.bf16.f32 v1;
	v15 =	vadd.f32 $-1.666325930e-01, v8;
	v11 =	vmul.f32 v11, v10  }
0x10e: {  	v6 =	vunpack.i.u.bf16.f32 v6;
	v13 =	vsub.f32 v13, v14;
	v7 =	vsel vm15, $0xC0490FDB, v12  }
0x10f: {  	v12 =	vld [tilespmem:s12+$0x9980];
	v8 =	vmul.f32 v7, v7;
	v14 =	vmul.f32 v15, v10;
	v11 =	vadd.f32 $-4.999955890e-01, v11  }
0x110: {  	v20 =	vmul.f32 v6, v5;
	v13 =	vand.u32 $0x7FFFFFFF, v13  }
0x111: {  	v15 =	vmul.f32 $-2.219392170e-07, v8;
	v14 =	vadd.f32 $9.999845620e-01, v14;
	v10 =	vmul.f32 v11, v10  }
0x112: {  	v16 =	vmul.f32 $2.173236000e-06, v8;
	v11 =	vmul.f32 v13, v0  }
0x113: {  	v15 =	vadd.f32 $2.425318600e-05, v15;
	v9 =	vmul.f32 v14, v9;
	v10 =	vadd.f32 $9.999994630e-01, v10  }
0x114: {  	v14 =	vadd.f32 $-1.931623120e-04, v16;
	v17 =	vunpack.i.u.bf16.f32 v12;
	v11 =	vfloor.f32 v11  }
0x115: {  	s21 =	simm.s32 $0x30;
	v15 =	vmul.f32 v15, v8;
	v18 =	vsub.f32 $0.0e+00, v9;
	v9 =	vsub.f32 $0.0e+00, v10  }
0x116: {  	v6 =	vld [tilespmem:s21+$0x12980];
	v12 =	vunpack.i.l.bf16.f32 v12;
	v14 =	vmul.f32 v14, v8;
	v10 =	vmul.f32 $6.283185480e+00, v11  }
0x117: {  	v5 =	vld [tilespmem:s21+$0x13980];
	v15 =	vadd.f32 $-1.386274700e-03, v15;
	v16 =	vmul.f32 v18, v12;
	v19 =	vmul.f32 v9, v17  }
0x118: {  	v14 =	vadd.f32 $8.312385520e-03, v14;
	v11 =	vsub.f32 v13, v10  }
0x119: {  	v10 =	vmul.f32 v9, v12;
	v15 =	vmul.f32 v15, v8;
	v16 =	vsub.f32 v16, v19  }
0x11a: {  	s22 =	simm.s32 $0x100;
	v9 =	vand.u32 $0x7FFFFFFF, v20;
	v12 =	vmul.f32 v18, v17;
	v13 =	vand.u32 $0x7FFFFFFF, v11  }
.LBB2_5:
0x11b: {  	p0 =	sne.s32 s22, $0x3E40;
	v14 =	vmul.f32 v14, v8;
	v15 =	vadd.f32 $4.166103150e-02, v15;
	v16 =	vmul.f32 v16, v9  }
0x11c: {  	v17 =	vunpack.i.l.bf16.f32 v6;
	v13 =	vadd.f32 $-3.141592740e+00, v13;
	v18 =	vunpack.i.l.bf16.f32 v5  }
0x11d: {  	vm0 =	veq.f32 v11, $6.283185480e+00;
	v11 =	vadd.f32 $-1.666325930e-01, v14;
	v14 =	vmul.f32 v15, v8;
	[tilespmem:s12+$0x17980] =	vst v16  }
0x11e: {  	v10 =	vadd.f32 v10, v12;
	v15 =	vsub.f32 v17, v18;
	v13 =	vsel vm0, $0xC0490FDB, v13  }
0x11f: {  	v12 =	vmul.f32 v13, v13;
	v16 =	vld [tilespmem:s17+$0x9980];
	v11 =	vmul.f32 v11, v8;
	v14 =	vadd.f32 $-4.999955890e-01, v14  }
0x120: {  	v17 =	vunpack.i.u.bf16.f32 v4;
	v4 =	vmovc v2;
	v2 =	vmovc v6;
	v9 =	vmul.f32 v10, v9;
	v15 =	vand.u32 $0x7FFFFFFF, v15  }
0x121: {  	v6 =	vmul.f32 $-2.219392170e-07, v12;
	v10 =	vadd.f32 $9.999845620e-01, v11;
	v11 =	vmul.f32 v14, v8;
	v8 =	vmovc v12  }
0x122: {  	v18 =	vunpack.i.u.bf16.f32 v3;
	v3 =	vmovc v1;
	v1 =	vmovc v5;
	v12 =	vmul.f32 v15, v0;
	v14 =	vmul.f32 $2.173236000e-06, v8;
	[tilespmem:s12+$0x16980] =	vst v9;
	s12 =	smov.u32 s17;
	s17 =	smov.u32 s29;
	s29 =	smov.u32 s21  }
0x123: {  	v5 =	vadd.f32 $2.425318600e-05, v6;
	v6 =	vmul.f32 v10, v7;
	v9 =	vadd.f32 $9.999994630e-01, v11;
	v7 =	vmovc v13  }
0x124: {  	v10 =	vfloor.f32 v12;
	v11 =	vadd.f32 $-1.931623120e-04, v14;
	v12 =	vunpack.i.u.bf16.f32 v16  }
0x125: {  	s21 =	sshra.s32 s22, $0x2;
	v13 =	vmul.f32 v5, v8;
	v19 =	vsub.f32 $0.0e+00, v6;
	v9 =	vsub.f32 $0.0e+00, v9  }
.Ltmp1:
0x126: {  	v10 =	vmul.f32 $6.283185480e+00, v10;
	v16 =	vunpack.i.l.bf16.f32 v16;
	v6 =	vld [tilespmem:s21+$0x12980];
	v14 =	vmul.f32 v11, v8;
	(pc) =	sbr.rel @p0 .LBB2_5-.Ltmp1, $4  }
0x127: {  	v13 =	vadd.f32 $-1.386274700e-03, v13;
	v5 =	vld [tilespmem:s21+$0x13980];
	v20 =	vmul.f32 v19, v16;
	v21 =	vmul.f32 v9, v12  }
0x128: {  	v17 =	vmul.f32 v18, v17;
	v11 =	vsub.f32 v15, v10;
	v10 =	vmul.f32 v9, v16  }
0x129: {  	v14 =	vadd.f32 $8.312385520e-03, v14;
	v15 =	vmul.f32 v13, v8;
	v16 =	vsub.f32 v20, v21  }
0x12a: {  	s22 =	sadd.s32 $0x40, s22;
	v9 =	vand.u32 $0x7FFFFFFF, v17;
	v12 =	vmul.f32 v19, v12;
	v13 =	vand.u32 $0x7FFFFFFF, v11  }
0x12b: {  	v14 =	vmul.f32 v14, v8;
	v15 =	vadd.f32 $4.166103150e-02, v15;
	v16 =	vmul.f32 v16, v9  }
0x12c: {  	v17 =	vunpack.i.l.bf16.f32 v6;
	v13 =	vadd.f32 $-3.141592740e+00, v13;
	vm0 =	veq.f32 v11, $6.283185480e+00  }
0x12d: {  	v18 =	vunpack.i.l.bf16.f32 v5;
	v10 =	vadd.f32 v10, v12;
	v11 =	vadd.f32 $-1.666325930e-01, v14  }
0x12e: {  	v14 =	vmul.f32 v15, v8;
	v15 =	vsub.f32 v17, v18;
	v13 =	vsel vm0, $0xC0490FDB, v13  }
0x12f: {  	[tilespmem:s12+$0x17980] =	vst v16;
	v12 =	vmul.f32 v13, v13;
	v11 =	vmul.f32 v11, v8  }
0x130: {  	v16 =	vld [tilespmem:s17+$0x9980];
	v9 =	vmul.f32 v10, v9;
	v14 =	vadd.f32 $-4.999955890e-01, v14;
	v15 =	vand.u32 $0x7FFFFFFF, v15  }
0x131: {  	v10 =	vmul.f32 $-2.219392170e-07, v12;
	v17 =	vmul.f32 $2.173236000e-06, v12;
	v11 =	vadd.f32 $9.999845620e-01, v11  }
0x132: {  	v4 =	vunpack.i.u.bf16.f32 v4;
	v8 =	vmul.f32 v14, v8;
	v14 =	vmul.f32 v15, v0  }
0x133: {  	v3 =	vunpack.i.u.bf16.f32 v3;
	v10 =	vadd.f32 $2.425318600e-05, v10;
	v7 =	vmul.f32 v11, v7  }
0x134: {  	v8 =	vadd.f32 $9.999994630e-01, v8;
	v11 =	vfloor.f32 v14;
	v14 =	vadd.f32 $-1.931623120e-04, v17  }
0x135: {  	v17 =	vunpack.i.u.bf16.f32 v16;
	v10 =	vmul.f32 v10, v12;
	v11 =	vmul.f32 $6.283185480e+00, v11  }
0x136: {  	v7 =	vsub.f32 $0.0e+00, v7;
	v8 =	vsub.f32 $0.0e+00, v8;
	v14 =	vmul.f32 v14, v12  }
0x137: {  	v16 =	vunpack.i.l.bf16.f32 v16;
	v10 =	vadd.f32 $-1.386274700e-03, v10;
	v11 =	vsub.f32 v15, v11  }
0x138: {  	v15 =	vmul.f32 v7, v16;
	v18 =	vmul.f32 v8, v17;
	v14 =	vadd.f32 $8.312385520e-03, v14  }
0x139: {  	v3 =	vmul.f32 v3, v4;
	v4 =	vmul.f32 v10, v12;
	v10 =	vand.u32 $0x7FFFFFFF, v11  }
0x13a: {  	v15 =	vsub.f32 v15, v18;
	v14 =	vmul.f32 v14, v12;
	v10 =	vadd.f32 $-3.141592740e+00, v10  }
0x13b: {  	v3 =	vand.u32 $0x7FFFFFFF, v3;
	vm13 =	veq.f32 v11, $6.283185480e+00;
	v4 =	vadd.f32 $4.166103150e-02, v4  }
0x13c: {  	v11 =	vmul.f32 v15, v3;
	v14 =	vadd.f32 $-1.666325930e-01, v14;
	v10 =	vsel vm13, $0xC0490FDB, v10  }
0x13d: {  	v4 =	vmul.f32 v4, v12;
	v15 =	vmul.f32 v10, v10  }
0x13e: {  	[tilespmem:s12+$0x16980] =	vst v9;
	v9 =	vmul.f32 v14, v12  }
0x13f: {  	[tilespmem:s17+$0x17980] =	vst v11;
	v4 =	vadd.f32 $-4.999955890e-01, v4;
	v11 =	vmul.f32 $-2.219392170e-07, v15  }
0x140: {  	v14 =	vld [tilespmem:s29+$0x9980];
	v18 =	vmul.f32 $2.173236000e-06, v15;
	v9 =	vadd.f32 $9.999845620e-01, v9  }
0x141: {  	v4 =	vmul.f32 v4, v12;
	v11 =	vadd.f32 $2.425318600e-05, v11  }
0x142: {  	v2 =	vunpack.i.u.bf16.f32 v2;
	v12 =	vadd.f32 $-1.931623120e-04, v18;
	v9 =	vmul.f32 v9, v13  }
0x143: {  	v1 =	vunpack.i.u.bf16.f32 v1;
	v4 =	vadd.f32 $9.999994630e-01, v4;
	v11 =	vmul.f32 v11, v15  }
0x144: {  	v8 =	vmul.f32 v8, v16;
	v12 =	vmul.f32 v12, v15;
	v9 =	vsub.f32 $0.0e+00, v9  }
0x145: {  	v13 =	vunpack.i.l.bf16.f32 v14;
	v4 =	vsub.f32 $0.0e+00, v4;
	v11 =	vadd.f32 $-1.386274700e-03, v11  }
0x146: {  	v7 =	vmul.f32 v7, v17;
	v14 =	vunpack.i.u.bf16.f32 v14;
	v16 =	vmul.f32 v9, v13  }
0x147: {  	v12 =	vadd.f32 $8.312385520e-03, v12;
	v17 =	vmul.f32 v4, v14;
	v11 =	vmul.f32 v11, v15  }
0x148: {  	v1 =	vmul.f32 v1, v2;
	v7 =	vadd.f32 v8, v7  }
0x149: {  	v2 =	vmul.f32 v12, v15;
	v8 =	vsub.f32 v16, v17;
	v11 =	vadd.f32 $4.166103150e-02, v11  }
0x14a: {  	v1 =	vand.u32 $0x7FFFFFFF, v1;
	v3 =	vmul.f32 v7, v3  }
0x14b: {  	v2 =	vadd.f32 $-1.666325930e-01, v2;
	v7 =	vmul.f32 v8, v1;
	v8 =	vmul.f32 v11, v15;
	_ =	sdelay $0x1  }
0x14c: {  	[tilespmem:s17+$0x16980] =	vst v3;
	v2 =	vmul.f32 v2, v15;
	v3 =	vadd.f32 $-4.999955890e-01, v8  }
0x14d: {  	[tilespmem:s29+$0x17980] =	vst v7  }
0x14e: {  	v2 =	vadd.f32 $9.999845620e-01, v2;
	v7 =	vld [tilespmem:s21+$0x9980];
	v3 =	vmul.f32 v3, v15  }
0x14f: {  	v6 =	vunpack.i.u.bf16.f32 v6  }
0x150: {  	v5 =	vunpack.i.u.bf16.f32 v5;
	v2 =	vmul.f32 v2, v10;
	v3 =	vadd.f32 $9.999994630e-01, v3  }
0x151: {  	v5 =	vmul.f32 v5, v6  }
0x152: {  	v4 =	vmul.f32 v4, v13;
	v2 =	vsub.f32 $0.0e+00, v2;
	v3 =	vsub.f32 $0.0e+00, v3  }
0x153: {  	v8 =	vmul.f32 v9, v14;
	v9 =	vunpack.i.l.bf16.f32 v7;
	v7 =	vunpack.i.u.bf16.f32 v7  }
0x154: {  	v10 =	vmul.f32 v2, v9;
	v11 =	vmul.f32 v3, v7  }
0x155: {  	v4 =	vadd.f32 v4, v8;
	v2 =	vmul.f32 v2, v7;
	v3 =	vmul.f32 v3, v9  }
0x156: {  	v6 =	vsub.f32 v10, v11  }
0x157: {  	v1 =	vmul.f32 v4, v1;
	v4 =	vand.u32 $0x7FFFFFFF, v5;
	v2 =	vadd.f32 v3, v2  }
0x158: {  	v3 =	vmul.f32 v6, v4  }
0x159: {  	[tilespmem:s29+$0x16980] =	vst v1;
	v1 =	vmul.f32 v2, v4  }
0x15a: {  	[tilespmem:s21+$0x17980] =	vst v3  }
0x15b: {  	[tilespmem:s21+$0x16980] =	vst v1  }
0x15c: {  	_ =	swait.ge [sflag:s9], $0xFA0  }
0x15d: {  	[sflag:s9] =	ssyncset.done $0x0  }
0x15e: {  	[sflag:s9] =	ssyncadd.s32 $0xFFFFF060  }
0x15f: {  	s29 =	smul.u32 $0x3E80, s28;
	_ =	swait.ge [sflag:s9], $0xFA0  }
0x160: {  	s17 =	rddreg [dreg:$0x18]  }
0x161: {  	s12 =	sadd.s32 s29, s17  }
0x162: {  	[sflag:s9] =	ssyncset.done $0x0;
	s12 =	sshrl.u32 s12, $0x3  }
0x163: {  	s22 =	simm.s32 $0x0;
	[sflag:s9] =	ssyncadd.s32 $0xFFFFF060;
	s21 =	sadd.s32 s1, s12  }
0x164: {  	[tilespmem:s0], [sflag:$0x1] =	stream.linear.gather [hbm4b:s21+s22], $0xFA0, $0x38;
	[tilespmem:$0x18980] =	vst v63  }
0x165: {  	s17 =	sadd.s32 $0xC3500, s21  }
0x166: {  	[tilespmem:s2], [sflag:$0x1] =	stream.linear.gather [hbm4b:s17+s22], $0xFA0, $0x38;
	[tilespmem:$0x18980] =	vst v63  }
0x167: {  	s24 =	simm.s32 $0x6980;
	s12 =	sadd.s32 s7, s12  }
0x168: {  	[tilespmem:s24], [sflag:$0x1] =	stream.linear.gather [hbm4b:s12+s22], $0xFA0, $0x38;
	[tilespmem:$0x18980] =	vst v63  }
0x169: {  	_ = 	snop  }
0x16a: {  	[spmem:s4] =	stream.indirect.scatter.add.f32 [tilespmem:s15], [sflag:$0x6], $0x1, s11, s20, $0xb8;
	[tilespmem:$0x18980] =	vst v63  }
0x16b: {  	_ = 	snop  }
0x16c: {  	[spmem:s5] =	stream.indirect.scatter.add.f32 [tilespmem:s30], [sflag:$0x6], $0x1, s11, s20, $0xb8;
	[tilespmem:$0x18980] =	vst v63  }
0x16d: {  	_ =	swait.ge [sflag:s8], $0xFA0  }
0x16e: {  	[sflag:s8] =	ssyncset.done $0x0  }
0x16f: {  	[sflag:s8] =	ssyncadd.s32 $0xFFFFF060  }
0x170: {  	_ =	swait.ge [sflag:s8], $0xFA0  }
0x171: {  	[sflag:s8] =	ssyncset.done $0x0  }
0x172: {  	[sflag:s8] =	ssyncadd.s32 $0xFFFFF060  }
0x173: {  	_ =	swait.ge [sflag:s8], $0xFA0  }
0x174: {  	[sflag:s8] =	ssyncset.done $0x0  }
0x175: {  	s22 =	simm.s32 $0x12980;
	[sflag:s8] =	ssyncadd.s32 $0xFFFFF060  }
0x176: {  	[tilespmem:s22], [sflag:$0x5] =	stream.indirect.gather [spmem:s3], $0x1, s14, s20, $0xb8;
	[tilespmem:$0x18980] =	vst v63  }
0x177: {  	s24 =	simm.s32 $0xE980  }
0x178: {  	[tilespmem:s25], [sflag:$0x5] =	stream.indirect.gather [spmem:s3], $0x1, s24, s20, $0xb8;
	[tilespmem:$0x18980] =	vst v63  }
0x179: {  	_ =	swait.ge [sflag:s26], $0xFA0  }
0x17a: {  	[sflag:s26] =	ssyncset.done $0x0  }
0x17b: {  	[sflag:s26] =	ssyncadd.s32 $0xFFFFF060  }
0x17c: {  	_ =	swait.ge [sflag:s26], $0xFA0  }
0x17d: {  	[sflag:s26] =	ssyncset.done $0x0  }
0x17e: {  	s21 =	simm.s32 $0x0;
	[sflag:s26] =	ssyncadd.s32 $0xFFFFF060  }
0x17f: {  	v5 =	vld [tilespmem:s21+$0x10980]  }
0x180: {  	v6 =	vld [tilespmem:s21+$0x11980];
	_ =	sdelay $0x4  }
0x181: {  	v1 =	vunpack.i.l.bf16.f32 v5;
	v2 =	vunpack.i.l.bf16.f32 v6  }
0x182: {  	v1 =	vsub.f32 v1, v2;
	_ =	sdelay $0x1  }
0x183: {  	v1 =	vand.u32 $0x7FFFFFFF, v1  }
0x184: {  	v2 =	vmul.f32 v1, v0;
	_ =	sdelay $0x1  }
0x185: {  	v2 =	vfloor.f32 v2  }
0x186: {  	v2 =	vmul.f32 $6.283185480e+00, v2;
	_ =	sdelay $0x1  }
0x187: {  	s12 =	simm.s32 $0x10;
	v1 =	vsub.f32 v1, v2  }
0x188: {  	v4 =	vld [tilespmem:s12+$0x10980]  }
0x189: {  	v3 =	vld [tilespmem:s12+$0x11980];
	v2 =	vand.u32 $0x7FFFFFFF, v1  }
0x18a: {  	v2 =	vadd.f32 $-3.141592740e+00, v2  }
0x18b: {  	vm14 =	veq.f32 v1, $6.283185480e+00  }
0x18c: {  	v9 =	vsel vm14, $0xC0490FDB, v2  }
0x18d: {  	v10 =	vmul.f32 v9, v9  }
0x18e: {  	v1 =	vunpack.i.l.bf16.f32 v4;
	v2 =	vunpack.i.l.bf16.f32 v3  }
0x18f: {  	v1 =	vsub.f32 v1, v2;
	v2 =	vmul.f32 $-2.219392170e-07, v10;
	_ =	sdelay $0x1  }
0x190: {  	v7 =	vand.u32 $0x7FFFFFFF, v1;
	v1 =	vmul.f32 $2.173236000e-06, v10;
	v2 =	vadd.f32 $2.425318600e-05, v2  }
0x191: {  	v8 =	vmul.f32 v7, v0  }
0x192: {  	v1 =	vadd.f32 $-1.931623120e-04, v1;
	v11 =	vmul.f32 v2, v10  }
0x193: {  	s17 =	simm.s32 $0x20;
	v8 =	vfloor.f32 v8  }
0x194: {  	v2 =	vld [tilespmem:s17+$0x10980];
	v8 =	vmul.f32 $6.283185480e+00, v8;
	v12 =	vmul.f32 v1, v10;
	v11 =	vadd.f32 $-1.386274700e-03, v11  }
0x195: {  	v1 =	vld [tilespmem:s17+$0x11980]  }
0x196: {  	v7 =	vsub.f32 v7, v8;
	v8 =	vadd.f32 $8.312385520e-03, v12;
	v11 =	vmul.f32 v11, v10  }
0x197: {  	v5 =	vunpack.i.u.bf16.f32 v5  }
0x198: {  	v12 =	vand.u32 $0x7FFFFFFF, v7;
	v8 =	vmul.f32 v8, v10;
	v11 =	vadd.f32 $4.166103150e-02, v11  }
0x199: {  	vm15 =	veq.f32 v7, $6.283185480e+00;
	v13 =	vunpack.i.l.bf16.f32 v2;
	v12 =	vadd.f32 $-3.141592740e+00, v12  }
0x19a: {  	v14 =	vunpack.i.l.bf16.f32 v1;
	v15 =	vadd.f32 $-1.666325930e-01, v8;
	v11 =	vmul.f32 v11, v10  }
0x19b: {  	v6 =	vunpack.i.u.bf16.f32 v6;
	v13 =	vsub.f32 v13, v14;
	v7 =	vsel vm15, $0xC0490FDB, v12  }
0x19c: {  	v12 =	vld [tilespmem:s21+$0xC980];
	v8 =	vmul.f32 v7, v7;
	v14 =	vmul.f32 v15, v10;
	v11 =	vadd.f32 $-4.999955890e-01, v11  }
0x19d: {  	v20 =	vmul.f32 v6, v5;
	v13 =	vand.u32 $0x7FFFFFFF, v13  }
0x19e: {  	v15 =	vmul.f32 $-2.219392170e-07, v8;
	v14 =	vadd.f32 $9.999845620e-01, v14;
	v10 =	vmul.f32 v11, v10  }
0x19f: {  	v16 =	vmul.f32 $2.173236000e-06, v8;
	v11 =	vmul.f32 v13, v0  }
0x1a0: {  	v15 =	vadd.f32 $2.425318600e-05, v15;
	v9 =	vmul.f32 v14, v9;
	v10 =	vadd.f32 $9.999994630e-01, v10  }
0x1a1: {  	v14 =	vadd.f32 $-1.931623120e-04, v16;
	v17 =	vunpack.i.u.bf16.f32 v12;
	v11 =	vfloor.f32 v11  }
0x1a2: {  	s22 =	simm.s32 $0x30;
	v15 =	vmul.f32 v15, v8;
	v18 =	vsub.f32 $0.0e+00, v9;
	v9 =	vsub.f32 $0.0e+00, v10  }
0x1a3: {  	v6 =	vld [tilespmem:s22+$0x10980];
	v12 =	vunpack.i.l.bf16.f32 v12;
	v14 =	vmul.f32 v14, v8;
	v10 =	vmul.f32 $6.283185480e+00, v11  }
0x1a4: {  	v5 =	vld [tilespmem:s22+$0x11980];
	v15 =	vadd.f32 $-1.386274700e-03, v15;
	v16 =	vmul.f32 v18, v12;
	v19 =	vmul.f32 v9, v17  }
0x1a5: {  	v14 =	vadd.f32 $8.312385520e-03, v14;
	v11 =	vsub.f32 v13, v10  }
0x1a6: {  	v10 =	vmul.f32 v9, v12;
	v15 =	vmul.f32 v15, v8;
	v16 =	vsub.f32 v16, v19  }
0x1a7: {  	s24 =	simm.s32 $0x100;
	v9 =	vand.u32 $0x7FFFFFFF, v20;
	v12 =	vmul.f32 v18, v17;
	v13 =	vand.u32 $0x7FFFFFFF, v11  }
.LBB2_7:
0x1a8: {  	p0 =	sne.s32 s24, $0x3E40;
	v14 =	vmul.f32 v14, v8;
	v15 =	vadd.f32 $4.166103150e-02, v15;
	v16 =	vmul.f32 v16, v9  }
0x1a9: {  	v17 =	vunpack.i.l.bf16.f32 v6;
	v13 =	vadd.f32 $-3.141592740e+00, v13;
	v18 =	vunpack.i.l.bf16.f32 v5  }
0x1aa: {  	vm0 =	veq.f32 v11, $6.283185480e+00;
	v11 =	vadd.f32 $-1.666325930e-01, v14;
	v14 =	vmul.f32 v15, v8;
	[tilespmem:s21+$0x15980] =	vst v16  }
0x1ab: {  	v10 =	vadd.f32 v10, v12;
	v15 =	vsub.f32 v17, v18;
	v13 =	vsel vm0, $0xC0490FDB, v13  }
0x1ac: {  	v12 =	vmul.f32 v13, v13;
	v16 =	vld [tilespmem:s12+$0xC980];
	v11 =	vmul.f32 v11, v8;
	v14 =	vadd.f32 $-4.999955890e-01, v14  }
0x1ad: {  	v17 =	vunpack.i.u.bf16.f32 v4;
	v4 =	vmovc v2;
	v2 =	vmovc v6;
	v9 =	vmul.f32 v10, v9;
	v15 =	vand.u32 $0x7FFFFFFF, v15  }
0x1ae: {  	v6 =	vmul.f32 $-2.219392170e-07, v12;
	v10 =	vadd.f32 $9.999845620e-01, v11;
	v11 =	vmul.f32 v14, v8;
	v8 =	vmovc v12  }
0x1af: {  	v18 =	vunpack.i.u.bf16.f32 v3;
	v3 =	vmovc v1;
	v1 =	vmovc v5;
	v12 =	vmul.f32 v15, v0;
	v14 =	vmul.f32 $2.173236000e-06, v8;
	[tilespmem:s21+$0x14980] =	vst v9;
	s21 =	smov.u32 s12;
	s12 =	smov.u32 s17;
	s17 =	smov.u32 s22  }
0x1b0: {  	v5 =	vadd.f32 $2.425318600e-05, v6;
	v6 =	vmul.f32 v10, v7;
	v9 =	vadd.f32 $9.999994630e-01, v11;
	v7 =	vmovc v13  }
0x1b1: {  	v10 =	vfloor.f32 v12;
	v11 =	vadd.f32 $-1.931623120e-04, v14;
	v12 =	vunpack.i.u.bf16.f32 v16  }
0x1b2: {  	s22 =	sshra.s32 s24, $0x2;
	v13 =	vmul.f32 v5, v8;
	v19 =	vsub.f32 $0.0e+00, v6;
	v9 =	vsub.f32 $0.0e+00, v9  }
.Ltmp2:
0x1b3: {  	v10 =	vmul.f32 $6.283185480e+00, v10;
	v16 =	vunpack.i.l.bf16.f32 v16;
	v6 =	vld [tilespmem:s22+$0x10980];
	v14 =	vmul.f32 v11, v8;
	(pc) =	sbr.rel @p0 .LBB2_7-.Ltmp2, $4  }
0x1b4: {  	v13 =	vadd.f32 $-1.386274700e-03, v13;
	v5 =	vld [tilespmem:s22+$0x11980];
	v20 =	vmul.f32 v19, v16;
	v21 =	vmul.f32 v9, v12  }
0x1b5: {  	v17 =	vmul.f32 v18, v17;
	v11 =	vsub.f32 v15, v10;
	v10 =	vmul.f32 v9, v16  }
0x1b6: {  	v14 =	vadd.f32 $8.312385520e-03, v14;
	v15 =	vmul.f32 v13, v8;
	v16 =	vsub.f32 v20, v21  }
0x1b7: {  	s24 =	sadd.s32 $0x40, s24;
	v9 =	vand.u32 $0x7FFFFFFF, v17;
	v12 =	vmul.f32 v19, v12;
	v13 =	vand.u32 $0x7FFFFFFF, v11  }
0x1b8: {  	v14 =	vmul.f32 v14, v8;
	v15 =	vadd.f32 $4.166103150e-02, v15;
	v16 =	vmul.f32 v16, v9  }
0x1b9: {  	v17 =	vunpack.i.l.bf16.f32 v6;
	v13 =	vadd.f32 $-3.141592740e+00, v13;
	vm0 =	veq.f32 v11, $6.283185480e+00  }
0x1ba: {  	v18 =	vunpack.i.l.bf16.f32 v5;
	v10 =	vadd.f32 v10, v12;
	v11 =	vadd.f32 $-1.666325930e-01, v14  }
0x1bb: {  	v14 =	vmul.f32 v15, v8;
	v15 =	vsub.f32 v17, v18;
	v13 =	vsel vm0, $0xC0490FDB, v13  }
0x1bc: {  	[tilespmem:s21+$0x15980] =	vst v16;
	v12 =	vmul.f32 v13, v13;
	v11 =	vmul.f32 v11, v8  }
0x1bd: {  	v16 =	vld [tilespmem:s12+$0xC980];
	v9 =	vmul.f32 v10, v9;
	v14 =	vadd.f32 $-4.999955890e-01, v14;
	v15 =	vand.u32 $0x7FFFFFFF, v15  }
0x1be: {  	v10 =	vmul.f32 $-2.219392170e-07, v12;
	v17 =	vmul.f32 $2.173236000e-06, v12;
	v11 =	vadd.f32 $9.999845620e-01, v11  }
0x1bf: {  	v4 =	vunpack.i.u.bf16.f32 v4;
	v8 =	vmul.f32 v14, v8;
	v14 =	vmul.f32 v15, v0  }
0x1c0: {  	v3 =	vunpack.i.u.bf16.f32 v3;
	v10 =	vadd.f32 $2.425318600e-05, v10;
	v7 =	vmul.f32 v11, v7  }
0x1c1: {  	v8 =	vadd.f32 $9.999994630e-01, v8;
	v11 =	vfloor.f32 v14;
	v14 =	vadd.f32 $-1.931623120e-04, v17  }
0x1c2: {  	v17 =	vunpack.i.u.bf16.f32 v16;
	v10 =	vmul.f32 v10, v12;
	v11 =	vmul.f32 $6.283185480e+00, v11  }
0x1c3: {  	v7 =	vsub.f32 $0.0e+00, v7;
	v8 =	vsub.f32 $0.0e+00, v8;
	v14 =	vmul.f32 v14, v12  }
0x1c4: {  	v16 =	vunpack.i.l.bf16.f32 v16;
	v10 =	vadd.f32 $-1.386274700e-03, v10;
	v11 =	vsub.f32 v15, v11  }
0x1c5: {  	v15 =	vmul.f32 v7, v16;
	v18 =	vmul.f32 v8, v17;
	v14 =	vadd.f32 $8.312385520e-03, v14  }
0x1c6: {  	v3 =	vmul.f32 v3, v4;
	v4 =	vmul.f32 v10, v12;
	v10 =	vand.u32 $0x7FFFFFFF, v11  }
0x1c7: {  	v15 =	vsub.f32 v15, v18;
	v14 =	vmul.f32 v14, v12;
	v10 =	vadd.f32 $-3.141592740e+00, v10  }
0x1c8: {  	v3 =	vand.u32 $0x7FFFFFFF, v3;
	vm13 =	veq.f32 v11, $6.283185480e+00;
	v4 =	vadd.f32 $4.166103150e-02, v4  }
0x1c9: {  	v11 =	vmul.f32 v15, v3;
	v14 =	vadd.f32 $-1.666325930e-01, v14;
	v10 =	vsel vm13, $0xC0490FDB, v10  }
0x1ca: {  	v4 =	vmul.f32 v4, v12;
	v15 =	vmul.f32 v10, v10  }
0x1cb: {  	[tilespmem:s21+$0x14980] =	vst v9;
	v9 =	vmul.f32 v14, v12  }
0x1cc: {  	[tilespmem:s12+$0x15980] =	vst v11;
	v4 =	vadd.f32 $-4.999955890e-01, v4;
	v11 =	vmul.f32 $-2.219392170e-07, v15  }
0x1cd: {  	v14 =	vld [tilespmem:s17+$0xC980];
	v18 =	vmul.f32 $2.173236000e-06, v15;
	v9 =	vadd.f32 $9.999845620e-01, v9  }
0x1ce: {  	v4 =	vmul.f32 v4, v12;
	v11 =	vadd.f32 $2.425318600e-05, v11  }
0x1cf: {  	v2 =	vunpack.i.u.bf16.f32 v2;
	v12 =	vadd.f32 $-1.931623120e-04, v18;
	v9 =	vmul.f32 v9, v13  }
0x1d0: {  	v1 =	vunpack.i.u.bf16.f32 v1;
	v4 =	vadd.f32 $9.999994630e-01, v4;
	v11 =	vmul.f32 v11, v15  }
0x1d1: {  	v8 =	vmul.f32 v8, v16;
	v12 =	vmul.f32 v12, v15;
	v9 =	vsub.f32 $0.0e+00, v9  }
0x1d2: {  	v13 =	vunpack.i.l.bf16.f32 v14;
	v4 =	vsub.f32 $0.0e+00, v4;
	v11 =	vadd.f32 $-1.386274700e-03, v11  }
0x1d3: {  	v7 =	vmul.f32 v7, v17;
	v14 =	vunpack.i.u.bf16.f32 v14;
	v16 =	vmul.f32 v9, v13  }
0x1d4: {  	v12 =	vadd.f32 $8.312385520e-03, v12;
	v17 =	vmul.f32 v4, v14;
	v11 =	vmul.f32 v11, v15  }
0x1d5: {  	v1 =	vmul.f32 v1, v2;
	v7 =	vadd.f32 v8, v7  }
0x1d6: {  	v2 =	vmul.f32 v12, v15;
	v8 =	vsub.f32 v16, v17;
	v11 =	vadd.f32 $4.166103150e-02, v11  }
0x1d7: {  	v1 =	vand.u32 $0x7FFFFFFF, v1;
	v3 =	vmul.f32 v7, v3  }
0x1d8: {  	v2 =	vadd.f32 $-1.666325930e-01, v2;
	v7 =	vmul.f32 v8, v1;
	v8 =	vmul.f32 v11, v15;
	_ =	sdelay $0x1  }
0x1d9: {  	[tilespmem:s12+$0x14980] =	vst v3;
	v2 =	vmul.f32 v2, v15;
	v3 =	vadd.f32 $-4.999955890e-01, v8  }
0x1da: {  	[tilespmem:s17+$0x15980] =	vst v7  }
0x1db: {  	v2 =	vadd.f32 $9.999845620e-01, v2;
	v7 =	vld [tilespmem:s22+$0xC980];
	v3 =	vmul.f32 v3, v15  }
0x1dc: {  	v6 =	vunpack.i.u.bf16.f32 v6  }
0x1dd: {  	v5 =	vunpack.i.u.bf16.f32 v5;
	v2 =	vmul.f32 v2, v10;
	v3 =	vadd.f32 $9.999994630e-01, v3  }
0x1de: {  	v5 =	vmul.f32 v5, v6  }
0x1df: {  	v4 =	vmul.f32 v4, v13;
	v2 =	vsub.f32 $0.0e+00, v2;
	v3 =	vsub.f32 $0.0e+00, v3  }
0x1e0: {  	v8 =	vmul.f32 v9, v14;
	v9 =	vunpack.i.l.bf16.f32 v7;
	v7 =	vunpack.i.u.bf16.f32 v7  }
0x1e1: {  	v10 =	vmul.f32 v2, v9;
	v11 =	vmul.f32 v3, v7  }
0x1e2: {  	v4 =	vadd.f32 v4, v8;
	v2 =	vmul.f32 v2, v7;
	v3 =	vmul.f32 v3, v9  }
0x1e3: {  	v6 =	vsub.f32 v10, v11  }
0x1e4: {  	v1 =	vmul.f32 v4, v1;
	v4 =	vand.u32 $0x7FFFFFFF, v5;
	v2 =	vadd.f32 v3, v2  }
0x1e5: {  	v3 =	vmul.f32 v6, v4  }
0x1e6: {  	[tilespmem:s17+$0x14980] =	vst v1;
	v1 =	vmul.f32 v2, v4  }
0x1e7: {  	[tilespmem:s22+$0x15980] =	vst v3  }
0x1e8: {  	[tilespmem:s22+$0x14980] =	vst v1  }
0x1e9: {  	_ =	swait.ge [sflag:s9], $0xFA0  }
0x1ea: {  	[sflag:s9] =	ssyncset.done $0x0  }
0x1eb: {  	[sflag:s9] =	ssyncadd.s32 $0xFFFFF060  }
0x1ec: {  	_ =	swait.ge [sflag:s9], $0xFA0  }
0x1ed: {  	s17 =	rddreg [dreg:$0x19]  }
0x1ee: {  	s12 =	sadd.s32 s29, s17  }
0x1ef: {  	[sflag:s9] =	ssyncset.done $0x0;
	s12 =	sshrl.u32 s12, $0x3  }
0x1f0: {  	s22 =	simm.s32 $0x0;
	[sflag:s9] =	ssyncadd.s32 $0xFFFFF060;
	s21 =	sadd.s32 s1, s12  }
0x1f1: {  	[tilespmem:s11], [sflag:$0x2] =	stream.linear.gather [hbm4b:s21+s22], $0xFA0, $0x38;
	[tilespmem:$0x18980] =	vst v63  }
0x1f2: {  	s17 =	sadd.s32 $0xC3500, s21  }
0x1f3: {  	[tilespmem:s13], [sflag:$0x2] =	stream.linear.gather [hbm4b:s17+s22], $0xFA0, $0x38;
	[tilespmem:$0x18980] =	vst v63  }
0x1f4: {  	s24 =	simm.s32 $0x9980;
	s12 =	sadd.s32 s7, s12  }
0x1f5: {  	[tilespmem:s24], [sflag:$0x2] =	stream.linear.gather [hbm4b:s12+s22], $0xFA0, $0x38;
	[tilespmem:$0x18980] =	vst v63  }
0x1f6: {  	_ = 	snop  }
0x1f7: {  	[spmem:s4] =	stream.indirect.scatter.add.f32 [tilespmem:s31], [sflag:$0x6], $0x1, s16, s20, $0xb8;
	[tilespmem:$0x18980] =	vst v63  }
0x1f8: {  	_ = 	snop  }
0x1f9: {  	[spmem:s5] =	stream.indirect.scatter.add.f32 [tilespmem:s18], [sflag:$0x6], $0x1, s16, s20, $0xb8;
	[tilespmem:$0x18980] =	vst v63  }
0x1fa: {  	_ =	swait.ge [sflag:s19], $0xFA0  }
0x1fb: {  	[sflag:s19] =	ssyncset.done $0x0  }
0x1fc: {  	[sflag:s19] =	ssyncadd.s32 $0xFFFFF060  }
0x1fd: {  	_ =	swait.ge [sflag:s19], $0xFA0  }
0x1fe: {  	[sflag:s19] =	ssyncset.done $0x0  }
0x1ff: {  	[sflag:s19] =	ssyncadd.s32 $0xFFFFF060  }
0x200: {  	_ =	swait.ge [sflag:s19], $0xFA0  }
0x201: {  	[sflag:s19] =	ssyncset.done $0x0  }
0x202: {  	s22 =	simm.s32 $0x10980;
	[sflag:s19] =	ssyncadd.s32 $0xFFFFF060  }
0x203: {  	[tilespmem:s22], [sflag:$0x5] =	stream.indirect.gather [spmem:s3], $0x1, s0, s20, $0xb8;
	[tilespmem:$0x18980] =	vst v63  }
0x204: {  	s24 =	simm.s32 $0x11980  }
0x205: {  	[tilespmem:s24], [sflag:$0x5] =	stream.indirect.gather [spmem:s3], $0x1, s2, s20, $0xb8;
	[tilespmem:$0x18980] =	vst v63  }
0x206: {  	_ =	swait.ge [sflag:s26], $0xFA0  }
0x207: {  	[sflag:s26] =	ssyncset.done $0x0  }
0x208: {  	[sflag:s26] =	ssyncadd.s32 $0xFFFFF060  }
0x209: {  	_ =	swait.ge [sflag:s26], $0xFA0  }
0x20a: {  	[sflag:s26] =	ssyncset.done $0x0  }
0x20b: {  	s21 =	simm.s32 $0x0;
	[sflag:s26] =	ssyncadd.s32 $0xFFFFF060  }
0x20c: {  	v5 =	vld [tilespmem:s21+$0x12980]  }
0x20d: {  	v6 =	vld [tilespmem:s21+$0x13980];
	_ =	sdelay $0x4  }
0x20e: {  	v1 =	vunpack.i.l.bf16.f32 v5;
	v2 =	vunpack.i.l.bf16.f32 v6  }
0x20f: {  	v1 =	vsub.f32 v1, v2;
	_ =	sdelay $0x1  }
0x210: {  	v1 =	vand.u32 $0x7FFFFFFF, v1  }
0x211: {  	v2 =	vmul.f32 v1, v0;
	_ =	sdelay $0x1  }
0x212: {  	v2 =	vfloor.f32 v2  }
0x213: {  	v2 =	vmul.f32 $6.283185480e+00, v2;
	_ =	sdelay $0x1  }
0x214: {  	s12 =	simm.s32 $0x10;
	v1 =	vsub.f32 v1, v2  }
0x215: {  	v4 =	vld [tilespmem:s12+$0x12980]  }
0x216: {  	v3 =	vld [tilespmem:s12+$0x13980];
	v2 =	vand.u32 $0x7FFFFFFF, v1  }
0x217: {  	v2 =	vadd.f32 $-3.141592740e+00, v2  }
0x218: {  	vm14 =	veq.f32 v1, $6.283185480e+00  }
0x219: {  	v9 =	vsel vm14, $0xC0490FDB, v2  }
0x21a: {  	v10 =	vmul.f32 v9, v9  }
0x21b: {  	v1 =	vunpack.i.l.bf16.f32 v4;
	v2 =	vunpack.i.l.bf16.f32 v3  }
0x21c: {  	v1 =	vsub.f32 v1, v2;
	v2 =	vmul.f32 $-2.219392170e-07, v10;
	_ =	sdelay $0x1  }
0x21d: {  	v7 =	vand.u32 $0x7FFFFFFF, v1;
	v1 =	vmul.f32 $2.173236000e-06, v10;
	v2 =	vadd.f32 $2.425318600e-05, v2  }
0x21e: {  	v8 =	vmul.f32 v7, v0  }
0x21f: {  	v1 =	vadd.f32 $-1.931623120e-04, v1;
	v11 =	vmul.f32 v2, v10  }
0x220: {  	s17 =	simm.s32 $0x20;
	v8 =	vfloor.f32 v8  }
0x221: {  	v2 =	vld [tilespmem:s17+$0x12980];
	v8 =	vmul.f32 $6.283185480e+00, v8;
	v12 =	vmul.f32 v1, v10;
	v11 =	vadd.f32 $-1.386274700e-03, v11  }
0x222: {  	v1 =	vld [tilespmem:s17+$0x13980]  }
0x223: {  	v7 =	vsub.f32 v7, v8;
	v8 =	vadd.f32 $8.312385520e-03, v12;
	v11 =	vmul.f32 v11, v10  }
0x224: {  	v5 =	vunpack.i.u.bf16.f32 v5  }
0x225: {  	v12 =	vand.u32 $0x7FFFFFFF, v7;
	v8 =	vmul.f32 v8, v10;
	v11 =	vadd.f32 $4.166103150e-02, v11  }
0x226: {  	vm15 =	veq.f32 v7, $6.283185480e+00;
	v13 =	vunpack.i.l.bf16.f32 v2;
	v12 =	vadd.f32 $-3.141592740e+00, v12  }
0x227: {  	v14 =	vunpack.i.l.bf16.f32 v1;
	v15 =	vadd.f32 $-1.666325930e-01, v8;
	v11 =	vmul.f32 v11, v10  }
0x228: {  	v6 =	vunpack.i.u.bf16.f32 v6;
	v13 =	vsub.f32 v13, v14;
	v7 =	vsel vm15, $0xC0490FDB, v12  }
0x229: {  	v12 =	vld [tilespmem:s21+$0xF980];
	v8 =	vmul.f32 v7, v7;
	v14 =	vmul.f32 v15, v10;
	v11 =	vadd.f32 $-4.999955890e-01, v11  }
0x22a: {  	v20 =	vmul.f32 v6, v5;
	v13 =	vand.u32 $0x7FFFFFFF, v13  }
0x22b: {  	v15 =	vmul.f32 $-2.219392170e-07, v8;
	v14 =	vadd.f32 $9.999845620e-01, v14;
	v10 =	vmul.f32 v11, v10  }
0x22c: {  	v16 =	vmul.f32 $2.173236000e-06, v8;
	v11 =	vmul.f32 v13, v0  }
0x22d: {  	v15 =	vadd.f32 $2.425318600e-05, v15;
	v9 =	vmul.f32 v14, v9;
	v10 =	vadd.f32 $9.999994630e-01, v10  }
0x22e: {  	v14 =	vadd.f32 $-1.931623120e-04, v16;
	v17 =	vunpack.i.u.bf16.f32 v12;
	v11 =	vfloor.f32 v11  }
0x22f: {  	s22 =	simm.s32 $0x30;
	v15 =	vmul.f32 v15, v8;
	v18 =	vsub.f32 $0.0e+00, v9;
	v9 =	vsub.f32 $0.0e+00, v10  }
0x230: {  	v6 =	vld [tilespmem:s22+$0x12980];
	v12 =	vunpack.i.l.bf16.f32 v12;
	v14 =	vmul.f32 v14, v8;
	v10 =	vmul.f32 $6.283185480e+00, v11  }
0x231: {  	v5 =	vld [tilespmem:s22+$0x13980];
	v15 =	vadd.f32 $-1.386274700e-03, v15;
	v16 =	vmul.f32 v18, v12;
	v19 =	vmul.f32 v9, v17  }
0x232: {  	v14 =	vadd.f32 $8.312385520e-03, v14;
	v11 =	vsub.f32 v13, v10  }
0x233: {  	v10 =	vmul.f32 v9, v12;
	v15 =	vmul.f32 v15, v8;
	v16 =	vsub.f32 v16, v19  }
0x234: {  	s24 =	simm.s32 $0x100;
	v9 =	vand.u32 $0x7FFFFFFF, v20;
	v12 =	vmul.f32 v18, v17;
	v13 =	vand.u32 $0x7FFFFFFF, v11  }
.LBB2_9:
0x235: {  	p0 =	sne.s32 s24, $0x3E40;
	v14 =	vmul.f32 v14, v8;
	v15 =	vadd.f32 $4.166103150e-02, v15;
	v16 =	vmul.f32 v16, v9  }
0x236: {  	v17 =	vunpack.i.l.bf16.f32 v6;
	v13 =	vadd.f32 $-3.141592740e+00, v13;
	v18 =	vunpack.i.l.bf16.f32 v5  }
0x237: {  	vm0 =	veq.f32 v11, $6.283185480e+00;
	v11 =	vadd.f32 $-1.666325930e-01, v14;
	v14 =	vmul.f32 v15, v8;
	[tilespmem:s21+$0x17980] =	vst v16  }
0x238: {  	v10 =	vadd.f32 v10, v12;
	v15 =	vsub.f32 v17, v18;
	v13 =	vsel vm0, $0xC0490FDB, v13  }
0x239: {  	v12 =	vmul.f32 v13, v13;
	v16 =	vld [tilespmem:s12+$0xF980];
	v11 =	vmul.f32 v11, v8;
	v14 =	vadd.f32 $-4.999955890e-01, v14  }
0x23a: {  	v17 =	vunpack.i.u.bf16.f32 v4;
	v4 =	vmovc v2;
	v2 =	vmovc v6;
	v9 =	vmul.f32 v10, v9;
	v15 =	vand.u32 $0x7FFFFFFF, v15  }
0x23b: {  	v6 =	vmul.f32 $-2.219392170e-07, v12;
	v10 =	vadd.f32 $9.999845620e-01, v11;
	v11 =	vmul.f32 v14, v8;
	v8 =	vmovc v12  }
0x23c: {  	v18 =	vunpack.i.u.bf16.f32 v3;
	v3 =	vmovc v1;
	v1 =	vmovc v5;
	v12 =	vmul.f32 v15, v0;
	v14 =	vmul.f32 $2.173236000e-06, v8;
	[tilespmem:s21+$0x16980] =	vst v9;
	s21 =	smov.u32 s12;
	s12 =	smov.u32 s17;
	s17 =	smov.u32 s22  }
0x23d: {  	v5 =	vadd.f32 $2.425318600e-05, v6;
	v6 =	vmul.f32 v10, v7;
	v9 =	vadd.f32 $9.999994630e-01, v11;
	v7 =	vmovc v13  }
0x23e: {  	v10 =	vfloor.f32 v12;
	v11 =	vadd.f32 $-1.931623120e-04, v14;
	v12 =	vunpack.i.u.bf16.f32 v16  }
0x23f: {  	s22 =	sshra.s32 s24, $0x2;
	v13 =	vmul.f32 v5, v8;
	v19 =	vsub.f32 $0.0e+00, v6;
	v9 =	vsub.f32 $0.0e+00, v9  }
.Ltmp3:
0x240: {  	v10 =	vmul.f32 $6.283185480e+00, v10;
	v16 =	vunpack.i.l.bf16.f32 v16;
	v6 =	vld [tilespmem:s22+$0x12980];
	v14 =	vmul.f32 v11, v8;
	(pc) =	sbr.rel @p0 .LBB2_9-.Ltmp3, $4  }
0x241: {  	v13 =	vadd.f32 $-1.386274700e-03, v13;
	v5 =	vld [tilespmem:s22+$0x13980];
	v20 =	vmul.f32 v19, v16;
	v21 =	vmul.f32 v9, v12  }
0x242: {  	v17 =	vmul.f32 v18, v17;
	v11 =	vsub.f32 v15, v10;
	v10 =	vmul.f32 v9, v16  }
0x243: {  	v14 =	vadd.f32 $8.312385520e-03, v14;
	v15 =	vmul.f32 v13, v8;
	v16 =	vsub.f32 v20, v21  }
0x244: {  	s24 =	sadd.s32 $0x40, s24;
	v9 =	vand.u32 $0x7FFFFFFF, v17;
	v12 =	vmul.f32 v19, v12;
	v13 =	vand.u32 $0x7FFFFFFF, v11  }
0x245: {  	v14 =	vmul.f32 v14, v8;
	v15 =	vadd.f32 $4.166103150e-02, v15  }
0x246: {  	v16 =	vmul.f32 v16, v9;
	v17 =	vunpack.i.l.bf16.f32 v6;
	v13 =	vadd.f32 $-3.141592740e+00, v13  }
0x247: {  	vm0 =	veq.f32 v11, $6.283185480e+00;
	v4 =	vunpack.i.u.bf16.f32 v4;
	v18 =	vunpack.i.l.bf16.f32 v5  }
0x248: {  	v27 =	vadd.f32 $-1.666325930e-01, v14;
	v29 =	vsub.f32 v17, v18;
	v13 =	vsel vm0, $0xC0490FDB, v13  }
0x249: {  	v3 =	vunpack.i.u.bf16.f32 v3;
	v28 =	vmul.f32 v15, v8;
	[tilespmem:s21+$0x17980] =	vst v16;
	v30 =	vmul.f32 v13, v13  }
0x24a: {  	v10 =	vadd.f32 v10, v12;
	v16 =	vld [tilespmem:s12+$0xF980];
	v11 =	vmul.f32 v27, v8;
	v15 =	vand.u32 $0x7FFFFFFF, v29  }
0x24b: {  	v14 =	vadd.f32 $-4.999955890e-01, v28;
	v32 =	vmul.f32 $-2.219392170e-07, v30;
	v34 =	vmul.f32 v15, v0  }
0x24c: {  	v31 =	vmul.f32 v10, v9;
	v35 =	vmul.f32 $2.173236000e-06, v30;
	v11 =	vadd.f32 $9.999845620e-01, v11  }
0x24d: {  	v33 =	vmul.f32 v14, v8;
	v10 =	vadd.f32 $2.425318600e-05, v32;
	v36 =	vfloor.f32 v34  }
0x24e: {  	v37 =	vadd.f32 $-1.931623120e-04, v35;
	v7 =	vmul.f32 v11, v7;
	v11 =	vmul.f32 $6.283185480e+00, v36  }
0x24f: {  	v8 =	vadd.f32 $9.999994630e-01, v33;
	v38 =	vunpack.i.u.bf16.f32 v16;
	v10 =	vmul.f32 v10, v30  }
0x250: {  	v14 =	vmul.f32 v37, v30;
	v7 =	vsub.f32 $0.0e+00, v7;
	v11 =	vsub.f32 v15, v11  }
0x251: {  	v16 =	vunpack.i.l.bf16.f32 v16;
	v8 =	vsub.f32 $0.0e+00, v8;
	v10 =	vadd.f32 $-1.386274700e-03, v10  }
0x252: {  	v14 =	vadd.f32 $8.312385520e-03, v14;
	v39 =	vmul.f32 v7, v16;
	v42 =	vand.u32 $0x7FFFFFFF, v11  }
0x253: {  	v40 =	vmul.f32 v8, v38;
	v41 =	vmul.f32 v10, v30;
	v10 =	vadd.f32 $-3.141592740e+00, v42  }
0x254: {  	v3 =	vmul.f32 v3, v4;
	vm15 =	veq.f32 v11, $6.283185480e+00;
	v14 =	vmul.f32 v14, v30  }
0x255: {  	v15 =	vsub.f32 v39, v40;
	v4 =	vadd.f32 $4.166103150e-02, v41;
	v10 =	vsel vm15, $0xC0490FDB, v10  }
0x256: {  	v3 =	vand.u32 $0x7FFFFFFF, v3;
	v44 =	vmul.f32 v10, v10  }
0x257: {  	v14 =	vadd.f32 $-1.666325930e-01, v14;
	v43 =	vmul.f32 v15, v3;
	v4 =	vmul.f32 v4, v30  }
0x258: {  	[tilespmem:s21+$0x16980] =	vst v31;
	v46 =	vmul.f32 $-2.219392170e-07, v44  }
0x259: {  	v45 =	vmul.f32 v14, v30;
	[tilespmem:s12+$0x17980] =	vst v43;
	v4 =	vadd.f32 $-4.999955890e-01, v4  }
0x25a: {  	v2 =	vunpack.i.u.bf16.f32 v2;
	v48 =	vmul.f32 $2.173236000e-06, v44;
	v47 =	vld [tilespmem:s17+$0xF980];
	v11 =	vadd.f32 $2.425318600e-05, v46  }
0x25b: {  	v1 =	vunpack.i.u.bf16.f32 v1;
	v9 =	vadd.f32 $9.999845620e-01, v45;
	v4 =	vmul.f32 v4, v30  }
0x25c: {  	v1 =	vmul.f32 v1, v2;
	v49 =	vadd.f32 $-1.931623120e-04, v48;
	v11 =	vmul.f32 v11, v44  }
0x25d: {  	v8 =	vmul.f32 v8, v16;
	v9 =	vmul.f32 v9, v13;
	v4 =	vadd.f32 $9.999994630e-01, v4  }
0x25e: {  	v7 =	vmul.f32 v7, v38;
	v12 =	vmul.f32 v49, v44;
	v11 =	vadd.f32 $-1.386274700e-03, v11  }
0x25f: {  	v9 =	vsub.f32 $0.0e+00, v9;
	v50 =	vunpack.i.l.bf16.f32 v47;
	v4 =	vsub.f32 $0.0e+00, v4  }
0x260: {  	v14 =	vunpack.i.u.bf16.f32 v47;
	v12 =	vadd.f32 $8.312385520e-03, v12;
	v11 =	vmul.f32 v11, v44  }
0x261: {  	v51 =	vmul.f32 v9, v50;
	v52 =	vmul.f32 v4, v14  }
0x262: {  	v7 =	vadd.f32 v8, v7;
	v2 =	vmul.f32 v12, v44;
	v11 =	vadd.f32 $4.166103150e-02, v11  }
0x263: {  	v1 =	vand.u32 $0x7FFFFFFF, v1;
	v53 =	vsub.f32 v51, v52  }
0x264: {  	v3 =	vmul.f32 v7, v3;
	v2 =	vadd.f32 $-1.666325930e-01, v2;
	v55 =	vmul.f32 v11, v44  }
0x265: {  	v54 =	vmul.f32 v53, v1  }
0x266: {  	[tilespmem:s12+$0x16980] =	vst v3;
	v2 =	vmul.f32 v2, v44;
	v3 =	vadd.f32 $-4.999955890e-01, v55  }
0x267: {  	[tilespmem:s17+$0x17980] =	vst v54  }
0x268: {  	v2 =	vadd.f32 $9.999845620e-01, v2;
	v7 =	vld [tilespmem:s22+$0xF980];
	v3 =	vmul.f32 v3, v44  }
0x269: {  	v57 =	vunpack.i.u.bf16.f32 v6  }
0x26a: {  	v59 =	vunpack.i.u.bf16.f32 v5;
	v2 =	vmul.f32 v2, v10;
	v3 =	vadd.f32 $9.999994630e-01, v3  }
0x26b: {  	v5 =	vmul.f32 v59, v57  }
0x26c: {  	v56 =	vmul.f32 v9, v14;
	v2 =	vsub.f32 $0.0e+00, v2;
	v3 =	vsub.f32 $0.0e+00, v3  }
0x26d: {  	v4 =	vmul.f32 v4, v50;
	v58 =	vunpack.i.l.bf16.f32 v7;
	v7 =	vunpack.i.u.bf16.f32 v7  }
0x26e: {  	v60 =	vmul.f32 v2, v58;
	v61 =	vmul.f32 v3, v7  }
0x26f: {  	v4 =	vadd.f32 v4, v56;
	v3 =	vmul.f32 v3, v58;
	v2 =	vmul.f32 v2, v7  }
0x270: {  	v62 =	vsub.f32 v60, v61  }
0x271: {  	v63 =	vand.u32 $0x7FFFFFFF, v5;
	v1 =	vmul.f32 v4, v1;
	v2 =	vadd.f32 v3, v2  }
0x272: {  	v3 =	vmul.f32 v62, v63  }
0x273: {  	[tilespmem:s17+$0x16980] =	vst v1;
	v1 =	vmul.f32 v2, v63  }
0x274: {  	[tilespmem:s22+$0x17980] =	vst v3  }
0x275: {  	[tilespmem:s22+$0x16980] =	vst v1  }
0x276: {  	p0 =	seq.s32 s28, $0xB;
	_ =	swait.ge [sflag:s9], $0xFA0  }
.Ltmp4:
0x277: {  	[sflag:s9] =	ssyncset.done $0x0;
	(pc) =	sbr.rel @p0 .LBB2_12-.Ltmp4, $4  }
0x278: {  	[sflag:s9] =	ssyncadd.s32 $0xFFFFF060  }
0x279: {  	_ =	swait.ge [sflag:s9], $0xFA0  }
0x27a: {  	[sflag:s9] =	ssyncset.done $0x0  }
0x27b: {  	[sflag:s9] =	ssyncadd.s32 $0xFFFFF060  }
0x27c: {  	s12 =	rddreg [dreg:$0x1a]  }
0x27d: {  	s12 =	sadd.s32 s29, s12  }
0x27e: {  	s12 =	sshrl.u32 s12, $0x3  }
0x27f: {  	s17 =	sadd.s32 s1, s12  }
0x280: {  	[tilespmem:s16], [sflag:$0x3] =	stream.linear.gather [hbm4b:s17+s6], $0xFA0, $0x38;
	[tilespmem:$0x18980] =	vst v63  }
0x281: {  	s24 =	simm.s32 $0xB980;
	s17 =	sadd.s32 $0xC3500, s17  }
0x282: {  	[tilespmem:s24], [sflag:$0x3] =	stream.linear.gather [hbm4b:s17+s6], $0xFA0, $0x38;
	[tilespmem:$0x18980] =	vst v63  }
0x283: {  	s29 =	simm.s32 $0xC980;
	s12 =	sadd.s32 s7, s12  }
0x284: {  	[tilespmem:s29], [sflag:$0x3] =	stream.linear.gather [hbm4b:s12+s6], $0xFA0, $0x38;
	[tilespmem:$0x18980] =	vst v63  }
.Ltmp5:
0x285: {  	_ = 	snop;
	(pc) =	sbr.rel .LBB2_2-.Ltmp5, $4  }
0x286: {  	_ = 	snop  }
0x287: {  	[spmem:s4] =	stream.indirect.scatter.add.f32 [tilespmem:s15], [sflag:$0x6], $0x1, s14, s20, $0xb8;
	[tilespmem:$0x18980] =	vst v63  }
0x288: {  	s28 =	sadd.s32 $0x1, s28  }
0x289: {  	[spmem:s5] =	stream.indirect.scatter.add.f32 [tilespmem:s30], [sflag:$0x6], $0x1, s14, s20, $0xb8;
	[tilespmem:$0x18980] =	vst v63  }
.LBB2_12:
0x28a: {  	[spmem:s4] =	stream.indirect.scatter.add.f32 [tilespmem:s15], [sflag:$0x6], $0x1, s14, s20, $0xb8;
	[tilespmem:$0x18980] =	vst v63  }
0x28b: {  	_ = 	snop  }
0x28c: {  	[spmem:s5] =	stream.indirect.scatter.add.f32 [tilespmem:s30], [sflag:$0x6], $0x1, s14, s20, $0xb8;
	[tilespmem:$0x18980] =	vst v63  }
0x28d: {  	_ =	swait.ge [sflag:s23], $0xFA0  }
0x28e: {  	[sflag:s23] =	ssyncset.done $0x0  }
0x28f: {  	[sflag:s23] =	ssyncadd.s32 $0xFFFFF060  }
0x290: {  	_ =	swait.ge [sflag:s23], $0xFA0  }
0x291: {  	[sflag:s23] =	ssyncset.done $0x0  }
0x292: {  	[sflag:s23] =	ssyncadd.s32 $0xFFFFF060  }
0x293: {  	_ =	swait.ge [sflag:s23], $0xFA0  }
0x294: {  	[sflag:s23] =	ssyncset.done $0x0  }
0x295: {  	s12 =	simm.s32 $0x12980;
	[sflag:s23] =	ssyncadd.s32 $0xFFFFF060  }
0x296: {  	[tilespmem:s12], [sflag:$0x5] =	stream.indirect.gather [spmem:s3], $0x1, s11, s20, $0xb8;
	[tilespmem:$0x18980] =	vst v63  }
0x297: {  	_ = 	snop  }
0x298: {  	[tilespmem:s25], [sflag:$0x5] =	stream.indirect.gather [spmem:s3], $0x1, s13, s20, $0xb8;
	[tilespmem:$0x18980] =	vst v63  }
0x299: {  	_ =	swait.ge [sflag:s26], $0xFA0  }
0x29a: {  	[sflag:s26] =	ssyncset.done $0x0  }
0x29b: {  	[sflag:s26] =	ssyncadd.s32 $0xFFFFF060  }
0x29c: {  	_ =	swait.ge [sflag:s26], $0xFA0  }
0x29d: {  	[sflag:s26] =	ssyncset.done $0x0  }
0x29e: {  	s21 =	simm.s32 $0x0;
	[sflag:s26] =	ssyncadd.s32 $0xFFFFF060  }
0x29f: {  	v5 =	vld [tilespmem:s21+$0x10980]  }
0x2a0: {  	v6 =	vld [tilespmem:s21+$0x11980];
	_ =	sdelay $0x4  }
0x2a1: {  	v1 =	vunpack.i.l.bf16.f32 v5;
	v2 =	vunpack.i.l.bf16.f32 v6  }
0x2a2: {  	v1 =	vsub.f32 v1, v2;
	_ =	sdelay $0x1  }
0x2a3: {  	v1 =	vand.u32 $0x7FFFFFFF, v1  }
0x2a4: {  	v2 =	vmul.f32 v1, v0;
	_ =	sdelay $0x1  }
0x2a5: {  	v2 =	vfloor.f32 v2  }
0x2a6: {  	v2 =	vmul.f32 $6.283185480e+00, v2;
	_ =	sdelay $0x1  }
0x2a7: {  	s12 =	simm.s32 $0x10;
	v1 =	vsub.f32 v1, v2  }
0x2a8: {  	v4 =	vld [tilespmem:s12+$0x10980]  }
0x2a9: {  	v3 =	vld [tilespmem:s12+$0x11980];
	v2 =	vand.u32 $0x7FFFFFFF, v1  }
0x2aa: {  	v2 =	vadd.f32 $-3.141592740e+00, v2  }
0x2ab: {  	vm0 =	veq.f32 v1, $6.283185480e+00  }
0x2ac: {  	v9 =	vsel vm0, $0xC0490FDB, v2  }
0x2ad: {  	v10 =	vmul.f32 v9, v9  }
0x2ae: {  	v1 =	vunpack.i.l.bf16.f32 v4;
	v2 =	vunpack.i.l.bf16.f32 v3  }
0x2af: {  	v1 =	vsub.f32 v1, v2;
	v2 =	vmul.f32 $-2.219392170e-07, v10;
	_ =	sdelay $0x1  }
0x2b0: {  	v7 =	vand.u32 $0x7FFFFFFF, v1;
	v1 =	vmul.f32 $2.173236000e-06, v10;
	v2 =	vadd.f32 $2.425318600e-05, v2  }
0x2b1: {  	v8 =	vmul.f32 v7, v0  }
0x2b2: {  	v1 =	vadd.f32 $-1.931623120e-04, v1;
	v11 =	vmul.f32 v2, v10  }
0x2b3: {  	s17 =	simm.s32 $0x20;
	v8 =	vfloor.f32 v8  }
0x2b4: {  	v2 =	vld [tilespmem:s17+$0x10980];
	v8 =	vmul.f32 $6.283185480e+00, v8;
	v12 =	vmul.f32 v1, v10;
	v11 =	vadd.f32 $-1.386274700e-03, v11  }
0x2b5: {  	v1 =	vld [tilespmem:s17+$0x11980]  }
0x2b6: {  	v7 =	vsub.f32 v7, v8;
	v8 =	vadd.f32 $8.312385520e-03, v12;
	v11 =	vmul.f32 v11, v10  }
0x2b7: {  	v5 =	vunpack.i.u.bf16.f32 v5  }
0x2b8: {  	v12 =	vand.u32 $0x7FFFFFFF, v7;
	v8 =	vmul.f32 v8, v10;
	v11 =	vadd.f32 $4.166103150e-02, v11  }
0x2b9: {  	vm15 =	veq.f32 v7, $6.283185480e+00;
	v13 =	vunpack.i.l.bf16.f32 v2;
	v12 =	vadd.f32 $-3.141592740e+00, v12  }
0x2ba: {  	v14 =	vunpack.i.l.bf16.f32 v1;
	v15 =	vadd.f32 $-1.666325930e-01, v8;
	v11 =	vmul.f32 v11, v10  }
0x2bb: {  	v6 =	vunpack.i.u.bf16.f32 v6;
	v13 =	vsub.f32 v13, v14;
	v7 =	vsel vm15, $0xC0490FDB, v12  }
0x2bc: {  	v12 =	vld [tilespmem:s21+$0x6980];
	v8 =	vmul.f32 v7, v7;
	v14 =	vmul.f32 v15, v10;
	v11 =	vadd.f32 $-4.999955890e-01, v11  }
0x2bd: {  	v20 =	vmul.f32 v6, v5;
	v13 =	vand.u32 $0x7FFFFFFF, v13  }
0x2be: {  	v15 =	vmul.f32 $-2.219392170e-07, v8;
	v14 =	vadd.f32 $9.999845620e-01, v14;
	v10 =	vmul.f32 v11, v10  }
0x2bf: {  	v16 =	vmul.f32 $2.173236000e-06, v8;
	v11 =	vmul.f32 v13, v0  }
0x2c0: {  	v15 =	vadd.f32 $2.425318600e-05, v15;
	v9 =	vmul.f32 v14, v9;
	v10 =	vadd.f32 $9.999994630e-01, v10  }
0x2c1: {  	v14 =	vadd.f32 $-1.931623120e-04, v16;
	v17 =	vunpack.i.u.bf16.f32 v12;
	v11 =	vfloor.f32 v11  }
0x2c2: {  	s22 =	simm.s32 $0x30;
	v15 =	vmul.f32 v15, v8;
	v18 =	vsub.f32 $0.0e+00, v9;
	v9 =	vsub.f32 $0.0e+00, v10  }
0x2c3: {  	v6 =	vld [tilespmem:s22+$0x10980];
	v12 =	vunpack.i.l.bf16.f32 v12;
	v14 =	vmul.f32 v14, v8;
	v10 =	vmul.f32 $6.283185480e+00, v11  }
0x2c4: {  	v5 =	vld [tilespmem:s22+$0x11980];
	v15 =	vadd.f32 $-1.386274700e-03, v15;
	v16 =	vmul.f32 v18, v12;
	v19 =	vmul.f32 v9, v17  }
0x2c5: {  	v14 =	vadd.f32 $8.312385520e-03, v14;
	v11 =	vsub.f32 v13, v10  }
0x2c6: {  	v10 =	vmul.f32 v9, v12;
	v15 =	vmul.f32 v15, v8;
	v16 =	vsub.f32 v16, v19  }
0x2c7: {  	s24 =	simm.s32 $0x100;
	v9 =	vand.u32 $0x7FFFFFFF, v20;
	v12 =	vmul.f32 v18, v17;
	v13 =	vand.u32 $0x7FFFFFFF, v11  }
.LBB2_13:
0x2c8: {  	p0 =	sne.s32 s24, $0x3E40;
	v14 =	vmul.f32 v14, v8;
	v15 =	vadd.f32 $4.166103150e-02, v15;
	v16 =	vmul.f32 v16, v9  }
0x2c9: {  	v17 =	vunpack.i.l.bf16.f32 v6;
	v13 =	vadd.f32 $-3.141592740e+00, v13;
	v18 =	vunpack.i.l.bf16.f32 v5  }
0x2ca: {  	vm0 =	veq.f32 v11, $6.283185480e+00;
	v11 =	vadd.f32 $-1.666325930e-01, v14;
	v14 =	vmul.f32 v15, v8;
	[tilespmem:s21+$0x15980] =	vst v16  }
0x2cb: {  	v10 =	vadd.f32 v10, v12;
	v15 =	vsub.f32 v17, v18;
	v13 =	vsel vm0, $0xC0490FDB, v13  }
0x2cc: {  	v12 =	vmul.f32 v13, v13;
	v16 =	vld [tilespmem:s12+$0x6980];
	v11 =	vmul.f32 v11, v8;
	v14 =	vadd.f32 $-4.999955890e-01, v14  }
0x2cd: {  	v17 =	vunpack.i.u.bf16.f32 v4;
	v4 =	vmovc v2;
	v2 =	vmovc v6;
	v9 =	vmul.f32 v10, v9;
	v15 =	vand.u32 $0x7FFFFFFF, v15  }
0x2ce: {  	v6 =	vmul.f32 $-2.219392170e-07, v12;
	v10 =	vadd.f32 $9.999845620e-01, v11;
	v11 =	vmul.f32 v14, v8;
	v8 =	vmovc v12  }
0x2cf: {  	v18 =	vunpack.i.u.bf16.f32 v3;
	v3 =	vmovc v1;
	v1 =	vmovc v5;
	v12 =	vmul.f32 v15, v0;
	v14 =	vmul.f32 $2.173236000e-06, v8;
	[tilespmem:s21+$0x14980] =	vst v9;
	s21 =	smov.u32 s12;
	s12 =	smov.u32 s17;
	s17 =	smov.u32 s22  }
0x2d0: {  	v5 =	vadd.f32 $2.425318600e-05, v6;
	v6 =	vmul.f32 v10, v7;
	v9 =	vadd.f32 $9.999994630e-01, v11;
	v7 =	vmovc v13  }
0x2d1: {  	v10 =	vfloor.f32 v12;
	v11 =	vadd.f32 $-1.931623120e-04, v14;
	v12 =	vunpack.i.u.bf16.f32 v16  }
0x2d2: {  	s22 =	sshra.s32 s24, $0x2;
	v13 =	vmul.f32 v5, v8;
	v19 =	vsub.f32 $0.0e+00, v6;
	v9 =	vsub.f32 $0.0e+00, v9  }
.Ltmp6:
0x2d3: {  	v10 =	vmul.f32 $6.283185480e+00, v10;
	v16 =	vunpack.i.l.bf16.f32 v16;
	v6 =	vld [tilespmem:s22+$0x10980];
	v14 =	vmul.f32 v11, v8;
	(pc) =	sbr.rel @p0 .LBB2_13-.Ltmp6, $4  }
0x2d4: {  	v13 =	vadd.f32 $-1.386274700e-03, v13;
	v5 =	vld [tilespmem:s22+$0x11980];
	v20 =	vmul.f32 v19, v16;
	v21 =	vmul.f32 v9, v12  }
0x2d5: {  	v17 =	vmul.f32 v18, v17;
	v11 =	vsub.f32 v15, v10;
	v10 =	vmul.f32 v9, v16  }
0x2d6: {  	v14 =	vadd.f32 $8.312385520e-03, v14;
	v15 =	vmul.f32 v13, v8;
	v16 =	vsub.f32 v20, v21  }
0x2d7: {  	s24 =	sadd.s32 $0x40, s24;
	v9 =	vand.u32 $0x7FFFFFFF, v17;
	v12 =	vmul.f32 v19, v12;
	v13 =	vand.u32 $0x7FFFFFFF, v11  }
0x2d8: {  	v14 =	vmul.f32 v14, v8;
	v15 =	vadd.f32 $4.166103150e-02, v15;
	v16 =	vmul.f32 v16, v9  }
0x2d9: {  	v17 =	vunpack.i.l.bf16.f32 v6;
	v13 =	vadd.f32 $-3.141592740e+00, v13;
	vm0 =	veq.f32 v11, $6.283185480e+00  }
0x2da: {  	v18 =	vunpack.i.l.bf16.f32 v5;
	v10 =	vadd.f32 v10, v12;
	v11 =	vadd.f32 $-1.666325930e-01, v14  }
0x2db: {  	v14 =	vmul.f32 v15, v8;
	v15 =	vsub.f32 v17, v18;
	v13 =	vsel vm0, $0xC0490FDB, v13  }
0x2dc: {  	[tilespmem:s21+$0x15980] =	vst v16;
	v12 =	vmul.f32 v13, v13;
	v11 =	vmul.f32 v11, v8  }
0x2dd: {  	v16 =	vld [tilespmem:s12+$0x6980];
	v9 =	vmul.f32 v10, v9;
	v14 =	vadd.f32 $-4.999955890e-01, v14;
	v15 =	vand.u32 $0x7FFFFFFF, v15  }
0x2de: {  	v10 =	vmul.f32 $-2.219392170e-07, v12;
	v17 =	vmul.f32 $2.173236000e-06, v12;
	v11 =	vadd.f32 $9.999845620e-01, v11  }
0x2df: {  	v4 =	vunpack.i.u.bf16.f32 v4;
	v8 =	vmul.f32 v14, v8;
	v14 =	vmul.f32 v15, v0  }
0x2e0: {  	v3 =	vunpack.i.u.bf16.f32 v3;
	v10 =	vadd.f32 $2.425318600e-05, v10;
	v7 =	vmul.f32 v11, v7  }
0x2e1: {  	v8 =	vadd.f32 $9.999994630e-01, v8;
	v11 =	vfloor.f32 v14;
	v14 =	vadd.f32 $-1.931623120e-04, v17  }
0x2e2: {  	v17 =	vunpack.i.u.bf16.f32 v16;
	v10 =	vmul.f32 v10, v12;
	v11 =	vmul.f32 $6.283185480e+00, v11  }
0x2e3: {  	v7 =	vsub.f32 $0.0e+00, v7;
	v8 =	vsub.f32 $0.0e+00, v8;
	v14 =	vmul.f32 v14, v12  }
0x2e4: {  	v16 =	vunpack.i.l.bf16.f32 v16;
	v10 =	vadd.f32 $-1.386274700e-03, v10;
	v11 =	vsub.f32 v15, v11  }
0x2e5: {  	v15 =	vmul.f32 v7, v16;
	v18 =	vmul.f32 v8, v17;
	v14 =	vadd.f32 $8.312385520e-03, v14  }
0x2e6: {  	v3 =	vmul.f32 v3, v4;
	v4 =	vmul.f32 v10, v12;
	v10 =	vand.u32 $0x7FFFFFFF, v11  }
0x2e7: {  	v15 =	vsub.f32 v15, v18;
	v14 =	vmul.f32 v14, v12;
	v10 =	vadd.f32 $-3.141592740e+00, v10  }
0x2e8: {  	v3 =	vand.u32 $0x7FFFFFFF, v3;
	vm13 =	veq.f32 v11, $6.283185480e+00;
	v4 =	vadd.f32 $4.166103150e-02, v4  }
0x2e9: {  	v11 =	vmul.f32 v15, v3;
	v14 =	vadd.f32 $-1.666325930e-01, v14;
	v10 =	vsel vm13, $0xC0490FDB, v10  }
0x2ea: {  	v4 =	vmul.f32 v4, v12;
	v15 =	vmul.f32 v10, v10  }
0x2eb: {  	[tilespmem:s21+$0x14980] =	vst v9;
	v9 =	vmul.f32 v14, v12  }
0x2ec: {  	[tilespmem:s12+$0x15980] =	vst v11;
	v4 =	vadd.f32 $-4.999955890e-01, v4;
	v11 =	vmul.f32 $-2.219392170e-07, v15  }
0x2ed: {  	v14 =	vld [tilespmem:s17+$0x6980];
	v18 =	vmul.f32 $2.173236000e-06, v15;
	v9 =	vadd.f32 $9.999845620e-01, v9  }
0x2ee: {  	v4 =	vmul.f32 v4, v12;
	v11 =	vadd.f32 $2.425318600e-05, v11  }
0x2ef: {  	v2 =	vunpack.i.u.bf16.f32 v2;
	v12 =	vadd.f32 $-1.931623120e-04, v18;
	v9 =	vmul.f32 v9, v13  }
0x2f0: {  	v1 =	vunpack.i.u.bf16.f32 v1;
	v4 =	vadd.f32 $9.999994630e-01, v4;
	v11 =	vmul.f32 v11, v15  }
0x2f1: {  	v8 =	vmul.f32 v8, v16;
	v12 =	vmul.f32 v12, v15;
	v9 =	vsub.f32 $0.0e+00, v9  }
0x2f2: {  	v13 =	vunpack.i.l.bf16.f32 v14;
	v4 =	vsub.f32 $0.0e+00, v4;
	v11 =	vadd.f32 $-1.386274700e-03, v11  }
0x2f3: {  	v7 =	vmul.f32 v7, v17;
	v14 =	vunpack.i.u.bf16.f32 v14;
	v16 =	vmul.f32 v9, v13  }
0x2f4: {  	v12 =	vadd.f32 $8.312385520e-03, v12;
	v17 =	vmul.f32 v4, v14;
	v11 =	vmul.f32 v11, v15  }
0x2f5: {  	v1 =	vmul.f32 v1, v2;
	v7 =	vadd.f32 v8, v7  }
0x2f6: {  	v2 =	vmul.f32 v12, v15;
	v8 =	vsub.f32 v16, v17;
	v11 =	vadd.f32 $4.166103150e-02, v11  }
0x2f7: {  	v1 =	vand.u32 $0x7FFFFFFF, v1;
	v3 =	vmul.f32 v7, v3  }
0x2f8: {  	v2 =	vadd.f32 $-1.666325930e-01, v2;
	v7 =	vmul.f32 v8, v1;
	v8 =	vmul.f32 v11, v15;
	_ =	sdelay $0x1  }
0x2f9: {  	[tilespmem:s12+$0x14980] =	vst v3;
	v2 =	vmul.f32 v2, v15;
	v3 =	vadd.f32 $-4.999955890e-01, v8  }
0x2fa: {  	[tilespmem:s17+$0x15980] =	vst v7  }
0x2fb: {  	v2 =	vadd.f32 $9.999845620e-01, v2;
	v7 =	vld [tilespmem:s22+$0x6980];
	v3 =	vmul.f32 v3, v15  }
0x2fc: {  	v6 =	vunpack.i.u.bf16.f32 v6  }
0x2fd: {  	v5 =	vunpack.i.u.bf16.f32 v5;
	v2 =	vmul.f32 v2, v10;
	v3 =	vadd.f32 $9.999994630e-01, v3  }
0x2fe: {  	v5 =	vmul.f32 v5, v6  }
0x2ff: {  	v4 =	vmul.f32 v4, v13;
	v2 =	vsub.f32 $0.0e+00, v2;
	v3 =	vsub.f32 $0.0e+00, v3  }
0x300: {  	v8 =	vmul.f32 v9, v14;
	v9 =	vunpack.i.l.bf16.f32 v7;
	v7 =	vunpack.i.u.bf16.f32 v7  }
0x301: {  	v10 =	vmul.f32 v2, v9;
	v11 =	vmul.f32 v3, v7  }
0x302: {  	v4 =	vadd.f32 v4, v8;
	v2 =	vmul.f32 v2, v7;
	v3 =	vmul.f32 v3, v9  }
0x303: {  	v6 =	vsub.f32 v10, v11  }
0x304: {  	v1 =	vmul.f32 v4, v1;
	v4 =	vand.u32 $0x7FFFFFFF, v5;
	v2 =	vadd.f32 v3, v2  }
0x305: {  	v3 =	vmul.f32 v6, v4  }
0x306: {  	[tilespmem:s17+$0x14980] =	vst v1;
	v1 =	vmul.f32 v2, v4  }
0x307: {  	[tilespmem:s22+$0x15980] =	vst v3  }
0x308: {  	[tilespmem:s22+$0x14980] =	vst v1  }
0x309: {  	_ =	swait.ge [sflag:s9], $0xFA0  }
0x30a: {  	[sflag:s9] =	ssyncset.done $0x0  }
0x30b: {  	[sflag:s9] =	ssyncadd.s32 $0xFFFFF060  }
0x30c: {  	_ =	swait.ge [sflag:s9], $0xFA0  }
0x30d: {  	[sflag:s9] =	ssyncset.done $0x0  }
0x30e: {  	[sflag:s9] =	ssyncadd.s32 $0xFFFFF060  }
0x30f: {  	[spmem:s4] =	stream.indirect.scatter.add.f32 [tilespmem:s31], [sflag:$0x6], $0x1, s0, s20, $0xb8;
	[tilespmem:$0x18980] =	vst v63  }
0x310: {  	_ = 	snop  }
0x311: {  	[spmem:s5] =	stream.indirect.scatter.add.f32 [tilespmem:s18], [sflag:$0x6], $0x1, s0, s20, $0xb8;
	[tilespmem:$0x18980] =	vst v63  }
0x312: {  	_ =	swait.ge [sflag:s26], $0xFA0  }
0x313: {  	[sflag:s26] =	ssyncset.done $0x0  }
0x314: {  	[sflag:s26] =	ssyncadd.s32 $0xFFFFF060  }
0x315: {  	_ =	swait.ge [sflag:s26], $0xFA0  }
0x316: {  	[sflag:s26] =	ssyncset.done $0x0  }
0x317: {  	s21 =	simm.s32 $0x0;
	[sflag:s26] =	ssyncadd.s32 $0xFFFFF060  }
0x318: {  	v5 =	vld [tilespmem:s21+$0x12980]  }
0x319: {  	v6 =	vld [tilespmem:s21+$0x13980];
	_ =	sdelay $0x4  }
0x31a: {  	v1 =	vunpack.i.l.bf16.f32 v5;
	v2 =	vunpack.i.l.bf16.f32 v6  }
0x31b: {  	v1 =	vsub.f32 v1, v2;
	_ =	sdelay $0x1  }
0x31c: {  	v1 =	vand.u32 $0x7FFFFFFF, v1  }
0x31d: {  	v2 =	vmul.f32 v1, v0;
	_ =	sdelay $0x1  }
0x31e: {  	v2 =	vfloor.f32 v2  }
0x31f: {  	v2 =	vmul.f32 $6.283185480e+00, v2;
	_ =	sdelay $0x1  }
0x320: {  	s12 =	simm.s32 $0x10;
	v1 =	vsub.f32 v1, v2  }
0x321: {  	v4 =	vld [tilespmem:s12+$0x12980]  }
0x322: {  	v3 =	vld [tilespmem:s12+$0x13980];
	v2 =	vand.u32 $0x7FFFFFFF, v1  }
0x323: {  	v2 =	vadd.f32 $-3.141592740e+00, v2  }
0x324: {  	vm14 =	veq.f32 v1, $6.283185480e+00  }
0x325: {  	v9 =	vsel vm14, $0xC0490FDB, v2  }
0x326: {  	v10 =	vmul.f32 v9, v9  }
0x327: {  	v1 =	vunpack.i.l.bf16.f32 v4;
	v2 =	vunpack.i.l.bf16.f32 v3  }
0x328: {  	v1 =	vsub.f32 v1, v2;
	v2 =	vmul.f32 $-2.219392170e-07, v10;
	_ =	sdelay $0x1  }
0x329: {  	v7 =	vand.u32 $0x7FFFFFFF, v1;
	v1 =	vmul.f32 $2.173236000e-06, v10;
	v2 =	vadd.f32 $2.425318600e-05, v2  }
0x32a: {  	v8 =	vmul.f32 v7, v0  }
0x32b: {  	v1 =	vadd.f32 $-1.931623120e-04, v1;
	v11 =	vmul.f32 v2, v10  }
0x32c: {  	s17 =	simm.s32 $0x20;
	v8 =	vfloor.f32 v8  }
0x32d: {  	v2 =	vld [tilespmem:s17+$0x12980];
	v8 =	vmul.f32 $6.283185480e+00, v8;
	v12 =	vmul.f32 v1, v10;
	v11 =	vadd.f32 $-1.386274700e-03, v11  }
0x32e: {  	v1 =	vld [tilespmem:s17+$0x13980]  }
0x32f: {  	v7 =	vsub.f32 v7, v8;
	v8 =	vadd.f32 $8.312385520e-03, v12;
	v11 =	vmul.f32 v11, v10  }
0x330: {  	v5 =	vunpack.i.u.bf16.f32 v5  }
0x331: {  	v12 =	vand.u32 $0x7FFFFFFF, v7;
	v8 =	vmul.f32 v8, v10;
	v11 =	vadd.f32 $4.166103150e-02, v11  }
0x332: {  	vm15 =	veq.f32 v7, $6.283185480e+00;
	v13 =	vunpack.i.l.bf16.f32 v2;
	v12 =	vadd.f32 $-3.141592740e+00, v12  }
0x333: {  	v14 =	vunpack.i.l.bf16.f32 v1;
	v15 =	vadd.f32 $-1.666325930e-01, v8;
	v11 =	vmul.f32 v11, v10  }
0x334: {  	v6 =	vunpack.i.u.bf16.f32 v6;
	v13 =	vsub.f32 v13, v14;
	v7 =	vsel vm15, $0xC0490FDB, v12  }
0x335: {  	v12 =	vld [tilespmem:s21+$0x9980];
	v8 =	vmul.f32 v7, v7;
	v14 =	vmul.f32 v15, v10;
	v11 =	vadd.f32 $-4.999955890e-01, v11  }
0x336: {  	v20 =	vmul.f32 v6, v5;
	v13 =	vand.u32 $0x7FFFFFFF, v13  }
0x337: {  	v15 =	vmul.f32 $-2.219392170e-07, v8;
	v14 =	vadd.f32 $9.999845620e-01, v14;
	v10 =	vmul.f32 v11, v10  }
0x338: {  	v16 =	vmul.f32 $2.173236000e-06, v8;
	v11 =	vmul.f32 v13, v0  }
0x339: {  	v15 =	vadd.f32 $2.425318600e-05, v15;
	v9 =	vmul.f32 v14, v9;
	v10 =	vadd.f32 $9.999994630e-01, v10  }
0x33a: {  	v14 =	vadd.f32 $-1.931623120e-04, v16;
	v17 =	vunpack.i.u.bf16.f32 v12;
	v11 =	vfloor.f32 v11  }
0x33b: {  	s22 =	simm.s32 $0x30;
	v15 =	vmul.f32 v15, v8;
	v18 =	vsub.f32 $0.0e+00, v9;
	v9 =	vsub.f32 $0.0e+00, v10  }
0x33c: {  	v6 =	vld [tilespmem:s22+$0x12980];
	v12 =	vunpack.i.l.bf16.f32 v12;
	v14 =	vmul.f32 v14, v8;
	v10 =	vmul.f32 $6.283185480e+00, v11  }
0x33d: {  	v5 =	vld [tilespmem:s22+$0x13980];
	v15 =	vadd.f32 $-1.386274700e-03, v15;
	v16 =	vmul.f32 v18, v12;
	v19 =	vmul.f32 v9, v17  }
0x33e: {  	v14 =	vadd.f32 $8.312385520e-03, v14;
	v11 =	vsub.f32 v13, v10  }
0x33f: {  	v10 =	vmul.f32 v9, v12;
	v15 =	vmul.f32 v15, v8;
	v16 =	vsub.f32 v16, v19  }
0x340: {  	s24 =	simm.s32 $0x100;
	v9 =	vand.u32 $0x7FFFFFFF, v20;
	v12 =	vmul.f32 v18, v17;
	v13 =	vand.u32 $0x7FFFFFFF, v11  }
.LBB2_15:
0x341: {  	p0 =	sne.s32 s24, $0x3E40;
	v14 =	vmul.f32 v14, v8;
	v15 =	vadd.f32 $4.166103150e-02, v15;
	v16 =	vmul.f32 v16, v9  }
0x342: {  	v17 =	vunpack.i.l.bf16.f32 v6;
	v13 =	vadd.f32 $-3.141592740e+00, v13;
	v18 =	vunpack.i.l.bf16.f32 v5  }
0x343: {  	vm0 =	veq.f32 v11, $6.283185480e+00;
	v11 =	vadd.f32 $-1.666325930e-01, v14;
	v14 =	vmul.f32 v15, v8;
	[tilespmem:s21+$0x17980] =	vst v16  }
0x344: {  	v10 =	vadd.f32 v10, v12;
	v15 =	vsub.f32 v17, v18;
	v13 =	vsel vm0, $0xC0490FDB, v13  }
0x345: {  	v12 =	vmul.f32 v13, v13;
	v16 =	vld [tilespmem:s12+$0x9980];
	v11 =	vmul.f32 v11, v8;
	v14 =	vadd.f32 $-4.999955890e-01, v14  }
0x346: {  	v17 =	vunpack.i.u.bf16.f32 v4;
	v4 =	vmovc v2;
	v2 =	vmovc v6;
	v9 =	vmul.f32 v10, v9;
	v15 =	vand.u32 $0x7FFFFFFF, v15  }
0x347: {  	v6 =	vmul.f32 $-2.219392170e-07, v12;
	v10 =	vadd.f32 $9.999845620e-01, v11;
	v11 =	vmul.f32 v14, v8;
	v8 =	vmovc v12  }
0x348: {  	v18 =	vunpack.i.u.bf16.f32 v3;
	v3 =	vmovc v1;
	v1 =	vmovc v5;
	v12 =	vmul.f32 v15, v0;
	v14 =	vmul.f32 $2.173236000e-06, v8;
	[tilespmem:s21+$0x16980] =	vst v9;
	s21 =	smov.u32 s12;
	s12 =	smov.u32 s17;
	s17 =	smov.u32 s22  }
0x349: {  	v5 =	vadd.f32 $2.425318600e-05, v6;
	v6 =	vmul.f32 v10, v7;
	v9 =	vadd.f32 $9.999994630e-01, v11;
	v7 =	vmovc v13  }
0x34a: {  	v10 =	vfloor.f32 v12;
	v11 =	vadd.f32 $-1.931623120e-04, v14;
	v12 =	vunpack.i.u.bf16.f32 v16  }
0x34b: {  	s22 =	sshra.s32 s24, $0x2;
	v13 =	vmul.f32 v5, v8;
	v19 =	vsub.f32 $0.0e+00, v6;
	v9 =	vsub.f32 $0.0e+00, v9  }
.Ltmp7:
0x34c: {  	v10 =	vmul.f32 $6.283185480e+00, v10;
	v16 =	vunpack.i.l.bf16.f32 v16;
	v6 =	vld [tilespmem:s22+$0x12980];
	v14 =	vmul.f32 v11, v8;
	(pc) =	sbr.rel @p0 .LBB2_15-.Ltmp7, $4  }
0x34d: {  	v13 =	vadd.f32 $-1.386274700e-03, v13;
	v5 =	vld [tilespmem:s22+$0x13980];
	v20 =	vmul.f32 v19, v16;
	v21 =	vmul.f32 v9, v12  }
0x34e: {  	v17 =	vmul.f32 v18, v17;
	v11 =	vsub.f32 v15, v10;
	v10 =	vmul.f32 v9, v16  }
0x34f: {  	v14 =	vadd.f32 $8.312385520e-03, v14;
	v15 =	vmul.f32 v13, v8;
	v16 =	vsub.f32 v20, v21  }
0x350: {  	s24 =	sadd.s32 $0x40, s24;
	v9 =	vand.u32 $0x7FFFFFFF, v17;
	v12 =	vmul.f32 v19, v12;
	v13 =	vand.u32 $0x7FFFFFFF, v11  }
0x351: {  	v14 =	vmul.f32 v14, v8;
	v15 =	vadd.f32 $4.166103150e-02, v15  }
0x352: {  	v16 =	vmul.f32 v16, v9;
	v17 =	vunpack.i.l.bf16.f32 v6;
	v13 =	vadd.f32 $-3.141592740e+00, v13  }
0x353: {  	vm0 =	veq.f32 v11, $6.283185480e+00;
	v4 =	vunpack.i.u.bf16.f32 v4;
	v18 =	vunpack.i.l.bf16.f32 v5  }
0x354: {  	v27 =	vadd.f32 $-1.666325930e-01, v14;
	v29 =	vsub.f32 v17, v18;
	v13 =	vsel vm0, $0xC0490FDB, v13  }
0x355: {  	v3 =	vunpack.i.u.bf16.f32 v3;
	v28 =	vmul.f32 v15, v8;
	[tilespmem:s21+$0x17980] =	vst v16;
	v30 =	vmul.f32 v13, v13  }
0x356: {  	v10 =	vadd.f32 v10, v12;
	v16 =	vld [tilespmem:s12+$0x9980];
	v11 =	vmul.f32 v27, v8;
	v15 =	vand.u32 $0x7FFFFFFF, v29  }
0x357: {  	v14 =	vadd.f32 $-4.999955890e-01, v28;
	v32 =	vmul.f32 $-2.219392170e-07, v30;
	v34 =	vmul.f32 v15, v0  }
0x358: {  	v31 =	vmul.f32 v10, v9;
	v35 =	vmul.f32 $2.173236000e-06, v30;
	v11 =	vadd.f32 $9.999845620e-01, v11  }
0x359: {  	v33 =	vmul.f32 v14, v8;
	v10 =	vadd.f32 $2.425318600e-05, v32;
	v36 =	vfloor.f32 v34  }
0x35a: {  	v37 =	vadd.f32 $-1.931623120e-04, v35;
	v7 =	vmul.f32 v11, v7;
	v11 =	vmul.f32 $6.283185480e+00, v36  }
0x35b: {  	v8 =	vadd.f32 $9.999994630e-01, v33;
	v38 =	vunpack.i.u.bf16.f32 v16;
	v10 =	vmul.f32 v10, v30  }
0x35c: {  	v14 =	vmul.f32 v37, v30;
	v7 =	vsub.f32 $0.0e+00, v7;
	v11 =	vsub.f32 v15, v11  }
0x35d: {  	v16 =	vunpack.i.l.bf16.f32 v16;
	v8 =	vsub.f32 $0.0e+00, v8;
	v10 =	vadd.f32 $-1.386274700e-03, v10  }
0x35e: {  	v14 =	vadd.f32 $8.312385520e-03, v14;
	v39 =	vmul.f32 v7, v16;
	v42 =	vand.u32 $0x7FFFFFFF, v11  }
0x35f: {  	v40 =	vmul.f32 v8, v38;
	v41 =	vmul.f32 v10, v30;
	v10 =	vadd.f32 $-3.141592740e+00, v42  }
0x360: {  	v3 =	vmul.f32 v3, v4;
	vm15 =	veq.f32 v11, $6.283185480e+00;
	v14 =	vmul.f32 v14, v30  }
0x361: {  	v15 =	vsub.f32 v39, v40;
	v4 =	vadd.f32 $4.166103150e-02, v41;
	v10 =	vsel vm15, $0xC0490FDB, v10  }
0x362: {  	v3 =	vand.u32 $0x7FFFFFFF, v3;
	v44 =	vmul.f32 v10, v10  }
0x363: {  	v14 =	vadd.f32 $-1.666325930e-01, v14;
	v43 =	vmul.f32 v15, v3;
	v4 =	vmul.f32 v4, v30  }
0x364: {  	[tilespmem:s21+$0x16980] =	vst v31;
	v46 =	vmul.f32 $-2.219392170e-07, v44  }
0x365: {  	v45 =	vmul.f32 v14, v30;
	[tilespmem:s12+$0x17980] =	vst v43;
	v4 =	vadd.f32 $-4.999955890e-01, v4  }
0x366: {  	v2 =	vunpack.i.u.bf16.f32 v2;
	v48 =	vmul.f32 $2.173236000e-06, v44;
	v47 =	vld [tilespmem:s17+$0x9980];
	v11 =	vadd.f32 $2.425318600e-05, v46  }
0x367: {  	v1 =	vunpack.i.u.bf16.f32 v1;
	v9 =	vadd.f32 $9.999845620e-01, v45;
	v4 =	vmul.f32 v4, v30  }
0x368: {  	v1 =	vmul.f32 v1, v2;
	v49 =	vadd.f32 $-1.931623120e-04, v48;
	v11 =	vmul.f32 v11, v44  }
0x369: {  	v8 =	vmul.f32 v8, v16;
	v9 =	vmul.f32 v9, v13;
	v4 =	vadd.f32 $9.999994630e-01, v4  }
0x36a: {  	v7 =	vmul.f32 v7, v38;
	v12 =	vmul.f32 v49, v44;
	v11 =	vadd.f32 $-1.386274700e-03, v11  }
0x36b: {  	v9 =	vsub.f32 $0.0e+00, v9;
	v50 =	vunpack.i.l.bf16.f32 v47;
	v4 =	vsub.f32 $0.0e+00, v4  }
0x36c: {  	v14 =	vunpack.i.u.bf16.f32 v47;
	v12 =	vadd.f32 $8.312385520e-03, v12;
	v11 =	vmul.f32 v11, v44  }
0x36d: {  	v51 =	vmul.f32 v9, v50;
	v52 =	vmul.f32 v4, v14  }
0x36e: {  	v7 =	vadd.f32 v8, v7;
	v2 =	vmul.f32 v12, v44;
	v11 =	vadd.f32 $4.166103150e-02, v11  }
0x36f: {  	v1 =	vand.u32 $0x7FFFFFFF, v1;
	v53 =	vsub.f32 v51, v52  }
0x370: {  	v3 =	vmul.f32 v7, v3;
	v2 =	vadd.f32 $-1.666325930e-01, v2;
	v55 =	vmul.f32 v11, v44  }
0x371: {  	v54 =	vmul.f32 v53, v1  }
0x372: {  	[tilespmem:s12+$0x16980] =	vst v3;
	v2 =	vmul.f32 v2, v44;
	v3 =	vadd.f32 $-4.999955890e-01, v55  }
0x373: {  	[tilespmem:s17+$0x17980] =	vst v54  }
0x374: {  	v2 =	vadd.f32 $9.999845620e-01, v2;
	v7 =	vld [tilespmem:s22+$0x9980];
	v3 =	vmul.f32 v3, v44  }
0x375: {  	v57 =	vunpack.i.u.bf16.f32 v6  }
0x376: {  	v59 =	vunpack.i.u.bf16.f32 v5;
	v2 =	vmul.f32 v2, v10;
	v3 =	vadd.f32 $9.999994630e-01, v3  }
0x377: {  	v5 =	vmul.f32 v59, v57  }
0x378: {  	v56 =	vmul.f32 v9, v14;
	v2 =	vsub.f32 $0.0e+00, v2;
	v3 =	vsub.f32 $0.0e+00, v3  }
0x379: {  	v4 =	vmul.f32 v4, v50;
	v58 =	vunpack.i.l.bf16.f32 v7;
	v7 =	vunpack.i.u.bf16.f32 v7  }
0x37a: {  	v60 =	vmul.f32 v2, v58;
	v61 =	vmul.f32 v3, v7  }
0x37b: {  	v4 =	vadd.f32 v4, v56;
	v3 =	vmul.f32 v3, v58;
	v2 =	vmul.f32 v2, v7  }
0x37c: {  	v62 =	vsub.f32 v60, v61  }
0x37d: {  	v63 =	vand.u32 $0x7FFFFFFF, v5;
	v1 =	vmul.f32 v4, v1;
	v2 =	vadd.f32 v3, v2  }
0x37e: {  	v3 =	vmul.f32 v62, v63  }
0x37f: {  	[tilespmem:s17+$0x16980] =	vst v1;
	v1 =	vmul.f32 v2, v63  }
0x380: {  	[tilespmem:s22+$0x17980] =	vst v3  }
0x381: {  	[tilespmem:s22+$0x16980] =	vst v1  }
0x382: {  	_ =	swait.ge [sflag:s9], $0xFA0  }
0x383: {  	[sflag:s9] =	ssyncset.done $0x0  }
0x384: {  	[sflag:s9] =	ssyncadd.s32 $0xFFFFF060  }
0x385: {  	_ =	swait.ge [sflag:s9], $0xFA0  }
0x386: {  	[sflag:s9] =	ssyncset.done $0x0  }
0x387: {  	[sflag:s9] =	ssyncadd.s32 $0xFFFFF060  }
0x388: {  	[spmem:s4] =	stream.indirect.scatter.add.f32 [tilespmem:s15], [sflag:$0x6], $0x1, s11, s20, $0xb8;
	[tilespmem:$0x18980] =	vst v63  }
0x389: {  	_ = 	snop  }
0x38a: {  	[spmem:s5] =	stream.indirect.scatter.add.f32 [tilespmem:s30], [sflag:$0x6], $0x1, s11, s20, $0xb8;
	[tilespmem:$0x18980] =	vst v63  }
0x38b: {  	_ =	swait.ge [sflag:s9], $0xFA0  }
0x38c: {  	[sflag:s9] =	ssyncset.done $0x0  }
0x38d: {  	[sflag:s9] =	ssyncadd.s32 $0xFFFFF060  }
0x38e: {  	_ =	swait.ge [sflag:s9], $0xFA0  }
0x38f: {  	[sflag:s9] =	ssyncset.done $0x0  }
0x390: {  	[sflag:s9] =	ssyncadd.s32 $0xFFFFF060  }
0x391: {  	[bflag:$0x0] =	sbarrier.arrive $0xFFFF  }
0x392: {  	s17 =	rddreg [dreg:$0x7]  }
0x393: {  	s28 =	rddreg [dreg:$0x13]  }
0x394: {  	s22 =	simm.s32 $0x7;
	s29 =	rddreg [dreg:$0x1c]  }
0x395: {  	[hbm:s28], [sflag:s17] =	dma.local [spmem:s29], $0x310  }
0x396: {  	_ =	swait.ge [sflag:s22], $0x310  }
0x397: {  	[sflag:s22] =	ssyncset.done $0x0;
	s21 =	rddreg [dreg:$0x14]  }
0x398: {  	s24 =	rddreg [dreg:$0x1d];
	[sflag:s22] =	ssyncadd.s32 $0xFFFFFCF0  }
0x399: {  	[hbm:s21], [sflag:s17] =	dma.local [spmem:s24], $0x310  }
0x39a: {  	_ =	swait.ge [sflag:s22], $0x310  }
0x39b: {  	s28 =	rddreg [dreg:$0x1b]  }
0x39c: {  	s29 =	rddreg [dreg:$0x15];
	s21 =	sadd.s32 $0x1, s28  }
0x39d: {  	p0 =	sne.s32 s21, s29  }
.Ltmp8:
0x39e: {  	_ = 	snop;
	(pc) =	sbr.rel @p0 .LBB2_1-.Ltmp8, $3  }
0x39f: {  	_ =	sdelay $0x1  }
0x3a0: {  	[sflag:s22] =	ssyncset.done $0x0  }
0x3a1: {  	s24 =	simm.s32 $0xB980;
	[sflag:s22] =	ssyncadd.s32 $0xFFFFFCF0  }
0x3a2: {  	_ =	sfence.sel $0x180000  }
0x3a3: {  	[bflag:$0x0] =	sbarrier.arrive $0xFFFF  }
0x3a4: {  	_ =	strace $0x9000004A  }
0x3a5: {  	s0 =	stileid.u32;
	[bflag:$0x2] =	sbarrier.arrive $0xFFFF  }
0x3a6: {  	p0 =	sne.s32 s0, $0x0;
	s0 =	rddreg [dreg:$0x4]  }
0x3a7: {  	s0 =	sadd.s32 @!p0 $0x100000, s0  }
0x3a8: {  	[sflag:s0] =	ssyncadd.tile.s32 @!p0 $0x1;
	_ =	shalt  }
.Lfunc_end2:
_tile_overlayer_lowered:
.L_overlay_start_2:
0x3a9: {  	(tag) =	ssettag $0x2  }
0x3aa: {  	s0 =	rddreg [dreg:$0x0];
	s2 =	stileid.u32  }
0x3ab: {  	s1 =	rddreg [dreg:$0x1];
	p0 =	sne.s32 s2, $0x0  }
0x3ac: {  	s3 =	rddreg [dreg:$0x2];
	[bflag:$0x3] =	sbarrier.arrive $0xFFFF;
	s2 =	simm.s32 @!p0 $0x1C07  }
0x3ad: {  	[timem:s3], [sflag:s2] =	dma.local @!p0 [hbm:s0], s1  }
0x3ae: {  	s0 =	simm.s32 @!p0 $0x7  }
0x3af: {  	_ =	swait.ge @!p0 [sflag:s0], s1  }
0x3b0: {  	s1 =	ssub.s32 @!p0 $0x0, s1;
	[sflag:s0] =	ssyncset.done @!p0 $0x0  }
0x3b1: {  	[sflag:s0] =	ssyncadd.s32 @!p0 s1  }
0x3b2: {  	[bflag:$0x3] =	sbarrier.arrive $0xFFFF  }
0x3b3: {  	_ =	shalt  }

// kernel: sparse-core-data-format-call.cloned.1.call-start
scs
called_computation_lowered:
.L_overlay_start_0:
0x0: {  	s2 =	sld [smem:$0x3FD9]  }
0x1: {  	s3 =	sld [smem:$0x3FFE];
	_ =	sdelay $0x1  }
0x2: {  	s1 =	srdreg.scid  }
0x3: {  	s0 =	sand.u32 $0x1, s1  }
0x4: {  	s18 =	sshll.u32 s0, $0xA;
	s2 =	sadd.s32 s3, s2  }
0x5: {  	s2 =	sadd.s32 s2, s18  }
0x6: {  	[smem:$0x3FC5] =	sst s2  }
0x7: {  	_ = 	snop  }
0x8: {  	s2 =	sld [smem:$0x3FC8];
	(tm) =	ssettm $0x1  }
0x9: {  	s19 =	sld [smem:$0x3FFB];
	_ =	sdelay $0x3  }
0xa: {  	_ =	strace s19  }
0xb: {  	s3 =	sld [smem:$0x3FFC];
	_ =	sdelay $0x3  }
0xc: {  	_ =	strace s3  }
0xd: {  	s3 =	sld [smem:$0x3FFD];
	_ =	sdelay $0x3  }
0xe: {  	_ =	strace s3  }
0xf: {  	_ =	strace $0x8FFFFFFF  }
0x10: {  	s20 =	sld [smem:$0x3FDB];
	_ =	sdelay $0x1  }
0x11: {  	s4 =	simm.s32 $_scs_section_size  }
0x12: {  	s5 =	simm.s32 $_size__tile_overlayer_lowered;
	s6 =	simm.s32 $_tile_overlayer_lowered  }
0x13: {  	s23 =	simm.s32 $0x1BFF;
	s22 =	sshll.u32 s6, $0x1;
	s3 =	sadd.s32 s4, s20  }
0x14: {  	s7 =	simm.s32 $0x0;
	s21 =	sshll.u32 s5, $0x1;
	s5 =	sadd.s32 s22, s3  }
0x15: {  	[timem:s7], [sflag:s23] =	dma.local [hbm:s5], s21  }
0x16: {  	_ =	swait.ge [sflag:s23], s21  }
0x17: {  	s4 =	ssub.s32 $0x0, s21;
	[sflag:s23] =	ssyncset.done $0x0  }
0x18: {  	[sflag:s23] =	ssyncadd.s32 s4;
	_ =	sdelay $0x1  }
0x19: {  	s24 =	simm.s32 $0x1B8B  }
0x1a: {  	_ =	swait.ge [sflag:s24], $0x1  }
0x1b: {  	[sflag:s24] =	ssyncset.done $0x0  }
0x1c: {  	s26 =	simm.s32 $0x1B8E;
	s25 =	sld [smem:$0x3FFE];
	[sflag:s24] =	ssyncadd.s32 $0xFFFFFFFF  }
0x1d: {  	s27 =	simm.s32 $execute0_lowered;
	[smem:$0x3FD2] =	sst s26  }
0x1e: {  	s5 =	sshll.u32 s27, $0x1;
	_ =	strace $0x80000046;
	[dreg:$0x1] =	wrdreg $0xFFFFFFFF  }
0x1f: {  	s28 =	simm.s32 $_size_execute0_lowered;
	s3 =	sadd.s32 s3, s5;
	[dreg:$0x0] =	wrdreg $0x0  }
0x20: {  	s5 =	sshll.u32 s28, $0x1;
	[dreg:$0x2] =	wrdreg s3  }
0x21: {  	[dreg:$0x3] =	wrdreg s5  }
0x22: {  	[dreg:$0x4] =	wrdreg $0xC0  }
0x23: {  	_ =	task [dreg:s7], $0x5FFFF  }
0x24: {  	[dreg:$0x1] =	wrdreg $0xFFFFFFFF  }
0x25: {  	[dreg:$0x0] =	wrdreg $0x60  }
0x26: {  	[dreg:$0x2] =	wrdreg s2  }
0x27: {  	[dreg:$0x3] =	wrdreg s25  }
0x28: {  	[dreg:$0x4] =	wrdreg $0x9  }
0x29: {  	_ =	task.clear_ibuf [dreg:s7], $0x5FFFF;
	_ =	strace $0x90000046  }
0x2a: {  	s29 =	simm.s32 $0x9;
	_ =	strace $0x80000048  }
0x2b: {  	_ =	swait.ge [sflag:s29], $0x1  }
0x2c: {  	[sflag:s29] =	ssyncadd.s32 $0xFFFFFFFF  }
0x2d: {  	_ =	strace $0x90000048  }
0x2e: {  	_ =	sfence  }
0x2f: {  	s30 =	sld [smem:$0x0];
	_ =	sdelay $0x2  }
0x30: {  	s31 =	sshll.u32 s1, $0xD;
	s1 =	sshrl.u32 s1, $0x2  }
0x31: {  	s3 =	sand.u32 $0x4000, s31;
	s1 =	sadd.s32 s1, s30  }
0x32: {  	s0 =	sor.u32 s3, s0;
	s1 =	sshll.u32 s1, $0x11  }
0x33: {  	s0 =	sor.u32 s1, s0  }
0x34: {  	s0 =	sadd.s32 $0x8F2B, s0  }
0x35: {  	[sflag:s0] =	ssyncadd.remote.s32 $0x1  }
0x36: {  	_ =	sfence.sel $0xFFFF  }
0x37: {  	[dreg:$0x0] =	wrdreg $0xFFFFFFFF;
	(pc) =	sbr.abs _section_cstart, $3  }
0x38: {  	[dreg:$0x1] =	wrdreg $0xFFFFFFFF  }
0x39: {  	_ =	task.clear_ibuf [dreg:s7], $0x2FFFF;
	_ =	strace $0x9FFFFFFF  }
0x3a: {  	(tm) =	ssettm $0x7FFFFFFF  }
0x3b: {  	_ =	shalt  }
tec
execute0_lowered:
.L_overlay_start_1:
0x0: {  	(tag) =	ssettag $0x1  }
0x1: {  	s0 =	stileid.u32  }
0x2: {  	s1 =	srdreg.scid;
	s7 =	rddreg [dreg:$0x0]  }
0x3: {  	s4 =	rddreg [dreg:$0x1];
	s31 =	simm.s32 $0x2;
	s10 =	simm.s32 $0x0  }
0x4: {  	s14 =	simm.s32 $0x0;
	s15 =	simm.s32 $0x0;
	s11 =	simm.s32 $0x0  }
0x5: {  	s13 =	simm.s32 $0x0;
	s2 =	sand.u32 $0x1, s1;
	s3 =	sshll.u32 s0, $0x7  }
0x6: {  	s1 =	rddreg [dreg:$0x2];
	s30 =	ssub.s32 $0xC300, s3;
	s5 =	ssub.s32 $0x2, s2  }
.Ltmp0:
0x7: {  	s6 =	sshrl.u32 s30, $0xB;
	s8 =	sshrl.u32 s5, $0x1;
	(pc) =	sbr.rel .LBB1_1-.Ltmp0, $4  }
0x8: {  	_ =	strace $0x80000047;
	s6 =	sadd.s32 $0x1, s6;
	s8 =	ssub.s32 s5, s8  }
0x9: {  	s9 =	sshll.u32 s2, $0x4;
	s5 =	simm.s32 $0x1;
	s6 =	smul.u32 s6, s8  }
0xa: {  	s12 =	smov.u32 s3;
	s7 =	sadd.s32 s7, s9;
	[sflag:s5] =	ssyncpa.u1 $0x0  }
0xb: {  	s9 =	simm.s32 $0x0;
	[sflag:s31] =	ssyncpa.u1 $0x0;
	s8 =	sadd.s32 $0x1, s6  }
.LBB1_4:
0xc: {  	s21 =	simm.s32 $0x0  }
.LBB1_8:
0xd: {  	_ =	sdelay $0x3  }
0xe: {  	v6 =	vld [tilespmem:s18+$0xFFFFFFC0];
	[tilespmem:v0+s20+$0x30 ss:$0x1] =	vst.idx.msk @p0 $0xffff, v2  }
0xf: {  	v58 =	vld [tilespmem:s18+$0xFFFFFFD0];
	[tilespmem:v0+s20+$0x40 ss:$0x1] =	vst.idx.msk @p0 $0xffff, v3;
	s21 =	sadd.s32 @p0 $0x80, s21  }
0x10: {  	v59 =	vld [tilespmem:s18+$0xFFFFFFE0];
	[tilespmem:v0+s20+$0x50 ss:$0x1] =	vst.idx.msk @p0 $0xffff, v5;
	s19 =	smov.u32 @p0 s21  }
0x11: {  	v60 =	vld [tilespmem:s18+$0xFFFFFFF0];
	[tilespmem:v0+s20+$0x60 ss:$0x1] =	vst.idx.msk @p0 $0xffff, v4;
	s19 =	sand.u32 $0x3F80, s19  }
0x12: {  	v61 =	vld [tilespmem:s18+$0x0];
	[tilespmem:v0+s19+$0x70 ss:$0x1] =	vst.idx.msk $0xffff, v1  }
0x13: {  	v62 =	vld [tilespmem:s18+$0x10];
	[tilespmem:v0+s19+$0x0 ss:$0x1] =	vst.idx.msk $0xffff, v6  }
0x14: {  	v63 =	vld [tilespmem:s18+$0x20];
	[tilespmem:v0+s19+$0x10 ss:$0x1] =	vst.idx.msk $0xffff, v58  }
0x15: {  	[tilespmem:v0+s19+$0x20 ss:$0x1] =	vst.idx.msk $0xffff, v59  }
0x16: {  	[tilespmem:v0+s19+$0x30 ss:$0x1] =	vst.idx.msk $0xffff, v60  }
0x17: {  	[tilespmem:v0+s19+$0x40 ss:$0x1] =	vst.idx.msk $0xffff, v61  }
0x18: {  	[tilespmem:v0+s19+$0x50 ss:$0x1] =	vst.idx.msk $0xffff, v62  }
0x19: {  	[tilespmem:v0+s19+$0x60 ss:$0x1] =	vst.idx.msk $0xffff, v63  }
.LBB1_9:
0x1a: {  	s18 =	sand.u32 $0x1FFFFFF, s11  }
0x1b: {  	s19 =	smulhi.u32 $0x14F8B59, s18;
	_ =	sdelay $0x1  }
0x1c: {  	s19 =	sshrl.u32 s19, $0x8  }
0x1d: {  	s19 =	smul.u32 $0xC350, s19  }
0x1e: {  	s15 =	smul.u32 $0xC3500, s15  }
0x1f: {  	s18 =	ssub.s32 s18, s19  }
0x20: {  	s15 =	sadd.s32 s4, s15;
	s18 =	sshll.u32 s18, $0x4  }
0x21: {  	s15 =	sadd.s32 s18, s15  }
0x22: {  	[hbm4b:s15+s9] =	stream.linear.scatter [tilespmem:s17], [sflag:$0x2], s16, $0x38;
	[tilespmem:$0x10000] =	vst v63  }
.LBB1_10:
0x23: {  	p0 =	slt.u32 s13, $0x2  }
0x24: {  	p1 =	sgt.s32 @!p0 s14, $0xC2D0  }
0x25: {  	s15 =	smov.u32 s14;
	s16 =	sshra.s32 @!p0 s14, $0x1F;
	p1 =	por !p1, p0  }
0x26: {  	s14 =	sand.u32 @!p0 s16, s14;
	s15 =	simm.s32 @p1 $0xC2D0  }
0x27: {  	s14 =	ssub.s32 @!p0 s15, s14  }
0x28: {  	s14 =	sadd.s32 @!p0 $0xFFFF3D30, s14  }
0x29: {  	s15 =	sshll.u32 @!p0 s14, $0x7  }
0x2a: {  	p1 =	sgt.s32 @!p0 s14, $0x7F;
	s14 =	ssub.s32 @!p0 $0x4000, s15  }
0x2b: {  	s16 =	sadd.s32 $0x800, s12;
	p1 =	por !p1, p0;
	s14 =	sand.u32 @!p0 $0x3FFFFF80, s14  }
0x2c: {  	s14 =	simm.s32 @!p1 $0x0;
	p1 =	sgt.s32 s16, $0xC34F  }
0x2d: {  	s16 =	smov.u32 @p1 s3;
	p1 =	sne.s32 s13, s8  }
.Ltmp1:
0x2e: {  	_ = 	snop;
	(pc) =	sbr.rel @!p1 .LBB1_11-.Ltmp1, $4  }
0x2f: {  	s10 =	sadd.s32 $0x4000, s10;
	s15 =	simm.s32 @!p0 $0x2  }
0x30: {  	_ =	swait.ge @!p0 [sflag:s15], s14;
	s17 =	ssub.s32 @!p0 $0x0, s14;
	s14 =	smov.u32 s11  }
0x31: {  	s13 =	sadd.s32 $0x1, s13;
	s11 =	smov.u32 s12;
	[sflag:s15] =	ssyncset.done @!p0 $0x0  }
0x32: {  	s12 =	smov.u32 s16;
	[sflag:s15] =	ssyncadd.s32 @!p0 s17;
	s15 =	smov.u32 s2  }
.LBB1_1:
0x33: {  	p0 =	sge.u32 s13, s6  }
0x34: {  	p1 =	sgt.s32 @!p0 s12, $0xC2D0  }
0x35: {  	s16 =	smov.u32 s12;
	s17 =	sshra.s32 @!p0 s12, $0x1F;
	p1 =	por !p1, p0  }
0x36: {  	s17 =	sand.u32 @!p0 s17, s12;
	s16 =	simm.s32 @p1 $0xC2D0  }
0x37: {  	s16 =	ssub.s32 @!p0 s16, s17  }
0x38: {  	s31 =	sadd.s32 $0xFFFFFFFF, s13;
	s18 =	sxor.u32 @!p0 $0xFFFFFFFF, s13;
	s16 =	sadd.s32 @!p0 $0xFFFF3D30, s16  }
0x39: {  	s19 =	simm.s32 @!p0 $0x80;
	s20 =	simm.s32 @!p0 $0x100;
	s17 =	sshll.u32 @!p0 s16, $0x7  }
0x3a: {  	p1 =	sgt.s32 @!p0 s16, $0x7F;
	s16 =	ssub.s32 @!p0 $0x4000, s17;
	s17 =	sshll.u32 @!p0 s18, $0xE  }
0x3b: {  	p1 =	por !p1, p0;
	s18 =	sshll.u32 @!p0 s12, $0x5;
	s16 =	sand.u32 @!p0 $0x3FFFFF80, s16  }
0x3c: {  	s17 =	sand.u32 @!p0 $0x4000, s17;
	s18 =	sadd.s32 @!p0 s18, s7;
	s16 =	simm.s32 @!p1 $0x0  }
0x3d: {  	[tilespmem:s17], [sflag:$0x1] =	stream.strided.gather @!p0 [hbm4b:s18+s19], s16, s20, s19, $0x38;
	[tilespmem:$0x10000] =	vst v63  }
0x3e: {  	p0 =	sge.u32 s31, s6  }
.Ltmp2:
0x3f: {  	_ = 	snop;
	(pc) =	sbr.rel @p0 .LBB1_10-.Ltmp2, $1  }
0x40: {  	_ =	sdelay $0x3  }
0x41: {  	p0 =	sgt.s32 s11, $0xC2D0;
	s16 =	smov.u32 s11;
	s17 =	sshra.s32 s11, $0x1F  }
0x42: {  	s16 =	simm.s32 @!p0 $0xC2D0;
	s17 =	sand.u32 s17, s11  }
0x43: {  	s16 =	ssub.s32 s16, s17  }
0x44: {  	s16 =	sadd.s32 $0xFFFF3D30, s16  }
0x45: {  	s30 =	sshll.u32 s16, $0x7  }
0x46: {  	s17 =	ssub.s32 $0x4000, s30  }
0x47: {  	p0 =	sgt.s32 s16, $0x7F;
	s16 =	sand.u32 $0x3FFFFF80, s17;
	s17 =	sadd.s32 $0x80, s11  }
0x48: {  	s16 =	simm.s32 @p0 $0x0;
	p0 =	slt.s32 s17, $0xC350  }
0x49: {  	s17 =	simm.s32 @!p0 $0xC350  }
0x4a: {  	s20 =	ssub.s32 s17, s11  }
0x4b: {  	p0 =	slt.s32 s20, $0x1  }
.Ltmp3:
0x4c: {  	_ = 	snop;
	(pc) =	sbr.rel @p0 .LBB1_9-.Ltmp3, $4  }
0x4d: {  	_ = 	snop  }
0x4e: {  	s19 =	sshll.u32 s13, $0xE;
	_ =	swait.ge [sflag:s5], s16  }
0x4f: {  	s31 =	sand.u32 $0x4000, s19;
	s18 =	ssub.s32 $0x0, s16;
	[sflag:s5] =	ssyncset.done $0x0  }
0x50: {  	s17 =	sor.u32 $0x8000, s31;
	[sflag:s5] =	ssyncadd.s32 s18  }
0x51: {  	p1 =	sne.s32 s20, $0x1  }
.Ltmp4:
0x52: {  	v0 =	vmov s17;
	(pc) =	sbr.rel @!p1 .LBB1_4-.Ltmp4, $4  }
0x53: {  	_ = 	snop  }
0x54: {  	s18 =	sand.u32 $0x4000, s10  }
0x55: {  	s18 =	sor.u32 $0x40, s18  }
0x56: {  	s19 =	simm.s32 $0x0;
	s21 =	sadd.s32 $0xFFFFFFFF, s20;
	p0 =	por $0x0, $0x0;
	v1 =	vld [tilespmem:s18+$0x30]  }
0x57: {  	v4 =	vld [tilespmem:s18+$0xFFFFFFC0]  }
0x58: {  	v6 =	vld [tilespmem:s18+$0xFFFFFFD0]  }
0x59: {  	v7 =	vld [tilespmem:s18+$0xFFFFFFE0];
	p1 =	sne.s32 s21, $0x1  }
.Ltmp5:
0x5a: {  	v2 =	vld [tilespmem:s18+$0xFFFFFFF0];
	s20 =	sand.u32 $0x3F80, s19;
	(pc) =	sbr.rel @!p1 .LBB1_6-.Ltmp5, $4  }
0x5b: {  	v3 =	vld [tilespmem:s18+$0x0];
	[tilespmem:v0+s20+$0x70 ss:$0x1] =	vst.idx.msk $0xffff, v1  }
0x5c: {  	v5 =	vld [tilespmem:s18+$0x10];
	[tilespmem:v0+s20+$0x0 ss:$0x1] =	vst.idx.msk $0xffff, v4  }
0x5d: {  	v4 =	vld [tilespmem:s18+$0x20];
	[tilespmem:v0+s20+$0x10 ss:$0x1] =	vst.idx.msk $0xffff, v6;
	s18 =	sadd.s32 $0x80, s18  }
0x5e: {  	s22 =	sadd.s32 $0xFFFFFFFF, s21;
	p0 =	por $0x1, $0x1;
	s21 =	simm.s32 $0x0;
	[tilespmem:v0+s20+$0x20 ss:$0x1] =	vst.idx.msk $0xffff, v7;
	v1 =	vld [tilespmem:s18+$0x30]  }
.LBB1_7:
0x5f: {  	p1 =	sne.s32 s22, $0x1;
	v6 =	vld [tilespmem:s18+$0xFFFFFFC0];
	[tilespmem:v0+s20+$0x30 ss:$0x1] =	vst.idx.msk $0xffff, v2  }
0x60: {  	v7 =	vld [tilespmem:s18+$0xFFFFFFD0];
	[tilespmem:v0+s20+$0x40 ss:$0x1] =	vst.idx.msk $0xffff, v3  }
0x61: {  	s21 =	sadd.s32 $0x80, s21;
	v8 =	vld [tilespmem:s18+$0xFFFFFFE0];
	[tilespmem:v0+s20+$0x50 ss:$0x1] =	vst.idx.msk $0xffff, v5  }
.Ltmp6:
0x62: {  	v2 =	vld [tilespmem:s18+$0xFFFFFFF0];
	[tilespmem:v0+s20+$0x60 ss:$0x1] =	vst.idx.msk $0xffff, v4;
	s20 =	sand.u32 $0x3F80, s21;
	(pc) =	sbr.rel @p1 .LBB1_7-.Ltmp6, $4  }
0x63: {  	v3 =	vld [tilespmem:s18+$0x0];
	[tilespmem:v0+s20+$0x70 ss:$0x1] =	vst.idx.msk $0xffff, v1  }
0x64: {  	[tilespmem:v0+s20+$0x0 ss:$0x1] =	vst.idx.msk $0xffff, v6;
	v5 =	vld [tilespmem:s18+$0x10]  }
0x65: {  	[tilespmem:v0+s20+$0x10 ss:$0x1] =	vst.idx.msk $0xffff, v7;
	v4 =	vld [tilespmem:s18+$0x20];
	s18 =	sadd.s32 $0x80, s18  }
0x66: {  	s22 =	sadd.s32 $0xFFFFFFFF, s22;
	v1 =	vld [tilespmem:s18+$0x30];
	[tilespmem:v0+s20+$0x20 ss:$0x1] =	vst.idx.msk $0xffff, v8  }
.Ltmp7:
0x67: {  	_ = 	snop;
	(pc) =	sbr.rel .LBB1_8-.Ltmp7, $1  }
0x68: {  	_ =	sdelay $0x3  }
.LBB1_6:
.Ltmp8:
0x69: {  	(pc) =	sbr.rel .LBB1_8-.Ltmp8, $2  }
0x6a: {  	_ =	sdelay $0x2  }
0x6b: {  	s21 =	simm.s32 $0x0  }
.LBB1_11:
0x6c: {  	_ =	sfence.sel $0x180000  }
0x6d: {  	s2 =	simm.s32 $0x1;
	[bflag:$0x0] =	sbarrier.arrive $0xFFFF  }
0x6e: {  	s31 =	simm.s32 $0x2;
	[sflag:s2] =	ssyncpa.u1 $0x1  }
0x6f: {  	[sflag:s31] =	ssyncpa.u1 $0x1  }
0x70: {  	p0 =	sne.s32 s0, $0x0;
	_ =	strace $0x90000047  }
0x71: {  	s0 =	sadd.s32 @!p0 $0x100000, s1;
	[bflag:$0x2] =	sbarrier.arrive $0xFFFF  }
0x72: {  	[sflag:s0] =	ssyncadd.tile.s32 @!p0 $0x1;
	_ =	shalt  }
.Lfunc_end1:
_tile_overlayer_lowered:
.L_overlay_start_2:
0x73: {  	(tag) =	ssettag $0x2  }
0x74: {  	s0 =	rddreg [dreg:$0x0];
	s2 =	stileid.u32  }
0x75: {  	s1 =	rddreg [dreg:$0x1];
	p0 =	sne.s32 s2, $0x0  }
0x76: {  	s3 =	rddreg [dreg:$0x2];
	[bflag:$0x3] =	sbarrier.arrive $0xFFFF;
	s2 =	simm.s32 @!p0 $0x1C01  }
0x77: {  	[timem:s3], [sflag:s2] =	dma.local @!p0 [hbm:s0], s1  }
0x78: {  	s0 =	simm.s32 @!p0 $0x1  }
0x79: {  	_ =	swait.ge @!p0 [sflag:s0], s1  }
0x7a: {  	s1 =	ssub.s32 @!p0 $0x0, s1;
	[sflag:s0] =	ssyncset.done @!p0 $0x0  }
0x7b: {  	[sflag:s0] =	ssyncadd.s32 @!p0 s1  }
0x7c: {  	[bflag:$0x3] =	sbarrier.arrive $0xFFFF  }
0x7d: {  	_ =	shalt  }

</sc_bundles>
